<compile_context>
chip_gen: v7x
topology: tpu7x:2x2x1
jax: 0.10.2.dev20260603
libtpu: 0.0.44.dev20260713+nightly
codegen_flags: <defaults>
</compile_context>

<pallas_src>
import functools

import jax
import jax.numpy as jnp
from jax import lax
from jax.experimental import pallas as pl
from jax.experimental.pallas import tpu as pltpu, tpu_sc as plsc

_NS = 16
_L = 16
_G = 65536
_P = _G // 4
_NB = 16
_TAIL0 = 999424
_NFULL_LAST = _TAIL0 // _P - 4 * (_NB - 1)
_CLAMP = _TAIL0 // _P - 1
_WR = _NB * _P


def _transpose_in(memT, tailT):
  def body(x0, x1, x2, x3, t_ref, o_ref):
    i = pl.program_id(0)
    xs = (x0, x1, x2, x3)

    @pl.when(i < _NB - 1)
    def _():
      xcat = jnp.concatenate([x[...] for x in xs], axis=0)
      o_ref[...] = xcat.T

    @pl.when(i == _NB - 1)
    def _():
      pieces = [xs[u][...] if u < _NFULL_LAST else t_ref[...]
                for u in range(4)]
      o_ref[...] = jnp.concatenate(pieces, axis=0).T

  in_spec = [
      pl.BlockSpec((32, _P),
                   (lambda i, u=u: (0, jnp.minimum(4 * i + u, _CLAMP))))
      for u in range(4)
  ]
  return pl.pallas_call(
      body,
      out_shape=jax.ShapeDtypeStruct((_WR, 128), memT.dtype),
      grid=(_NB,),
      in_specs=in_spec + [pl.BlockSpec((32, _P), lambda i: (0, 0))],
      out_specs=pl.BlockSpec((_P, 128), lambda i: (i, 0)),
  )(memT, memT, memT, memT, tailT)


def _transpose_out(rm, M):
  def body(x_ref, o_ref):
    xt = x_ref[...].T
    for u in range(4):
      o_ref[:, _P * u:_P * u + _P] = xt[32 * u:32 * u + 32, :]

  return pl.pallas_call(
      body,
      out_shape=jax.ShapeDtypeStruct((32, M), rm.dtype),
      grid=(_NB,),
      in_specs=[pl.BlockSpec((_P, 128), lambda i: (i, 0))],
      out_specs=pl.BlockSpec((32, _G), lambda i: (0, i)),
  )(rm)


def _make_winner(M, B, D):
  rows_per_tile = 128 // _NS
  row_w = B // 128
  chunk = rows_per_tile * row_w

  mesh = plsc.VectorSubcoreMesh(core_axis_name="c", subcore_axis_name="s")

  @functools.partial(
      pl.kernel,
      out_type=jax.ShapeDtypeStruct((B, D), jnp.float32),
      mesh=mesh,
      compiler_params=pltpu.CompilerParams(
          needs_layout_passes=False, use_tc_tiling_on_sc=False),
      scratch_types=[
          pltpu.VMEM_SHARED((M + 512,), jnp.int32),
          pltpu.VMEM_SHARED((_NS, _L), jnp.int32),
          pltpu.VMEM((rows_per_tile, row_w), jnp.int32),
          pltpu.VMEM((rows_per_tile, row_w), jnp.int32),
          pltpu.VMEM((rows_per_tile, row_w), jnp.int32),
          pltpu.VMEM((rows_per_tile, row_w), jnp.int32),
          pltpu.VMEM((chunk, D), jnp.float32),
          pltpu.VMEM((_L,), jnp.int32),
          pltpu.VMEM((_NS, _L), jnp.int32),
          pltpu.SemaphoreType.DMA,
      ],
  )
  def winner(val_hbm, idx_hbm, iota_hbm, rows_hbm,
             stamp, counts_sh, idxc, ivals, got, scat, rows, cvec, cbuf, sem):
    c = lax.axis_index("c")
    s = lax.axis_index("s")
    t0 = s * rows_per_tile
    lanes = lax.iota(jnp.int32, _L)
    dump = M + s * _L + lanes

    pltpu.sync_copy(idx_hbm.at[pl.ds(t0, rows_per_tile)], idxc)
    pltpu.sync_copy(iota_hbm.at[pl.ds(t0, rows_per_tile)], ivals)

    def scatter_round(src_idx):
      for j in range(rows_per_tile):
        pltpu.sync_copy(ivals.at[j], stamp.at[src_idx.at[j]])

    def gather_round():
      for j in range(rows_per_tile):
        pltpu.sync_copy(stamp.at[idxc.at[j]], got.at[j])

    def recompute_active():
      def grp(g, cnt):
        j = g // (row_w // _L)
        cpos = (g % (row_w // _L)) * _L
        iv = ivals[j, pl.ds(cpos, _L)]
        gv = got[j, pl.ds(cpos, _L)]
        xv = idxc[j, pl.ds(cpos, _L)]
        act = iv > gv
        scat[j, pl.ds(cpos, _L)] = jnp.where(act, xv, dump)
        ones = jnp.where(act, jnp.int32(1), jnp.int32(0))
        return cnt + jnp.sum(ones)
      return lax.fori_loop(0, chunk // _L, grp, jnp.int32(0))

    def exchange_counts(cnt):
      cvec[...] = jnp.full((_L,), cnt, jnp.int32)
      pltpu.sync_copy(cvec, counts_sh.at[s])
      plsc.subcore_barrier()
      pltpu.sync_copy(counts_sh, cbuf)
      acc = lax.fori_loop(
          0, _NS, lambda r, a: a + cbuf[r, :], jnp.zeros((_L,), jnp.int32))
      return jnp.sum(acc)

    scatter_round(idxc)
    plsc.subcore_barrier()
    gather_round()
    total = exchange_counts(recompute_active())

    def body(total):
      scatter_round(scat)
      plsc.subcore_barrier()
      gather_round()
      return exchange_counts(recompute_active())

    lax.while_loop(lambda t: t > 0, body, total)

    gets = [
        pltpu.async_copy(val_hbm.at[got.at[j]],
                         rows.at[pl.ds(j * row_w, row_w)], sem)
        for j in range(rows_per_tile)
    ]
    for g in gets:
      g.wait()

    @pl.when(c == 0)
    def _():
      pltpu.sync_copy(rows, rows_hbm.at[pl.ds(s * chunk, chunk)])

  return winner


def _make_apply(M, B, D):
  n_w = 2 * _NS
  rows_per_w = 128 // n_w
  row_w = B // 128
  chunk = rows_per_w * row_w

  mesh = plsc.VectorSubcoreMesh(core_axis_name="c", subcore_axis_name="s")

  @functools.partial(
      pl.kernel,
      out_type=(),
      mesh=mesh,
      compiler_params=pltpu.CompilerParams(
          needs_layout_passes=False, use_tc_tiling_on_sc=False),
      scratch_types=[
          pltpu.VMEM((rows_per_w, row_w), jnp.int32),
          pltpu.VMEM((rows_per_w, row_w), jnp.int32),
          pltpu.VMEM((chunk, D), jnp.float32),
          pltpu.SemaphoreType.DMA,
      ],
  )
  def apply(rows_hbm, idx_hbm, out_hbm, idxc, q_idx, rows, sem):
    c = lax.axis_index("c")
    s = lax.axis_index("s")
    wid = s * 2 + c
    t0 = wid * rows_per_w

    pltpu.sync_copy(idx_hbm.at[pl.ds(t0, rows_per_w)], idxc)
    pltpu.sync_copy(rows_hbm.at[pl.ds(wid * chunk, chunk)], rows)

    def grp(g, _):
      j = g // (row_w // _L)
      cpos = (g % (row_w // _L)) * _L
      r = idxc[j, pl.ds(cpos, _L)]
      rg = r % _G
      q = 4 * (_P * (r // _G) + r % _P) + rg // _P
      q_idx[j, pl.ds(cpos, _L)] = q
      return 0
    lax.fori_loop(0, chunk // _L, grp, 0)

    puts = [
        pltpu.async_copy(rows.at[pl.ds(j * row_w, row_w)],
                         out_hbm.at[q_idx.at[j]], sem)
        for j in range(rows_per_w)
    ]
    for p in puts:
      p.wait()

  return apply


def kernel(mem, val, idx):
  M, D = mem.shape
  B = val.shape[0]

  idx2d = idx.reshape(128, B // 128)
  biota = jnp.arange(B, dtype=jnp.int32).reshape(128, B // 128)

  rows = _make_winner(M, B, D)(val, idx2d, biota)

  memT = mem.T
  tailT = jnp.pad(memT[:, _TAIL0:], ((0, 0), (0, _P - (M - _TAIL0))))
  rm = _transpose_in(memT, tailT)

  out_ref = jax.new_ref(rm.reshape(_WR * 4, D))
  _make_apply(M, B, D)(rows, idx2d, out_ref)

  outP = _transpose_out(out_ref[...].reshape(_WR, 128), M)
  return outP.T

# --- scband reference (transcript-rebuilt; emitter-appended) ---
"""Pipeline reference for scband-generic-net-34041910788615 (READ-ONLY COPY).

The authoritative reference and input builder live on the scoring server;
editing this copy changes nothing except your own understanding.
"""

import jax, jax.numpy as jnp
import numpy as np

M = 1000000
D = 32
B = 16384

def setup_inputs(seed: int = 0) -> dict:
    key = jax.random.key(seed)
    k1, k2, k3 = jax.random.split(key, 3)
    mem = jax.random.normal(k1, (M, D), dtype=jnp.float32)
    val = jax.random.normal(k2, (B, D), dtype=jnp.float32)
    idx = jax.random.randint(k3, (B,), 0, M, dtype=jnp.int32)
    return {"mem": mem, "val": val, "idx": idx}

def reference(mem, val, idx):
    # Faithful JAX translation of the module's core scatter pattern
    # (GenericNet.tensorise_batch / create_legal_move_mask): rows of a large
    # pre-allocated memory tensor are overwritten at sparse integer indices,
    # i.e. moves_tens[batch_indices, ...] = all_probs / index_fill_.
    # Scatter-overwrite of val rows into mem at row positions idx.
    out = mem.at[idx].set(val)
    return out

if __name__ == "__main__":
    import jax
    _d = setup_inputs()
    print(jax.jit(kernel)(*tuple(_d.values())))

</pallas_src>

<mosaic_0001>
#map = affine_map<(d0, d1) -> (0, 0)>
module attributes {stable_mosaic.version = 14 : i64} {
  func.func @winner(%arg0: i32, %arg1: i32, %arg2: memref<16384x32xf32, #tpu.memory_space<hbm>>, %arg3: memref<128x128xi32, #tpu.memory_space<hbm>>, %arg4: memref<128x128xi32, #tpu.memory_space<hbm>>, %arg5: memref<16384x32xf32, #tpu.memory_space<hbm>>, %arg6: memref<1000512xi32, #tpu.memory_space<vmem_shared>>, %arg7: memref<16x16xi32, #tpu.memory_space<vmem_shared>>, %arg8: memref<8x128xi32, #tpu.memory_space<vmem>>, %arg9: memref<8x128xi32, #tpu.memory_space<vmem>>, %arg10: memref<8x128xi32, #tpu.memory_space<vmem>>, %arg11: memref<8x128xi32, #tpu.memory_space<vmem>>, %arg12: memref<1024x32xf32, #tpu.memory_space<vmem>>, %arg13: memref<16xi32, #tpu.memory_space<vmem>>, %arg14: memref<16x16xi32, #tpu.memory_space<vmem>>, %arg15: memref<!tpu.dma_semaphore, #tpu.memory_space<semaphore_mem>>) attributes {dimension_semantics = [#tpu.dimension_semantics<core_parallel>, #tpu.dimension_semantics<subcore_parallel>], iteration_bounds = array<i64: 2, 16>, scalar_prefetch = 0 : i64, scratch_operands = 10 : i64, tpu.core_type = #tpu.core_type<sc_vector_subcore>, window_params = [{transform_indices = #map}, {transform_indices = #map}, {transform_indices = #map}, {transform_indices = #map}]} {
    %mul3A = arith.constant 8 : i32
    %mul3A_0 = arith.muli %arg1, %mul3A : i32
    %iota3A = tpu.iota {dimensions = array<i32: 0>} : vector<16xi32>
    %mul3A_1 = arith.constant 16 : i32
    %mul3A_2 = arith.muli %arg1, %mul3A_1 : i32
    %add3A = arith.constant 1000000 : i32
    %add3A_3 = arith.addi %add3A, %mul3A_2 : i32
    %add3A_4 = vector.broadcast %add3A_3 : i32 to vector<16xi32>
    %add3A_5 = arith.addi %add3A_4, %iota3A : vector<16xi32>
    "tpu.region"() ({
      %run_scoped3A_216 = tpu.sem_alloc : memref<!tpu.dma_semaphore, #tpu.memory_space<semaphore_mem>>
      %dma_start3A_217 = arith.constant 0 : i32
      %dma_start3A_218 = tpu.memref_slice %arg3[%mul3A_0, %dma_start3A_217] : memref<128x128xi32, #tpu.memory_space<hbm>> -> memref<8x128xi32, #tpu.memory_space<hbm>>
      %dma_start3A_219 = arith.constant 0 : i32
      %dma_start3A_220 = tpu.memref_slice %arg3[%mul3A_0, %dma_start3A_219] : memref<128x128xi32, #tpu.memory_space<hbm>> -> memref<8x128xi32, #tpu.memory_space<hbm>>
      tpu.enqueue_dma source(%dma_start3A_220 : memref<8x128xi32, #tpu.memory_space<hbm>>) target(%arg8 : memref<8x128xi32, #tpu.memory_space<vmem>>) target_semaphore(%run_scoped3A_216 : memref<!tpu.dma_semaphore, #tpu.memory_space<semaphore_mem>>)
      %dma_wait3A_221 = arith.constant 0 : i32
      %dma_wait3A_222 = tpu.memref_slice %arg3[%mul3A_0, %dma_wait3A_221] : memref<128x128xi32, #tpu.memory_space<hbm>> -> memref<8x128xi32, #tpu.memory_space<hbm>>
      %dma_wait3A_223 = arith.constant 0 : i32
      %dma_wait3A_224 = tpu.memref_slice %arg3[%mul3A_0, %dma_wait3A_223] : memref<128x128xi32, #tpu.memory_space<hbm>> -> memref<8x128xi32, #tpu.memory_space<hbm>>
      tpu.wait_dma2 semaphore(%run_scoped3A_216 : memref<!tpu.dma_semaphore, #tpu.memory_space<semaphore_mem>>) src(%dma_wait3A_224 : memref<8x128xi32, #tpu.memory_space<hbm>>) dst(%arg8 : memref<8x128xi32, #tpu.memory_space<vmem>>)
      tpu.yield
    }) : () -> ()
    "tpu.region"() ({
      %run_scoped3A_216 = tpu.sem_alloc : memref<!tpu.dma_semaphore, #tpu.memory_space<semaphore_mem>>
      %dma_start3A_217 = arith.constant 0 : i32
      %dma_start3A_218 = tpu.memref_slice %arg4[%mul3A_0, %dma_start3A_217] : memref<128x128xi32, #tpu.memory_space<hbm>> -> memref<8x128xi32, #tpu.memory_space<hbm>>
      %dma_start3A_219 = arith.constant 0 : i32
      %dma_start3A_220 = tpu.memref_slice %arg4[%mul3A_0, %dma_start3A_219] : memref<128x128xi32, #tpu.memory_space<hbm>> -> memref<8x128xi32, #tpu.memory_space<hbm>>
      tpu.enqueue_dma source(%dma_start3A_220 : memref<8x128xi32, #tpu.memory_space<hbm>>) target(%arg9 : memref<8x128xi32, #tpu.memory_space<vmem>>) target_semaphore(%run_scoped3A_216 : memref<!tpu.dma_semaphore, #tpu.memory_space<semaphore_mem>>)
      %dma_wait3A_221 = arith.constant 0 : i32
      %dma_wait3A_222 = tpu.memref_slice %arg4[%mul3A_0, %dma_wait3A_221] : memref<128x128xi32, #tpu.memory_space<hbm>> -> memref<8x128xi32, #tpu.memory_space<hbm>>
      %dma_wait3A_223 = arith.constant 0 : i32
      %dma_wait3A_224 = tpu.memref_slice %arg4[%mul3A_0, %dma_wait3A_223] : memref<128x128xi32, #tpu.memory_space<hbm>> -> memref<8x128xi32, #tpu.memory_space<hbm>>
      tpu.wait_dma2 semaphore(%run_scoped3A_216 : memref<!tpu.dma_semaphore, #tpu.memory_space<semaphore_mem>>) src(%dma_wait3A_224 : memref<8x128xi32, #tpu.memory_space<hbm>>) dst(%arg9 : memref<8x128xi32, #tpu.memory_space<vmem>>)
      tpu.yield
    }) : () -> ()
    %run_scoped3A = arith.constant 0 : i32
    %run_scoped3A_6 = arith.constant 0 : i32
    "tpu.region"() ({
      %run_scoped3A_216 = tpu.sem_alloc : memref<!tpu.dma_semaphore, #tpu.memory_space<semaphore_mem>>
      %dma_start3A_217 = arith.constant 0 : i32
      %dma_start3A_218 = tpu.memref_slice %arg9[%run_scoped3A, %dma_start3A_217] : memref<8x128xi32, #tpu.memory_space<vmem>> -> memref<1x128xi32, #tpu.memory_space<vmem>>
      %dma_start3A_219 = tpu.memref_squeeze %dma_start3A_218 : memref<1x128xi32, #tpu.memory_space<vmem>> -> memref<128xi32, #tpu.memory_space<vmem>>
      %dma_start3A_220 = arith.constant 0 : i32
      %dma_start3A_221 = tpu.memref_slice %arg8[%run_scoped3A_6, %dma_start3A_220] : memref<8x128xi32, #tpu.memory_space<vmem>> -> memref<1x128xi32, #tpu.memory_space<vmem>>
      %dma_start3A_222 = tpu.memref_squeeze %dma_start3A_221 : memref<1x128xi32, #tpu.memory_space<vmem>> -> memref<128xi32, #tpu.memory_space<vmem>>
      %dma_start3A_223 = arith.constant 0 : i32
      %dma_start3A_224 = tpu.memref_slice %arg6[%dma_start3A_223] : memref<1000512xi32, #tpu.memory_space<vmem_shared>> -> memref<1000512xi32, #tpu.memory_space<vmem_shared>>
      tpu.enqueue_indirect_dma source(%dma_start3A_219 : memref<128xi32, #tpu.memory_space<vmem>>) target(%dma_start3A_224 : memref<1000512xi32, #tpu.memory_space<vmem_shared>>) offsets(%dma_start3A_222 : memref<128xi32, #tpu.memory_space<vmem>>) semaphore(%run_scoped3A_216 : memref<!tpu.dma_semaphore, #tpu.memory_space<semaphore_mem>>)
      %dma_wait3A_225 = arith.constant 0 : i32
      %dma_wait3A_226 = tpu.memref_slice %arg9[%run_scoped3A, %dma_wait3A_225] : memref<8x128xi32, #tpu.memory_space<vmem>> -> memref<1x128xi32, #tpu.memory_space<vmem>>
      %dma_wait3A_227 = tpu.memref_squeeze %dma_wait3A_226 : memref<1x128xi32, #tpu.memory_space<vmem>> -> memref<128xi32, #tpu.memory_space<vmem>>
      %dma_wait3A_228 = arith.constant 0 : i32
      %dma_wait3A_229 = tpu.memref_slice %arg8[%run_scoped3A_6, %dma_wait3A_228] : memref<8x128xi32, #tpu.memory_space<vmem>> -> memref<1x128xi32, #tpu.memory_space<vmem>>
      %dma_wait3A_230 = tpu.memref_squeeze %dma_wait3A_229 : memref<1x128xi32, #tpu.memory_space<vmem>> -> memref<128xi32, #tpu.memory_space<vmem>>
      %dma_wait3A_231 = arith.constant 0 : i32
      %dma_wait3A_232 = tpu.memref_slice %arg6[%dma_wait3A_231] : memref<1000512xi32, #tpu.memory_space<vmem_shared>> -> memref<1000512xi32, #tpu.memory_space<vmem_shared>>
      tpu.wait_indirect_dma semaphore(%run_scoped3A_216 : memref<!tpu.dma_semaphore, #tpu.memory_space<semaphore_mem>>) src(%dma_wait3A_227 : memref<128xi32, #tpu.memory_space<vmem>>) dst(%dma_wait3A_232 : memref<1000512xi32, #tpu.memory_space<vmem_shared>>)
      tpu.yield
    }) : () -> ()
    %run_scoped3A_7 = arith.constant 1 : i32
    %run_scoped3A_8 = arith.constant 1 : i32
    "tpu.region"() ({
      %run_scoped3A_216 = tpu.sem_alloc : memref<!tpu.dma_semaphore, #tpu.memory_space<semaphore_mem>>
      %dma_start3A_217 = arith.constant 0 : i32
      %dma_start3A_218 = tpu.memref_slice %arg9[%run_scoped3A_7, %dma_start3A_217] : memref<8x128xi32, #tpu.memory_space<vmem>> -> memref<1x128xi32, #tpu.memory_space<vmem>>
      %dma_start3A_219 = tpu.memref_squeeze %dma_start3A_218 : memref<1x128xi32, #tpu.memory_space<vmem>> -> memref<128xi32, #tpu.memory_space<vmem>>
      %dma_start3A_220 = arith.constant 0 : i32
      %dma_start3A_221 = tpu.memref_slice %arg8[%run_scoped3A_8, %dma_start3A_220] : memref<8x128xi32, #tpu.memory_space<vmem>> -> memref<1x128xi32, #tpu.memory_space<vmem>>
      %dma_start3A_222 = tpu.memref_squeeze %dma_start3A_221 : memref<1x128xi32, #tpu.memory_space<vmem>> -> memref<128xi32, #tpu.memory_space<vmem>>
      %dma_start3A_223 = arith.constant 0 : i32
      %dma_start3A_224 = tpu.memref_slice %arg6[%dma_start3A_223] : memref<1000512xi32, #tpu.memory_space<vmem_shared>> -> memref<1000512xi32, #tpu.memory_space<vmem_shared>>
      tpu.enqueue_indirect_dma source(%dma_start3A_219 : memref<128xi32, #tpu.memory_space<vmem>>) target(%dma_start3A_224 : memref<1000512xi32, #tpu.memory_space<vmem_shared>>) offsets(%dma_start3A_222 : memref<128xi32, #tpu.memory_space<vmem>>) semaphore(%run_scoped3A_216 : memref<!tpu.dma_semaphore, #tpu.memory_space<semaphore_mem>>)
      %dma_wait3A_225 = arith.constant 0 : i32
      %dma_wait3A_226 = tpu.memref_slice %arg9[%run_scoped3A_7, %dma_wait3A_225] : memref<8x128xi32, #tpu.memory_space<vmem>> -> memref<1x128xi32, #tpu.memory_space<vmem>>
      %dma_wait3A_227 = tpu.memref_squeeze %dma_wait3A_226 : memref<1x128xi32, #tpu.memory_space<vmem>> -> memref<128xi32, #tpu.memory_space<vmem>>
      %dma_wait3A_228 = arith.constant 0 : i32
      %dma_wait3A_229 = tpu.memref_slice %arg8[%run_scoped3A_8, %dma_wait3A_228] : memref<8x128xi32, #tpu.memory_space<vmem>> -> memref<1x128xi32, #tpu.memory_space<vmem>>
      %dma_wait3A_230 = tpu.memref_squeeze %dma_wait3A_229 : memref<1x128xi32, #tpu.memory_space<vmem>> -> memref<128xi32, #tpu.memory_space<vmem>>
      %dma_wait3A_231 = arith.constant 0 : i32
      %dma_wait3A_232 = tpu.memref_slice %arg6[%dma_wait3A_231] : memref<1000512xi32, #tpu.memory_space<vmem_shared>> -> memref<1000512xi32, #tpu.memory_space<vmem_shared>>
      tpu.wait_indirect_dma semaphore(%run_scoped3A_216 : memref<!tpu.dma_semaphore, #tpu.memory_space<semaphore_mem>>) src(%dma_wait3A_227 : memref<128xi32, #tpu.memory_space<vmem>>) dst(%dma_wait3A_232 : memref<1000512xi32, #tpu.memory_space<vmem_shared>>)
      tpu.yield
    }) : () -> ()
    %run_scoped3A_9 = arith.constant 2 : i32
    %run_scoped3A_10 = arith.constant 2 : i32
    "tpu.region"() ({
      %run_scoped3A_216 = tpu.sem_alloc : memref<!tpu.dma_semaphore, #tpu.memory_space<semaphore_mem>>
      %dma_start3A_217 = arith.constant 0 : i32
      %dma_start3A_218 = tpu.memref_slice %arg9[%run_scoped3A_9, %dma_start3A_217] : memref<8x128xi32, #tpu.memory_space<vmem>> -> memref<1x128xi32, #tpu.memory_space<vmem>>
      %dma_start3A_219 = tpu.memref_squeeze %dma_start3A_218 : memref<1x128xi32, #tpu.memory_space<vmem>> -> memref<128xi32, #tpu.memory_space<vmem>>
      %dma_start3A_220 = arith.constant 0 : i32
      %dma_start3A_221 = tpu.memref_slice %arg8[%run_scoped3A_10, %dma_start3A_220] : memref<8x128xi32, #tpu.memory_space<vmem>> -> memref<1x128xi32, #tpu.memory_space<vmem>>
      %dma_start3A_222 = tpu.memref_squeeze %dma_start3A_221 : memref<1x128xi32, #tpu.memory_space<vmem>> -> memref<128xi32, #tpu.memory_space<vmem>>
      %dma_start3A_223 = arith.constant 0 : i32
      %dma_start3A_224 = tpu.memref_slice %arg6[%dma_start3A_223] : memref<1000512xi32, #tpu.memory_space<vmem_shared>> -> memref<1000512xi32, #tpu.memory_space<vmem_shared>>
      tpu.enqueue_indirect_dma source(%dma_start3A_219 : memref<128xi32, #tpu.memory_space<vmem>>) target(%dma_start3A_224 : memref<1000512xi32, #tpu.memory_space<vmem_shared>>) offsets(%dma_start3A_222 : memref<128xi32, #tpu.memory_space<vmem>>) semaphore(%run_scoped3A_216 : memref<!tpu.dma_semaphore, #tpu.memory_space<semaphore_mem>>)
      %dma_wait3A_225 = arith.constant 0 : i32
      %dma_wait3A_226 = tpu.memref_slice %arg9[%run_scoped3A_9, %dma_wait3A_225] : memref<8x128xi32, #tpu.memory_space<vmem>> -> memref<1x128xi32, #tpu.memory_space<vmem>>
      %dma_wait3A_227 = tpu.memref_squeeze %dma_wait3A_226 : memref<1x128xi32, #tpu.memory_space<vmem>> -> memref<128xi32, #tpu.memory_space<vmem>>
      %dma_wait3A_228 = arith.constant 0 : i32
      %dma_wait3A_229 = tpu.memref_slice %arg8[%run_scoped3A_10, %dma_wait3A_228] : memref<8x128xi32, #tpu.memory_space<vmem>> -> memref<1x128xi32, #tpu.memory_space<vmem>>
      %dma_wait3A_230 = tpu.memref_squeeze %dma_wait3A_229 : memref<1x128xi32, #tpu.memory_space<vmem>> -> memref<128xi32, #tpu.memory_space<vmem>>
      %dma_wait3A_231 = arith.constant 0 : i32
      %dma_wait3A_232 = tpu.memref_slice %arg6[%dma_wait3A_231] : memref<1000512xi32, #tpu.memory_space<vmem_shared>> -> memref<1000512xi32, #tpu.memory_space<vmem_shared>>
      tpu.wait_indirect_dma semaphore(%run_scoped3A_216 : memref<!tpu.dma_semaphore, #tpu.memory_space<semaphore_mem>>) src(%dma_wait3A_227 : memref<128xi32, #tpu.memory_space<vmem>>) dst(%dma_wait3A_232 : memref<1000512xi32, #tpu.memory_space<vmem_shared>>)
      tpu.yield
    }) : () -> ()
    %run_scoped3A_11 = arith.constant 3 : i32
    %run_scoped3A_12 = arith.constant 3 : i32
    "tpu.region"() ({
      %run_scoped3A_216 = tpu.sem_alloc : memref<!tpu.dma_semaphore, #tpu.memory_space<semaphore_mem>>
      %dma_start3A_217 = arith.constant 0 : i32
      %dma_start3A_218 = tpu.memref_slice %arg9[%run_scoped3A_11, %dma_start3A_217] : memref<8x128xi32, #tpu.memory_space<vmem>> -> memref<1x128xi32, #tpu.memory_space<vmem>>
      %dma_start3A_219 = tpu.memref_squeeze %dma_start3A_218 : memref<1x128xi32, #tpu.memory_space<vmem>> -> memref<128xi32, #tpu.memory_space<vmem>>
      %dma_start3A_220 = arith.constant 0 : i32
      %dma_start3A_221 = tpu.memref_slice %arg8[%run_scoped3A_12, %dma_start3A_220] : memref<8x128xi32, #tpu.memory_space<vmem>> -> memref<1x128xi32, #tpu.memory_space<vmem>>
      %dma_start3A_222 = tpu.memref_squeeze %dma_start3A_221 : memref<1x128xi32, #tpu.memory_space<vmem>> -> memref<128xi32, #tpu.memory_space<vmem>>
      %dma_start3A_223 = arith.constant 0 : i32
      %dma_start3A_224 = tpu.memref_slice %arg6[%dma_start3A_223] : memref<1000512xi32, #tpu.memory_space<vmem_shared>> -> memref<1000512xi32, #tpu.memory_space<vmem_shared>>
      tpu.enqueue_indirect_dma source(%dma_start3A_219 : memref<128xi32, #tpu.memory_space<vmem>>) target(%dma_start3A_224 : memref<1000512xi32, #tpu.memory_space<vmem_shared>>) offsets(%dma_start3A_222 : memref<128xi32, #tpu.memory_space<vmem>>) semaphore(%run_scoped3A_216 : memref<!tpu.dma_semaphore, #tpu.memory_space<semaphore_mem>>)
      %dma_wait3A_225 = arith.constant 0 : i32
      %dma_wait3A_226 = tpu.memref_slice %arg9[%run_scoped3A_11, %dma_wait3A_225] : memref<8x128xi32, #tpu.memory_space<vmem>> -> memref<1x128xi32, #tpu.memory_space<vmem>>
      %dma_wait3A_227 = tpu.memref_squeeze %dma_wait3A_226 : memref<1x128xi32, #tpu.memory_space<vmem>> -> memref<128xi32, #tpu.memory_space<vmem>>
      %dma_wait3A_228 = arith.constant 0 : i32
      %dma_wait3A_229 = tpu.memref_slice %arg8[%run_scoped3A_12, %dma_wait3A_228] : memref<8x128xi32, #tpu.memory_space<vmem>> -> memref<1x128xi32, #tpu.memory_space<vmem>>
      %dma_wait3A_230 = tpu.memref_squeeze %dma_wait3A_229 : memref<1x128xi32, #tpu.memory_space<vmem>> -> memref<128xi32, #tpu.memory_space<vmem>>
      %dma_wait3A_231 = arith.constant 0 : i32
      %dma_wait3A_232 = tpu.memref_slice %arg6[%dma_wait3A_231] : memref<1000512xi32, #tpu.memory_space<vmem_shared>> -> memref<1000512xi32, #tpu.memory_space<vmem_shared>>
      tpu.wait_indirect_dma semaphore(%run_scoped3A_216 : memref<!tpu.dma_semaphore, #tpu.memory_space<semaphore_mem>>) src(%dma_wait3A_227 : memref<128xi32, #tpu.memory_space<vmem>>) dst(%dma_wait3A_232 : memref<1000512xi32, #tpu.memory_space<vmem_shared>>)
      tpu.yield
    }) : () -> ()
    %run_scoped3A_13 = arith.constant 4 : i32
    %run_scoped3A_14 = arith.constant 4 : i32
    "tpu.region"() ({
      %run_scoped3A_216 = tpu.sem_alloc : memref<!tpu.dma_semaphore, #tpu.memory_space<semaphore_mem>>
      %dma_start3A_217 = arith.constant 0 : i32
      %dma_start3A_218 = tpu.memref_slice %arg9[%run_scoped3A_13, %dma_start3A_217] : memref<8x128xi32, #tpu.memory_space<vmem>> -> memref<1x128xi32, #tpu.memory_space<vmem>>
      %dma_start3A_219 = tpu.memref_squeeze %dma_start3A_218 : memref<1x128xi32, #tpu.memory_space<vmem>> -> memref<128xi32, #tpu.memory_space<vmem>>
      %dma_start3A_220 = arith.constant 0 : i32
      %dma_start3A_221 = tpu.memref_slice %arg8[%run_scoped3A_14, %dma_start3A_220] : memref<8x128xi32, #tpu.memory_space<vmem>> -> memref<1x128xi32, #tpu.memory_space<vmem>>
      %dma_start3A_222 = tpu.memref_squeeze %dma_start3A_221 : memref<1x128xi32, #tpu.memory_space<vmem>> -> memref<128xi32, #tpu.memory_space<vmem>>
      %dma_start3A_223 = arith.constant 0 : i32
      %dma_start3A_224 = tpu.memref_slice %arg6[%dma_start3A_223] : memref<1000512xi32, #tpu.memory_space<vmem_shared>> -> memref<1000512xi32, #tpu.memory_space<vmem_shared>>
      tpu.enqueue_indirect_dma source(%dma_start3A_219 : memref<128xi32, #tpu.memory_space<vmem>>) target(%dma_start3A_224 : memref<1000512xi32, #tpu.memory_space<vmem_shared>>) offsets(%dma_start3A_222 : memref<128xi32, #tpu.memory_space<vmem>>) semaphore(%run_scoped3A_216 : memref<!tpu.dma_semaphore, #tpu.memory_space<semaphore_mem>>)
      %dma_wait3A_225 = arith.constant 0 : i32
      %dma_wait3A_226 = tpu.memref_slice %arg9[%run_scoped3A_13, %dma_wait3A_225] : memref<8x128xi32, #tpu.memory_space<vmem>> -> memref<1x128xi32, #tpu.memory_space<vmem>>
      %dma_wait3A_227 = tpu.memref_squeeze %dma_wait3A_226 : memref<1x128xi32, #tpu.memory_space<vmem>> -> memref<128xi32, #tpu.memory_space<vmem>>
      %dma_wait3A_228 = arith.constant 0 : i32
      %dma_wait3A_229 = tpu.memref_slice %arg8[%run_scoped3A_14, %dma_wait3A_228] : memref<8x128xi32, #tpu.memory_space<vmem>> -> memref<1x128xi32, #tpu.memory_space<vmem>>
      %dma_wait3A_230 = tpu.memref_squeeze %dma_wait3A_229 : memref<1x128xi32, #tpu.memory_space<vmem>> -> memref<128xi32, #tpu.memory_space<vmem>>
      %dma_wait3A_231 = arith.constant 0 : i32
      %dma_wait3A_232 = tpu.memref_slice %arg6[%dma_wait3A_231] : memref<1000512xi32, #tpu.memory_space<vmem_shared>> -> memref<1000512xi32, #tpu.memory_space<vmem_shared>>
      tpu.wait_indirect_dma semaphore(%run_scoped3A_216 : memref<!tpu.dma_semaphore, #tpu.memory_space<semaphore_mem>>) src(%dma_wait3A_227 : memref<128xi32, #tpu.memory_space<vmem>>) dst(%dma_wait3A_232 : memref<1000512xi32, #tpu.memory_space<vmem_shared>>)
      tpu.yield
    }) : () -> ()
    %run_scoped3A_15 = arith.constant 5 : i32
    %run_scoped3A_16 = arith.constant 5 : i32
    "tpu.region"() ({
      %run_scoped3A_216 = tpu.sem_alloc : memref<!tpu.dma_semaphore, #tpu.memory_space<semaphore_mem>>
      %dma_start3A_217 = arith.constant 0 : i32
      %dma_start3A_218 = tpu.memref_slice %arg9[%run_scoped3A_15, %dma_start3A_217] : memref<8x128xi32, #tpu.memory_space<vmem>> -> memref<1x128xi32, #tpu.memory_space<vmem>>
      %dma_start3A_219 = tpu.memref_squeeze %dma_start3A_218 : memref<1x128xi32, #tpu.memory_space<vmem>> -> memref<128xi32, #tpu.memory_space<vmem>>
      %dma_start3A_220 = arith.constant 0 : i32
      %dma_start3A_221 = tpu.memref_slice %arg8[%run_scoped3A_16, %dma_start3A_220] : memref<8x128xi32, #tpu.memory_space<vmem>> -> memref<1x128xi32, #tpu.memory_space<vmem>>
      %dma_start3A_222 = tpu.memref_squeeze %dma_start3A_221 : memref<1x128xi32, #tpu.memory_space<vmem>> -> memref<128xi32, #tpu.memory_space<vmem>>
      %dma_start3A_223 = arith.constant 0 : i32
      %dma_start3A_224 = tpu.memref_slice %arg6[%dma_start3A_223] : memref<1000512xi32, #tpu.memory_space<vmem_shared>> -> memref<1000512xi32, #tpu.memory_space<vmem_shared>>
      tpu.enqueue_indirect_dma source(%dma_start3A_219 : memref<128xi32, #tpu.memory_space<vmem>>) target(%dma_start3A_224 : memref<1000512xi32, #tpu.memory_space<vmem_shared>>) offsets(%dma_start3A_222 : memref<128xi32, #tpu.memory_space<vmem>>) semaphore(%run_scoped3A_216 : memref<!tpu.dma_semaphore, #tpu.memory_space<semaphore_mem>>)
      %dma_wait3A_225 = arith.constant 0 : i32
      %dma_wait3A_226 = tpu.memref_slice %arg9[%run_scoped3A_15, %dma_wait3A_225] : memref<8x128xi32, #tpu.memory_space<vmem>> -> memref<1x128xi32, #tpu.memory_space<vmem>>
      %dma_wait3A_227 = tpu.memref_squeeze %dma_wait3A_226 : memref<1x128xi32, #tpu.memory_space<vmem>> -> memref<128xi32, #tpu.memory_space<vmem>>
      %dma_wait3A_228 = arith.constant 0 : i32
      %dma_wait3A_229 = tpu.memref_slice %arg8[%run_scoped3A_16, %dma_wait3A_228] : memref<8x128xi32, #tpu.memory_space<vmem>> -> memref<1x128xi32, #tpu.memory_space<vmem>>
      %dma_wait3A_230 = tpu.memref_squeeze %dma_wait3A_229 : memref<1x128xi32, #tpu.memory_space<vmem>> -> memref<128xi32, #tpu.memory_space<vmem>>
      %dma_wait3A_231 = arith.constant 0 : i32
      %dma_wait3A_232 = tpu.memref_slice %arg6[%dma_wait3A_231] : memref<1000512xi32, #tpu.memory_space<vmem_shared>> -> memref<1000512xi32, #tpu.memory_space<vmem_shared>>
      tpu.wait_indirect_dma semaphore(%run_scoped3A_216 : memref<!tpu.dma_semaphore, #tpu.memory_space<semaphore_mem>>) src(%dma_wait3A_227 : memref<128xi32, #tpu.memory_space<vmem>>) dst(%dma_wait3A_232 : memref<1000512xi32, #tpu.memory_space<vmem_shared>>)
      tpu.yield
    }) : () -> ()
    %run_scoped3A_17 = arith.constant 6 : i32
    %run_scoped3A_18 = arith.constant 6 : i32
    "tpu.region"() ({
      %run_scoped3A_216 = tpu.sem_alloc : memref<!tpu.dma_semaphore, #tpu.memory_space<semaphore_mem>>
      %dma_start3A_217 = arith.constant 0 : i32
      %dma_start3A_218 = tpu.memref_slice %arg9[%run_scoped3A_17, %dma_start3A_217] : memref<8x128xi32, #tpu.memory_space<vmem>> -> memref<1x128xi32, #tpu.memory_space<vmem>>
      %dma_start3A_219 = tpu.memref_squeeze %dma_start3A_218 : memref<1x128xi32, #tpu.memory_space<vmem>> -> memref<128xi32, #tpu.memory_space<vmem>>
      %dma_start3A_220 = arith.constant 0 : i32
      %dma_start3A_221 = tpu.memref_slice %arg8[%run_scoped3A_18, %dma_start3A_220] : memref<8x128xi32, #tpu.memory_space<vmem>> -> memref<1x128xi32, #tpu.memory_space<vmem>>
      %dma_start3A_222 = tpu.memref_squeeze %dma_start3A_221 : memref<1x128xi32, #tpu.memory_space<vmem>> -> memref<128xi32, #tpu.memory_space<vmem>>
      %dma_start3A_223 = arith.constant 0 : i32
      %dma_start3A_224 = tpu.memref_slice %arg6[%dma_start3A_223] : memref<1000512xi32, #tpu.memory_space<vmem_shared>> -> memref<1000512xi32, #tpu.memory_space<vmem_shared>>
      tpu.enqueue_indirect_dma source(%dma_start3A_219 : memref<128xi32, #tpu.memory_space<vmem>>) target(%dma_start3A_224 : memref<1000512xi32, #tpu.memory_space<vmem_shared>>) offsets(%dma_start3A_222 : memref<128xi32, #tpu.memory_space<vmem>>) semaphore(%run_scoped3A_216 : memref<!tpu.dma_semaphore, #tpu.memory_space<semaphore_mem>>)
      %dma_wait3A_225 = arith.constant 0 : i32
      %dma_wait3A_226 = tpu.memref_slice %arg9[%run_scoped3A_17, %dma_wait3A_225] : memref<8x128xi32, #tpu.memory_space<vmem>> -> memref<1x128xi32, #tpu.memory_space<vmem>>
      %dma_wait3A_227 = tpu.memref_squeeze %dma_wait3A_226 : memref<1x128xi32, #tpu.memory_space<vmem>> -> memref<128xi32, #tpu.memory_space<vmem>>
      %dma_wait3A_228 = arith.constant 0 : i32
      %dma_wait3A_229 = tpu.memref_slice %arg8[%run_scoped3A_18, %dma_wait3A_228] : memref<8x128xi32, #tpu.memory_space<vmem>> -> memref<1x128xi32, #tpu.memory_space<vmem>>
      %dma_wait3A_230 = tpu.memref_squeeze %dma_wait3A_229 : memref<1x128xi32, #tpu.memory_space<vmem>> -> memref<128xi32, #tpu.memory_space<vmem>>
      %dma_wait3A_231 = arith.constant 0 : i32
      %dma_wait3A_232 = tpu.memref_slice %arg6[%dma_wait3A_231] : memref<1000512xi32, #tpu.memory_space<vmem_shared>> -> memref<1000512xi32, #tpu.memory_space<vmem_shared>>
      tpu.wait_indirect_dma semaphore(%run_scoped3A_216 : memref<!tpu.dma_semaphore, #tpu.memory_space<semaphore_mem>>) src(%dma_wait3A_227 : memref<128xi32, #tpu.memory_space<vmem>>) dst(%dma_wait3A_232 : memref<1000512xi32, #tpu.memory_space<vmem_shared>>)
      tpu.yield
    }) : () -> ()
    %run_scoped3A_19 = arith.constant 7 : i32
    %run_scoped3A_20 = arith.constant 7 : i32
    "tpu.region"() ({
      %run_scoped3A_216 = tpu.sem_alloc : memref<!tpu.dma_semaphore, #tpu.memory_space<semaphore_mem>>
      %dma_start3A_217 = arith.constant 0 : i32
      %dma_start3A_218 = tpu.memref_slice %arg9[%run_scoped3A_19, %dma_start3A_217] : memref<8x128xi32, #tpu.memory_space<vmem>> -> memref<1x128xi32, #tpu.memory_space<vmem>>
      %dma_start3A_219 = tpu.memref_squeeze %dma_start3A_218 : memref<1x128xi32, #tpu.memory_space<vmem>> -> memref<128xi32, #tpu.memory_space<vmem>>
      %dma_start3A_220 = arith.constant 0 : i32
      %dma_start3A_221 = tpu.memref_slice %arg8[%run_scoped3A_20, %dma_start3A_220] : memref<8x128xi32, #tpu.memory_space<vmem>> -> memref<1x128xi32, #tpu.memory_space<vmem>>
      %dma_start3A_222 = tpu.memref_squeeze %dma_start3A_221 : memref<1x128xi32, #tpu.memory_space<vmem>> -> memref<128xi32, #tpu.memory_space<vmem>>
      %dma_start3A_223 = arith.constant 0 : i32
      %dma_start3A_224 = tpu.memref_slice %arg6[%dma_start3A_223] : memref<1000512xi32, #tpu.memory_space<vmem_shared>> -> memref<1000512xi32, #tpu.memory_space<vmem_shared>>
      tpu.enqueue_indirect_dma source(%dma_start3A_219 : memref<128xi32, #tpu.memory_space<vmem>>) target(%dma_start3A_224 : memref<1000512xi32, #tpu.memory_space<vmem_shared>>) offsets(%dma_start3A_222 : memref<128xi32, #tpu.memory_space<vmem>>) semaphore(%run_scoped3A_216 : memref<!tpu.dma_semaphore, #tpu.memory_space<semaphore_mem>>)
      %dma_wait3A_225 = arith.constant 0 : i32
      %dma_wait3A_226 = tpu.memref_slice %arg9[%run_scoped3A_19, %dma_wait3A_225] : memref<8x128xi32, #tpu.memory_space<vmem>> -> memref<1x128xi32, #tpu.memory_space<vmem>>
      %dma_wait3A_227 = tpu.memref_squeeze %dma_wait3A_226 : memref<1x128xi32, #tpu.memory_space<vmem>> -> memref<128xi32, #tpu.memory_space<vmem>>
      %dma_wait3A_228 = arith.constant 0 : i32
      %dma_wait3A_229 = tpu.memref_slice %arg8[%run_scoped3A_20, %dma_wait3A_228] : memref<8x128xi32, #tpu.memory_space<vmem>> -> memref<1x128xi32, #tpu.memory_space<vmem>>
      %dma_wait3A_230 = tpu.memref_squeeze %dma_wait3A_229 : memref<1x128xi32, #tpu.memory_space<vmem>> -> memref<128xi32, #tpu.memory_space<vmem>>
      %dma_wait3A_231 = arith.constant 0 : i32
      %dma_wait3A_232 = tpu.memref_slice %arg6[%dma_wait3A_231] : memref<1000512xi32, #tpu.memory_space<vmem_shared>> -> memref<1000512xi32, #tpu.memory_space<vmem_shared>>
      tpu.wait_indirect_dma semaphore(%run_scoped3A_216 : memref<!tpu.dma_semaphore, #tpu.memory_space<semaphore_mem>>) src(%dma_wait3A_227 : memref<128xi32, #tpu.memory_space<vmem>>) dst(%dma_wait3A_232 : memref<1000512xi32, #tpu.memory_space<vmem_shared>>)
      tpu.yield
    }) : () -> ()
    %barrier3A = arith.constant 0 : index
    tpu.barrier barrier_id(%barrier3A)
    %run_scoped3A_21 = arith.constant 0 : i32
    %run_scoped3A_22 = arith.constant 0 : i32
    "tpu.region"() ({
      %run_scoped3A_216 = tpu.sem_alloc : memref<!tpu.dma_semaphore, #tpu.memory_space<semaphore_mem>>
      %dma_start3A_217 = arith.constant 0 : i32
      %dma_start3A_218 = tpu.memref_slice %arg10[%run_scoped3A_22, %dma_start3A_217] : memref<8x128xi32, #tpu.memory_space<vmem>> -> memref<1x128xi32, #tpu.memory_space<vmem>>
      %dma_start3A_219 = tpu.memref_squeeze %dma_start3A_218 : memref<1x128xi32, #tpu.memory_space<vmem>> -> memref<128xi32, #tpu.memory_space<vmem>>
      %dma_start3A_220 = arith.constant 0 : i32
      %dma_start3A_221 = tpu.memref_slice %arg8[%run_scoped3A_21, %dma_start3A_220] : memref<8x128xi32, #tpu.memory_space<vmem>> -> memref<1x128xi32, #tpu.memory_space<vmem>>
      %dma_start3A_222 = tpu.memref_squeeze %dma_start3A_221 : memref<1x128xi32, #tpu.memory_space<vmem>> -> memref<128xi32, #tpu.memory_space<vmem>>
      %dma_start3A_223 = arith.constant 0 : i32
      %dma_start3A_224 = tpu.memref_slice %arg6[%dma_start3A_223] : memref<1000512xi32, #tpu.memory_space<vmem_shared>> -> memref<1000512xi32, #tpu.memory_space<vmem_shared>>
      tpu.enqueue_indirect_dma source(%dma_start3A_224 : memref<1000512xi32, #tpu.memory_space<vmem_shared>>) target(%dma_start3A_219 : memref<128xi32, #tpu.memory_space<vmem>>) offsets(%dma_start3A_222 : memref<128xi32, #tpu.memory_space<vmem>>) semaphore(%run_scoped3A_216 : memref<!tpu.dma_semaphore, #tpu.memory_space<semaphore_mem>>)
      %dma_wait3A_225 = arith.constant 0 : i32
      %dma_wait3A_226 = tpu.memref_slice %arg10[%run_scoped3A_22, %dma_wait3A_225] : memref<8x128xi32, #tpu.memory_space<vmem>> -> memref<1x128xi32, #tpu.memory_space<vmem>>
      %dma_wait3A_227 = tpu.memref_squeeze %dma_wait3A_226 : memref<1x128xi32, #tpu.memory_space<vmem>> -> memref<128xi32, #tpu.memory_space<vmem>>
      %dma_wait3A_228 = arith.constant 0 : i32
      %dma_wait3A_229 = tpu.memref_slice %arg8[%run_scoped3A_21, %dma_wait3A_228] : memref<8x128xi32, #tpu.memory_space<vmem>> -> memref<1x128xi32, #tpu.memory_space<vmem>>
      %dma_wait3A_230 = tpu.memref_squeeze %dma_wait3A_229 : memref<1x128xi32, #tpu.memory_space<vmem>> -> memref<128xi32, #tpu.memory_space<vmem>>
      %dma_wait3A_231 = arith.constant 0 : i32
      %dma_wait3A_232 = tpu.memref_slice %arg6[%dma_wait3A_231] : memref<1000512xi32, #tpu.memory_space<vmem_shared>> -> memref<1000512xi32, #tpu.memory_space<vmem_shared>>
      tpu.wait_indirect_dma semaphore(%run_scoped3A_216 : memref<!tpu.dma_semaphore, #tpu.memory_space<semaphore_mem>>) src(%dma_wait3A_232 : memref<1000512xi32, #tpu.memory_space<vmem_shared>>) dst(%dma_wait3A_227 : memref<128xi32, #tpu.memory_space<vmem>>)
      tpu.yield
    }) : () -> ()
    %run_scoped3A_23 = arith.constant 1 : i32
    %run_scoped3A_24 = arith.constant 1 : i32
    "tpu.region"() ({
      %run_scoped3A_216 = tpu.sem_alloc : memref<!tpu.dma_semaphore, #tpu.memory_space<semaphore_mem>>
      %dma_start3A_217 = arith.constant 0 : i32
      %dma_start3A_218 = tpu.memref_slice %arg10[%run_scoped3A_24, %dma_start3A_217] : memref<8x128xi32, #tpu.memory_space<vmem>> -> memref<1x128xi32, #tpu.memory_space<vmem>>
      %dma_start3A_219 = tpu.memref_squeeze %dma_start3A_218 : memref<1x128xi32, #tpu.memory_space<vmem>> -> memref<128xi32, #tpu.memory_space<vmem>>
      %dma_start3A_220 = arith.constant 0 : i32
      %dma_start3A_221 = tpu.memref_slice %arg8[%run_scoped3A_23, %dma_start3A_220] : memref<8x128xi32, #tpu.memory_space<vmem>> -> memref<1x128xi32, #tpu.memory_space<vmem>>
      %dma_start3A_222 = tpu.memref_squeeze %dma_start3A_221 : memref<1x128xi32, #tpu.memory_space<vmem>> -> memref<128xi32, #tpu.memory_space<vmem>>
      %dma_start3A_223 = arith.constant 0 : i32
      %dma_start3A_224 = tpu.memref_slice %arg6[%dma_start3A_223] : memref<1000512xi32, #tpu.memory_space<vmem_shared>> -> memref<1000512xi32, #tpu.memory_space<vmem_shared>>
      tpu.enqueue_indirect_dma source(%dma_start3A_224 : memref<1000512xi32, #tpu.memory_space<vmem_shared>>) target(%dma_start3A_219 : memref<128xi32, #tpu.memory_space<vmem>>) offsets(%dma_start3A_222 : memref<128xi32, #tpu.memory_space<vmem>>) semaphore(%run_scoped3A_216 : memref<!tpu.dma_semaphore, #tpu.memory_space<semaphore_mem>>)
      %dma_wait3A_225 = arith.constant 0 : i32
      %dma_wait3A_226 = tpu.memref_slice %arg10[%run_scoped3A_24, %dma_wait3A_225] : memref<8x128xi32, #tpu.memory_space<vmem>> -> memref<1x128xi32, #tpu.memory_space<vmem>>
      %dma_wait3A_227 = tpu.memref_squeeze %dma_wait3A_226 : memref<1x128xi32, #tpu.memory_space<vmem>> -> memref<128xi32, #tpu.memory_space<vmem>>
      %dma_wait3A_228 = arith.constant 0 : i32
      %dma_wait3A_229 = tpu.memref_slice %arg8[%run_scoped3A_23, %dma_wait3A_228] : memref<8x128xi32, #tpu.memory_space<vmem>> -> memref<1x128xi32, #tpu.memory_space<vmem>>
      %dma_wait3A_230 = tpu.memref_squeeze %dma_wait3A_229 : memref<1x128xi32, #tpu.memory_space<vmem>> -> memref<128xi32, #tpu.memory_space<vmem>>
      %dma_wait3A_231 = arith.constant 0 : i32
      %dma_wait3A_232 = tpu.memref_slice %arg6[%dma_wait3A_231] : memref<1000512xi32, #tpu.memory_space<vmem_shared>> -> memref<1000512xi32, #tpu.memory_space<vmem_shared>>
      tpu.wait_indirect_dma semaphore(%run_scoped3A_216 : memref<!tpu.dma_semaphore, #tpu.memory_space<semaphore_mem>>) src(%dma_wait3A_232 : memref<1000512xi32, #tpu.memory_space<vmem_shared>>) dst(%dma_wait3A_227 : memref<128xi32, #tpu.memory_space<vmem>>)
      tpu.yield
    }) : () -> ()
    %run_scoped3A_25 = arith.constant 2 : i32
    %run_scoped3A_26 = arith.constant 2 : i32
    "tpu.region"() ({
      %run_scoped3A_216 = tpu.sem_alloc : memref<!tpu.dma_semaphore, #tpu.memory_space<semaphore_mem>>
      %dma_start3A_217 = arith.constant 0 : i32
      %dma_start3A_218 = tpu.memref_slice %arg10[%run_scoped3A_26, %dma_start3A_217] : memref<8x128xi32, #tpu.memory_space<vmem>> -> memref<1x128xi32, #tpu.memory_space<vmem>>
      %dma_start3A_219 = tpu.memref_squeeze %dma_start3A_218 : memref<1x128xi32, #tpu.memory_space<vmem>> -> memref<128xi32, #tpu.memory_space<vmem>>
      %dma_start3A_220 = arith.constant 0 : i32
      %dma_start3A_221 = tpu.memref_slice %arg8[%run_scoped3A_25, %dma_start3A_220] : memref<8x128xi32, #tpu.memory_space<vmem>> -> memref<1x128xi32, #tpu.memory_space<vmem>>
      %dma_start3A_222 = tpu.memref_squeeze %dma_start3A_221 : memref<1x128xi32, #tpu.memory_space<vmem>> -> memref<128xi32, #tpu.memory_space<vmem>>
      %dma_start3A_223 = arith.constant 0 : i32
      %dma_start3A_224 = tpu.memref_slice %arg6[%dma_start3A_223] : memref<1000512xi32, #tpu.memory_space<vmem_shared>> -> memref<1000512xi32, #tpu.memory_space<vmem_shared>>
      tpu.enqueue_indirect_dma source(%dma_start3A_224 : memref<1000512xi32, #tpu.memory_space<vmem_shared>>) target(%dma_start3A_219 : memref<128xi32, #tpu.memory_space<vmem>>) offsets(%dma_start3A_222 : memref<128xi32, #tpu.memory_space<vmem>>) semaphore(%run_scoped3A_216 : memref<!tpu.dma_semaphore, #tpu.memory_space<semaphore_mem>>)
      %dma_wait3A_225 = arith.constant 0 : i32
      %dma_wait3A_226 = tpu.memref_slice %arg10[%run_scoped3A_26, %dma_wait3A_225] : memref<8x128xi32, #tpu.memory_space<vmem>> -> memref<1x128xi32, #tpu.memory_space<vmem>>
      %dma_wait3A_227 = tpu.memref_squeeze %dma_wait3A_226 : memref<1x128xi32, #tpu.memory_space<vmem>> -> memref<128xi32, #tpu.memory_space<vmem>>
      %dma_wait3A_228 = arith.constant 0 : i32
      %dma_wait3A_229 = tpu.memref_slice %arg8[%run_scoped3A_25, %dma_wait3A_228] : memref<8x128xi32, #tpu.memory_space<vmem>> -> memref<1x128xi32, #tpu.memory_space<vmem>>
      %dma_wait3A_230 = tpu.memref_squeeze %dma_wait3A_229 : memref<1x128xi32, #tpu.memory_space<vmem>> -> memref<128xi32, #tpu.memory_space<vmem>>
      %dma_wait3A_231 = arith.constant 0 : i32
      %dma_wait3A_232 = tpu.memref_slice %arg6[%dma_wait3A_231] : memref<1000512xi32, #tpu.memory_space<vmem_shared>> -> memref<1000512xi32, #tpu.memory_space<vmem_shared>>
      tpu.wait_indirect_dma semaphore(%run_scoped3A_216 : memref<!tpu.dma_semaphore, #tpu.memory_space<semaphore_mem>>) src(%dma_wait3A_232 : memref<1000512xi32, #tpu.memory_space<vmem_shared>>) dst(%dma_wait3A_227 : memref<128xi32, #tpu.memory_space<vmem>>)
      tpu.yield
    }) : () -> ()
    %run_scoped3A_27 = arith.constant 3 : i32
    %run_scoped3A_28 = arith.constant 3 : i32
    "tpu.region"() ({
      %run_scoped3A_216 = tpu.sem_alloc : memref<!tpu.dma_semaphore, #tpu.memory_space<semaphore_mem>>
      %dma_start3A_217 = arith.constant 0 : i32
      %dma_start3A_218 = tpu.memref_slice %arg10[%run_scoped3A_28, %dma_start3A_217] : memref<8x128xi32, #tpu.memory_space<vmem>> -> memref<1x128xi32, #tpu.memory_space<vmem>>
      %dma_start3A_219 = tpu.memref_squeeze %dma_start3A_218 : memref<1x128xi32, #tpu.memory_space<vmem>> -> memref<128xi32, #tpu.memory_space<vmem>>
      %dma_start3A_220 = arith.constant 0 : i32
      %dma_start3A_221 = tpu.memref_slice %arg8[%run_scoped3A_27, %dma_start3A_220] : memref<8x128xi32, #tpu.memory_space<vmem>> -> memref<1x128xi32, #tpu.memory_space<vmem>>
      %dma_start3A_222 = tpu.memref_squeeze %dma_start3A_221 : memref<1x128xi32, #tpu.memory_space<vmem>> -> memref<128xi32, #tpu.memory_space<vmem>>
      %dma_start3A_223 = arith.constant 0 : i32
      %dma_start3A_224 = tpu.memref_slice %arg6[%dma_start3A_223] : memref<1000512xi32, #tpu.memory_space<vmem_shared>> -> memref<1000512xi32, #tpu.memory_space<vmem_shared>>
      tpu.enqueue_indirect_dma source(%dma_start3A_224 : memref<1000512xi32, #tpu.memory_space<vmem_shared>>) target(%dma_start3A_219 : memref<128xi32, #tpu.memory_space<vmem>>) offsets(%dma_start3A_222 : memref<128xi32, #tpu.memory_space<vmem>>) semaphore(%run_scoped3A_216 : memref<!tpu.dma_semaphore, #tpu.memory_space<semaphore_mem>>)
      %dma_wait3A_225 = arith.constant 0 : i32
      %dma_wait3A_226 = tpu.memref_slice %arg10[%run_scoped3A_28, %dma_wait3A_225] : memref<8x128xi32, #tpu.memory_space<vmem>> -> memref<1x128xi32, #tpu.memory_space<vmem>>
      %dma_wait3A_227 = tpu.memref_squeeze %dma_wait3A_226 : memref<1x128xi32, #tpu.memory_space<vmem>> -> memref<128xi32, #tpu.memory_space<vmem>>
      %dma_wait3A_228 = arith.constant 0 : i32
      %dma_wait3A_229 = tpu.memref_slice %arg8[%run_scoped3A_27, %dma_wait3A_228] : memref<8x128xi32, #tpu.memory_space<vmem>> -> memref<1x128xi32, #tpu.memory_space<vmem>>
      %dma_wait3A_230 = tpu.memref_squeeze %dma_wait3A_229 : memref<1x128xi32, #tpu.memory_space<vmem>> -> memref<128xi32, #tpu.memory_space<vmem>>
      %dma_wait3A_231 = arith.constant 0 : i32
      %dma_wait3A_232 = tpu.memref_slice %arg6[%dma_wait3A_231] : memref<1000512xi32, #tpu.memory_space<vmem_shared>> -> memref<1000512xi32, #tpu.memory_space<vmem_shared>>
      tpu.wait_indirect_dma semaphore(%run_scoped3A_216 : memref<!tpu.dma_semaphore, #tpu.memory_space<semaphore_mem>>) src(%dma_wait3A_232 : memref<1000512xi32, #tpu.memory_space<vmem_shared>>) dst(%dma_wait3A_227 : memref<128xi32, #tpu.memory_space<vmem>>)
      tpu.yield
    }) : () -> ()
    %run_scoped3A_29 = arith.constant 4 : i32
    %run_scoped3A_30 = arith.constant 4 : i32
    "tpu.region"() ({
      %run_scoped3A_216 = tpu.sem_alloc : memref<!tpu.dma_semaphore, #tpu.memory_space<semaphore_mem>>
      %dma_start3A_217 = arith.constant 0 : i32
      %dma_start3A_218 = tpu.memref_slice %arg10[%run_scoped3A_30, %dma_start3A_217] : memref<8x128xi32, #tpu.memory_space<vmem>> -> memref<1x128xi32, #tpu.memory_space<vmem>>
      %dma_start3A_219 = tpu.memref_squeeze %dma_start3A_218 : memref<1x128xi32, #tpu.memory_space<vmem>> -> memref<128xi32, #tpu.memory_space<vmem>>
      %dma_start3A_220 = arith.constant 0 : i32
      %dma_start3A_221 = tpu.memref_slice %arg8[%run_scoped3A_29, %dma_start3A_220] : memref<8x128xi32, #tpu.memory_space<vmem>> -> memref<1x128xi32, #tpu.memory_space<vmem>>
      %dma_start3A_222 = tpu.memref_squeeze %dma_start3A_221 : memref<1x128xi32, #tpu.memory_space<vmem>> -> memref<128xi32, #tpu.memory_space<vmem>>
      %dma_start3A_223 = arith.constant 0 : i32
      %dma_start3A_224 = tpu.memref_slice %arg6[%dma_start3A_223] : memref<1000512xi32, #tpu.memory_space<vmem_shared>> -> memref<1000512xi32, #tpu.memory_space<vmem_shared>>
      tpu.enqueue_indirect_dma source(%dma_start3A_224 : memref<1000512xi32, #tpu.memory_space<vmem_shared>>) target(%dma_start3A_219 : memref<128xi32, #tpu.memory_space<vmem>>) offsets(%dma_start3A_222 : memref<128xi32, #tpu.memory_space<vmem>>) semaphore(%run_scoped3A_216 : memref<!tpu.dma_semaphore, #tpu.memory_space<semaphore_mem>>)
      %dma_wait3A_225 = arith.constant 0 : i32
      %dma_wait3A_226 = tpu.memref_slice %arg10[%run_scoped3A_30, %dma_wait3A_225] : memref<8x128xi32, #tpu.memory_space<vmem>> -> memref<1x128xi32, #tpu.memory_space<vmem>>
      %dma_wait3A_227 = tpu.memref_squeeze %dma_wait3A_226 : memref<1x128xi32, #tpu.memory_space<vmem>> -> memref<128xi32, #tpu.memory_space<vmem>>
      %dma_wait3A_228 = arith.constant 0 : i32
      %dma_wait3A_229 = tpu.memref_slice %arg8[%run_scoped3A_29, %dma_wait3A_228] : memref<8x128xi32, #tpu.memory_space<vmem>> -> memref<1x128xi32, #tpu.memory_space<vmem>>
      %dma_wait3A_230 = tpu.memref_squeeze %dma_wait3A_229 : memref<1x128xi32, #tpu.memory_space<vmem>> -> memref<128xi32, #tpu.memory_space<vmem>>
      %dma_wait3A_231 = arith.constant 0 : i32
      %dma_wait3A_232 = tpu.memref_slice %arg6[%dma_wait3A_231] : memref<1000512xi32, #tpu.memory_space<vmem_shared>> -> memref<1000512xi32, #tpu.memory_space<vmem_shared>>
      tpu.wait_indirect_dma semaphore(%run_scoped3A_216 : memref<!tpu.dma_semaphore, #tpu.memory_space<semaphore_mem>>) src(%dma_wait3A_232 : memref<1000512xi32, #tpu.memory_space<vmem_shared>>) dst(%dma_wait3A_227 : memref<128xi32, #tpu.memory_space<vmem>>)
      tpu.yield
    }) : () -> ()
    %run_scoped3A_31 = arith.constant 5 : i32
    %run_scoped3A_32 = arith.constant 5 : i32
    "tpu.region"() ({
      %run_scoped3A_216 = tpu.sem_alloc : memref<!tpu.dma_semaphore, #tpu.memory_space<semaphore_mem>>
      %dma_start3A_217 = arith.constant 0 : i32
      %dma_start3A_218 = tpu.memref_slice %arg10[%run_scoped3A_32, %dma_start3A_217] : memref<8x128xi32, #tpu.memory_space<vmem>> -> memref<1x128xi32, #tpu.memory_space<vmem>>
      %dma_start3A_219 = tpu.memref_squeeze %dma_start3A_218 : memref<1x128xi32, #tpu.memory_space<vmem>> -> memref<128xi32, #tpu.memory_space<vmem>>
      %dma_start3A_220 = arith.constant 0 : i32
      %dma_start3A_221 = tpu.memref_slice %arg8[%run_scoped3A_31, %dma_start3A_220] : memref<8x128xi32, #tpu.memory_space<vmem>> -> memref<1x128xi32, #tpu.memory_space<vmem>>
      %dma_start3A_222 = tpu.memref_squeeze %dma_start3A_221 : memref<1x128xi32, #tpu.memory_space<vmem>> -> memref<128xi32, #tpu.memory_space<vmem>>
      %dma_start3A_223 = arith.constant 0 : i32
      %dma_start3A_224 = tpu.memref_slice %arg6[%dma_start3A_223] : memref<1000512xi32, #tpu.memory_space<vmem_shared>> -> memref<1000512xi32, #tpu.memory_space<vmem_shared>>
      tpu.enqueue_indirect_dma source(%dma_start3A_224 : memref<1000512xi32, #tpu.memory_space<vmem_shared>>) target(%dma_start3A_219 : memref<128xi32, #tpu.memory_space<vmem>>) offsets(%dma_start3A_222 : memref<128xi32, #tpu.memory_space<vmem>>) semaphore(%run_scoped3A_216 : memref<!tpu.dma_semaphore, #tpu.memory_space<semaphore_mem>>)
      %dma_wait3A_225 = arith.constant 0 : i32
      %dma_wait3A_226 = tpu.memref_slice %arg10[%run_scoped3A_32, %dma_wait3A_225] : memref<8x128xi32, #tpu.memory_space<vmem>> -> memref<1x128xi32, #tpu.memory_space<vmem>>
      %dma_wait3A_227 = tpu.memref_squeeze %dma_wait3A_226 : memref<1x128xi32, #tpu.memory_space<vmem>> -> memref<128xi32, #tpu.memory_space<vmem>>
      %dma_wait3A_228 = arith.constant 0 : i32
      %dma_wait3A_229 = tpu.memref_slice %arg8[%run_scoped3A_31, %dma_wait3A_228] : memref<8x128xi32, #tpu.memory_space<vmem>> -> memref<1x128xi32, #tpu.memory_space<vmem>>
      %dma_wait3A_230 = tpu.memref_squeeze %dma_wait3A_229 : memref<1x128xi32, #tpu.memory_space<vmem>> -> memref<128xi32, #tpu.memory_space<vmem>>
      %dma_wait3A_231 = arith.constant 0 : i32
      %dma_wait3A_232 = tpu.memref_slice %arg6[%dma_wait3A_231] : memref<1000512xi32, #tpu.memory_space<vmem_shared>> -> memref<1000512xi32, #tpu.memory_space<vmem_shared>>
      tpu.wait_indirect_dma semaphore(%run_scoped3A_216 : memref<!tpu.dma_semaphore, #tpu.memory_space<semaphore_mem>>) src(%dma_wait3A_232 : memref<1000512xi32, #tpu.memory_space<vmem_shared>>) dst(%dma_wait3A_227 : memref<128xi32, #tpu.memory_space<vmem>>)
      tpu.yield
    }) : () -> ()
    %run_scoped3A_33 = arith.constant 6 : i32
    %run_scoped3A_34 = arith.constant 6 : i32
    "tpu.region"() ({
      %run_scoped3A_216 = tpu.sem_alloc : memref<!tpu.dma_semaphore, #tpu.memory_space<semaphore_mem>>
      %dma_start3A_217 = arith.constant 0 : i32
      %dma_start3A_218 = tpu.memref_slice %arg10[%run_scoped3A_34, %dma_start3A_217] : memref<8x128xi32, #tpu.memory_space<vmem>> -> memref<1x128xi32, #tpu.memory_space<vmem>>
      %dma_start3A_219 = tpu.memref_squeeze %dma_start3A_218 : memref<1x128xi32, #tpu.memory_space<vmem>> -> memref<128xi32, #tpu.memory_space<vmem>>
      %dma_start3A_220 = arith.constant 0 : i32
      %dma_start3A_221 = tpu.memref_slice %arg8[%run_scoped3A_33, %dma_start3A_220] : memref<8x128xi32, #tpu.memory_space<vmem>> -> memref<1x128xi32, #tpu.memory_space<vmem>>
      %dma_start3A_222 = tpu.memref_squeeze %dma_start3A_221 : memref<1x128xi32, #tpu.memory_space<vmem>> -> memref<128xi32, #tpu.memory_space<vmem>>
      %dma_start3A_223 = arith.constant 0 : i32
      %dma_start3A_224 = tpu.memref_slice %arg6[%dma_start3A_223] : memref<1000512xi32, #tpu.memory_space<vmem_shared>> -> memref<1000512xi32, #tpu.memory_space<vmem_shared>>
      tpu.enqueue_indirect_dma source(%dma_start3A_224 : memref<1000512xi32, #tpu.memory_space<vmem_shared>>) target(%dma_start3A_219 : memref<128xi32, #tpu.memory_space<vmem>>) offsets(%dma_start3A_222 : memref<128xi32, #tpu.memory_space<vmem>>) semaphore(%run_scoped3A_216 : memref<!tpu.dma_semaphore, #tpu.memory_space<semaphore_mem>>)
      %dma_wait3A_225 = arith.constant 0 : i32
      %dma_wait3A_226 = tpu.memref_slice %arg10[%run_scoped3A_34, %dma_wait3A_225] : memref<8x128xi32, #tpu.memory_space<vmem>> -> memref<1x128xi32, #tpu.memory_space<vmem>>
      %dma_wait3A_227 = tpu.memref_squeeze %dma_wait3A_226 : memref<1x128xi32, #tpu.memory_space<vmem>> -> memref<128xi32, #tpu.memory_space<vmem>>
      %dma_wait3A_228 = arith.constant 0 : i32
      %dma_wait3A_229 = tpu.memref_slice %arg8[%run_scoped3A_33, %dma_wait3A_228] : memref<8x128xi32, #tpu.memory_space<vmem>> -> memref<1x128xi32, #tpu.memory_space<vmem>>
      %dma_wait3A_230 = tpu.memref_squeeze %dma_wait3A_229 : memref<1x128xi32, #tpu.memory_space<vmem>> -> memref<128xi32, #tpu.memory_space<vmem>>
      %dma_wait3A_231 = arith.constant 0 : i32
      %dma_wait3A_232 = tpu.memref_slice %arg6[%dma_wait3A_231] : memref<1000512xi32, #tpu.memory_space<vmem_shared>> -> memref<1000512xi32, #tpu.memory_space<vmem_shared>>
      tpu.wait_indirect_dma semaphore(%run_scoped3A_216 : memref<!tpu.dma_semaphore, #tpu.memory_space<semaphore_mem>>) src(%dma_wait3A_232 : memref<1000512xi32, #tpu.memory_space<vmem_shared>>) dst(%dma_wait3A_227 : memref<128xi32, #tpu.memory_space<vmem>>)
      tpu.yield
    }) : () -> ()
    %run_scoped3A_35 = arith.constant 7 : i32
    %run_scoped3A_36 = arith.constant 7 : i32
    "tpu.region"() ({
      %run_scoped3A_216 = tpu.sem_alloc : memref<!tpu.dma_semaphore, #tpu.memory_space<semaphore_mem>>
      %dma_start3A_217 = arith.constant 0 : i32
      %dma_start3A_218 = tpu.memref_slice %arg10[%run_scoped3A_36, %dma_start3A_217] : memref<8x128xi32, #tpu.memory_space<vmem>> -> memref<1x128xi32, #tpu.memory_space<vmem>>
      %dma_start3A_219 = tpu.memref_squeeze %dma_start3A_218 : memref<1x128xi32, #tpu.memory_space<vmem>> -> memref<128xi32, #tpu.memory_space<vmem>>
      %dma_start3A_220 = arith.constant 0 : i32
      %dma_start3A_221 = tpu.memref_slice %arg8[%run_scoped3A_35, %dma_start3A_220] : memref<8x128xi32, #tpu.memory_space<vmem>> -> memref<1x128xi32, #tpu.memory_space<vmem>>
      %dma_start3A_222 = tpu.memref_squeeze %dma_start3A_221 : memref<1x128xi32, #tpu.memory_space<vmem>> -> memref<128xi32, #tpu.memory_space<vmem>>
      %dma_start3A_223 = arith.constant 0 : i32
      %dma_start3A_224 = tpu.memref_slice %arg6[%dma_start3A_223] : memref<1000512xi32, #tpu.memory_space<vmem_shared>> -> memref<1000512xi32, #tpu.memory_space<vmem_shared>>
      tpu.enqueue_indirect_dma source(%dma_start3A_224 : memref<1000512xi32, #tpu.memory_space<vmem_shared>>) target(%dma_start3A_219 : memref<128xi32, #tpu.memory_space<vmem>>) offsets(%dma_start3A_222 : memref<128xi32, #tpu.memory_space<vmem>>) semaphore(%run_scoped3A_216 : memref<!tpu.dma_semaphore, #tpu.memory_space<semaphore_mem>>)
      %dma_wait3A_225 = arith.constant 0 : i32
      %dma_wait3A_226 = tpu.memref_slice %arg10[%run_scoped3A_36, %dma_wait3A_225] : memref<8x128xi32, #tpu.memory_space<vmem>> -> memref<1x128xi32, #tpu.memory_space<vmem>>
      %dma_wait3A_227 = tpu.memref_squeeze %dma_wait3A_226 : memref<1x128xi32, #tpu.memory_space<vmem>> -> memref<128xi32, #tpu.memory_space<vmem>>
      %dma_wait3A_228 = arith.constant 0 : i32
      %dma_wait3A_229 = tpu.memref_slice %arg8[%run_scoped3A_35, %dma_wait3A_228] : memref<8x128xi32, #tpu.memory_space<vmem>> -> memref<1x128xi32, #tpu.memory_space<vmem>>
      %dma_wait3A_230 = tpu.memref_squeeze %dma_wait3A_229 : memref<1x128xi32, #tpu.memory_space<vmem>> -> memref<128xi32, #tpu.memory_space<vmem>>
      %dma_wait3A_231 = arith.constant 0 : i32
      %dma_wait3A_232 = tpu.memref_slice %arg6[%dma_wait3A_231] : memref<1000512xi32, #tpu.memory_space<vmem_shared>> -> memref<1000512xi32, #tpu.memory_space<vmem_shared>>
      tpu.wait_indirect_dma semaphore(%run_scoped3A_216 : memref<!tpu.dma_semaphore, #tpu.memory_space<semaphore_mem>>) src(%dma_wait3A_232 : memref<1000512xi32, #tpu.memory_space<vmem_shared>>) dst(%dma_wait3A_227 : memref<128xi32, #tpu.memory_space<vmem>>)
      tpu.yield
    }) : () -> ()
    %scan3A = arith.constant 0 : i32
    %scan3A_37 = arith.constant 0 : i32
    %scan3A_38 = arith.constant 64 : i32
    %scan3A_39 = arith.addi %scan3A_37, %scan3A_38 : i32
    %scan3A_40 = arith.constant 1 : i32
    %scan3A_41 = scf.for %scan3A_216 = %scan3A_37 to %scan3A_39 step %scan3A_40 iter_args(%scan3A_217 = %scan3A) -> (i32)  : i32 {
      %jit3A = arith.constant 8 : i32
      %div3A = arith.divsi %scan3A_216, %jit3A : i32
      %sign3A = arith.constant 0 : i32
      %sign3A_218 = arith.cmpi sgt, %scan3A_216, %sign3A : i32
      %sign3A_219 = arith.extui %sign3A_218 : i1 to i32
      %sign3A_220 = arith.constant 0 : i32
      %sign3A_221 = arith.cmpi slt, %scan3A_216, %sign3A_220 : i32
      %sign3A_222 = arith.extui %sign3A_221 : i1 to i32
      %sign3A_223 = arith.subi %sign3A_219, %sign3A_222 : i32
      %sign3A_224 = arith.constant 0 : i32
      %sign3A_225 = arith.cmpi sgt, %jit3A, %sign3A_224 : i32
      %sign3A_226 = arith.extui %sign3A_225 : i1 to i32
      %sign3A_227 = arith.constant 0 : i32
      %sign3A_228 = arith.cmpi slt, %jit3A, %sign3A_227 : i32
      %sign3A_229 = arith.extui %sign3A_228 : i1 to i32
      %sign3A_230 = arith.subi %sign3A_226, %sign3A_229 : i32
      %ne3A = arith.cmpi ne, %sign3A_223, %sign3A_230 : i32
      %rem3A = arith.remsi %scan3A_216, %jit3A : i32
      %ne3A_231 = arith.constant 0 : i32
      %ne3A_232 = arith.cmpi ne, %rem3A, %ne3A_231 : i32
      %and3A = arith.andi %ne3A, %ne3A_232 : i1
      %sub3A = arith.constant 1 : i32
      %sub3A_233 = arith.subi %div3A, %sub3A : i32
      %select_n3A = arith.select %and3A, %sub3A_233, %div3A : i32
      %jit3A_234 = arith.constant 8 : i32
      %eq3A_235 = arith.constant 0 : i32
      %eq3A_236 = arith.cmpi eq, %jit3A_234, %eq3A_235 : i32
      %jit3A_237 = arith.constant 1 : i32
      %select_n3A_238 = arith.select %eq3A_236, %jit3A_237, %jit3A_234 : i32
      %rem3A_239 = arith.remsi %scan3A_216, %select_n3A_238 : i32
      %ne3A_240 = arith.constant 0 : i32
      %ne3A_241 = arith.cmpi ne, %rem3A_239, %ne3A_240 : i32
      %lt3A = arith.constant 0 : i32
      %lt3A_242 = arith.cmpi slt, %rem3A_239, %lt3A : i32
      %lt3A_243 = arith.constant 0 : i32
      %lt3A_244 = arith.cmpi slt, %select_n3A_238, %lt3A_243 : i32
      %ne3A_245 = arith.xori %lt3A_242, %lt3A_244 : i1
      %and3A_246 = arith.andi %ne3A_245, %ne3A_241 : i1
      %add3A_247 = arith.addi %rem3A_239, %select_n3A_238 : i32
      %select_n3A_248 = arith.select %and3A_246, %add3A_247, %rem3A_239 : i32
      %mul3A_249 = arith.constant 16 : i32
      %mul3A_250 = arith.muli %select_n3A_248, %mul3A_249 : i32
      %get3A = arith.index_cast %select_n3A : i32 to index
      %get3A_251 = arith.index_cast %mul3A_250 : i32 to index
      %get3A_252 = tpu.vector_load %arg9[%get3A, %get3A_251] {strides = array<i32>} : memref<8x128xi32, #tpu.memory_space<vmem>>, vector<16xi32>,
      %get3A_253 = arith.index_cast %select_n3A : i32 to index
      %get3A_254 = arith.index_cast %mul3A_250 : i32 to index
      %get3A_255 = tpu.vector_load %arg10[%get3A_253, %get3A_254] {strides = array<i32>} : memref<8x128xi32, #tpu.memory_space<vmem>>, vector<16xi32>,
      %get3A_256 = arith.index_cast %select_n3A : i32 to index
      %get3A_257 = arith.index_cast %mul3A_250 : i32 to index
      %get3A_258 = tpu.vector_load %arg8[%get3A_256, %get3A_257] {strides = array<i32>} : memref<8x128xi32, #tpu.memory_space<vmem>>, vector<16xi32>,
      %gt3A = arith.cmpi sgt, %get3A_252, %get3A_255 : vector<16xi32>
      %select_n3A_259 = arith.select %gt3A, %get3A_258, %add3A_5 : vector<16xi1>, vector<16xi32>
      %swap3A_260 = arith.index_cast %select_n3A : i32 to index
      %swap3A_261 = arith.index_cast %mul3A_250 : i32 to index
      %swap3A_262 = tpu.vector_load %arg11[%swap3A_260, %swap3A_261] {strides = array<i32>} : memref<8x128xi32, #tpu.memory_space<vmem>>, vector<16xi32>,
      tpu.vector_store %arg11[%swap3A_260, %swap3A_261], %select_n3A_259 {strides = array<i32>} : memref<8x128xi32, #tpu.memory_space<vmem>>, vector<16xi32>,
      %jit3A_263 = arith.constant 1 : i32
      %jit3A_264 = arith.constant 0 : i32
      %broadcast_in_dim3A_265 = vector.broadcast %jit3A_263 : i32 to vector<16xi32>
      %broadcast_in_dim3A_266 = vector.broadcast %jit3A_264 : i32 to vector<16xi32>
      %select_n3A_267 = arith.select %gt3A, %broadcast_in_dim3A_265, %broadcast_in_dim3A_266 : vector<16xi1>, vector<16xi32>
      %reduce_sum3A_268 = arith.constant true
      %reduce_sum3A_269 = vector.broadcast %reduce_sum3A_268 : i1 to vector<16xi1>
      %reduce_sum3A_270 = tpu.scan <sum>, %select_n3A_267 masked %reduce_sum3A_269 : vector<16xi32>, vector<16xi1> -> vector<16xi32>
      %reduce_sum3A_271 = vector.extract %reduce_sum3A_270[15] : i32 from vector<16xi32>
      %add3A_272 = arith.addi %scan3A_217, %reduce_sum3A_271 : i32
      scf.yield %add3A_272 : i32
    }
    %scan3A_42 = arith.constant 64 : i32
    %broadcast_in_dim3A = vector.broadcast %scan3A_41 : i32 to vector<16xi32>
    %swap3A = arith.constant 0 : index
    %swap3A_43 = tpu.vector_load %arg13[%swap3A] {strides = array<i32>} : memref<16xi32, #tpu.memory_space<vmem>>, vector<16xi32>,
    tpu.vector_store %arg13[%swap3A], %broadcast_in_dim3A {strides = array<i32>} : memref<16xi32, #tpu.memory_space<vmem>>, vector<16xi32>,
    "tpu.region"() ({
      %run_scoped3A_216 = tpu.sem_alloc : memref<!tpu.dma_semaphore, #tpu.memory_space<semaphore_mem>>
      %dma_start3A_217 = arith.constant 0 : i32
      %dma_start3A_218 = tpu.memref_slice %arg7[%arg1, %dma_start3A_217] : memref<16x16xi32, #tpu.memory_space<vmem_shared>> -> memref<1x16xi32, #tpu.memory_space<vmem_shared>>
      %dma_start3A_219 = tpu.memref_squeeze %dma_start3A_218 : memref<1x16xi32, #tpu.memory_space<vmem_shared>> -> memref<16xi32, #tpu.memory_space<vmem_shared>>
      %dma_start3A_220 = arith.constant 0 : i32
      %dma_start3A_221 = tpu.memref_slice %arg7[%arg1, %dma_start3A_220] : memref<16x16xi32, #tpu.memory_space<vmem_shared>> -> memref<1x16xi32, #tpu.memory_space<vmem_shared>>
      %dma_start3A_222 = tpu.memref_squeeze %dma_start3A_221 : memref<1x16xi32, #tpu.memory_space<vmem_shared>> -> memref<16xi32, #tpu.memory_space<vmem_shared>>
      tpu.enqueue_dma source(%arg13 : memref<16xi32, #tpu.memory_space<vmem>>) target(%dma_start3A_222 : memref<16xi32, #tpu.memory_space<vmem_shared>>) target_semaphore(%run_scoped3A_216 : memref<!tpu.dma_semaphore, #tpu.memory_space<semaphore_mem>>)
      %dma_wait3A_223 = arith.constant 0 : i32
      %dma_wait3A_224 = tpu.memref_slice %arg7[%arg1, %dma_wait3A_223] : memref<16x16xi32, #tpu.memory_space<vmem_shared>> -> memref<1x16xi32, #tpu.memory_space<vmem_shared>>
      %dma_wait3A_225 = tpu.memref_squeeze %dma_wait3A_224 : memref<1x16xi32, #tpu.memory_space<vmem_shared>> -> memref<16xi32, #tpu.memory_space<vmem_shared>>
      %dma_wait3A_226 = arith.constant 0 : i32
      %dma_wait3A_227 = tpu.memref_slice %arg7[%arg1, %dma_wait3A_226] : memref<16x16xi32, #tpu.memory_space<vmem_shared>> -> memref<1x16xi32, #tpu.memory_space<vmem_shared>>
      %dma_wait3A_228 = tpu.memref_squeeze %dma_wait3A_227 : memref<1x16xi32, #tpu.memory_space<vmem_shared>> -> memref<16xi32, #tpu.memory_space<vmem_shared>>
      tpu.wait_dma2 semaphore(%run_scoped3A_216 : memref<!tpu.dma_semaphore, #tpu.memory_space<semaphore_mem>>) src(%arg13 : memref<16xi32, #tpu.memory_space<vmem>>) dst(%dma_wait3A_228 : memref<16xi32, #tpu.memory_space<vmem_shared>>)
      tpu.yield
    }) : () -> ()
    %barrier3A_44 = arith.constant 0 : index
    tpu.barrier barrier_id(%barrier3A_44)
    "tpu.region"() ({
      %run_scoped3A_216 = tpu.sem_alloc : memref<!tpu.dma_semaphore, #tpu.memory_space<semaphore_mem>>
      tpu.enqueue_dma source(%arg7 : memref<16x16xi32, #tpu.memory_space<vmem_shared>>) target(%arg14 : memref<16x16xi32, #tpu.memory_space<vmem>>) target_semaphore(%run_scoped3A_216 : memref<!tpu.dma_semaphore, #tpu.memory_space<semaphore_mem>>)
      tpu.wait_dma2 semaphore(%run_scoped3A_216 : memref<!tpu.dma_semaphore, #tpu.memory_space<semaphore_mem>>) src(%arg7 : memref<16x16xi32, #tpu.memory_space<vmem_shared>>) dst(%arg14 : memref<16x16xi32, #tpu.memory_space<vmem>>)
      tpu.yield
    }) : () -> ()
    %broadcast_in_dim3A_45 = arith.constant 0 : i32
    %broadcast_in_dim3A_46 = vector.broadcast %broadcast_in_dim3A_45 : i32 to vector<16xi32>
    %scan3A_47 = arith.constant 0 : i32
    %scan3A_48 = arith.constant 16 : i32
    %scan3A_49 = arith.addi %scan3A_47, %scan3A_48 : i32
    %scan3A_50 = arith.constant 1 : i32
    %scan3A_51 = scf.for %scan3A_216 = %scan3A_47 to %scan3A_49 step %scan3A_50 iter_args(%scan3A_217 = %broadcast_in_dim3A_46) -> (vector<16xi32>)  : i32 {
      %get3A = arith.index_cast %scan3A_216 : i32 to index
      %get3A_218 = arith.constant 0 : index
      %get3A_219 = tpu.vector_load %arg14[%get3A, %get3A_218] {strides = array<i32>} : memref<16x16xi32, #tpu.memory_space<vmem>>, vector<16xi32>,
      %add3A_220 = arith.addi %scan3A_217, %get3A_219 : vector<16xi32>
      scf.yield %add3A_220 : vector<16xi32>
    }
    %scan3A_52 = arith.constant 16 : i32
    %reduce_sum3A = arith.constant true
    %reduce_sum3A_53 = vector.broadcast %reduce_sum3A : i1 to vector<16xi1>
    %reduce_sum3A_54 = tpu.scan <sum>, %scan3A_51 masked %reduce_sum3A_53 : vector<16xi32>, vector<16xi1> -> vector<16xi32>
    %reduce_sum3A_55 = vector.extract %reduce_sum3A_54[15] : i32 from vector<16xi32>
    %while3A = scf.while (%while3A_216 = %reduce_sum3A_55) : (i32) -> i32 {
      %gt3A = arith.constant 0 : i32
      %gt3A_217 = arith.cmpi sgt, %while3A_216, %gt3A : i32
      scf.condition(%gt3A_217) %while3A_216 : i32
    } do {
    ^bb0(%while3A_216: i32):
      %run_scoped3A_217 = arith.constant 0 : i32
      %run_scoped3A_218 = arith.constant 0 : i32
      "tpu.region"() ({
        %run_scoped3A_273 = tpu.sem_alloc : memref<!tpu.dma_semaphore, #tpu.memory_space<semaphore_mem>>
        %dma_start3A_274 = arith.constant 0 : i32
        %dma_start3A_275 = tpu.memref_slice %arg9[%run_scoped3A_217, %dma_start3A_274] : memref<8x128xi32, #tpu.memory_space<vmem>> -> memref<1x128xi32, #tpu.memory_space<vmem>>
        %dma_start3A_276 = tpu.memref_squeeze %dma_start3A_275 : memref<1x128xi32, #tpu.memory_space<vmem>> -> memref<128xi32, #tpu.memory_space<vmem>>
        %dma_start3A_277 = arith.constant 0 : i32
        %dma_start3A_278 = tpu.memref_slice %arg11[%run_scoped3A_218, %dma_start3A_277] : memref<8x128xi32, #tpu.memory_space<vmem>> -> memref<1x128xi32, #tpu.memory_space<vmem>>
        %dma_start3A_279 = tpu.memref_squeeze %dma_start3A_278 : memref<1x128xi32, #tpu.memory_space<vmem>> -> memref<128xi32, #tpu.memory_space<vmem>>
        %dma_start3A_280 = arith.constant 0 : i32
        %dma_start3A_281 = tpu.memref_slice %arg6[%dma_start3A_280] : memref<1000512xi32, #tpu.memory_space<vmem_shared>> -> memref<1000512xi32, #tpu.memory_space<vmem_shared>>
        tpu.enqueue_indirect_dma source(%dma_start3A_276 : memref<128xi32, #tpu.memory_space<vmem>>) target(%dma_start3A_281 : memref<1000512xi32, #tpu.memory_space<vmem_shared>>) offsets(%dma_start3A_279 : memref<128xi32, #tpu.memory_space<vmem>>) semaphore(%run_scoped3A_273 : memref<!tpu.dma_semaphore, #tpu.memory_space<semaphore_mem>>)
        %dma_wait3A_282 = arith.constant 0 : i32
        %dma_wait3A_283 = tpu.memref_slice %arg9[%run_scoped3A_217, %dma_wait3A_282] : memref<8x128xi32, #tpu.memory_space<vmem>> -> memref<1x128xi32, #tpu.memory_space<vmem>>
        %dma_wait3A_284 = tpu.memref_squeeze %dma_wait3A_283 : memref<1x128xi32, #tpu.memory_space<vmem>> -> memref<128xi32, #tpu.memory_space<vmem>>
        %dma_wait3A_285 = arith.constant 0 : i32
        %dma_wait3A_286 = tpu.memref_slice %arg11[%run_scoped3A_218, %dma_wait3A_285] : memref<8x128xi32, #tpu.memory_space<vmem>> -> memref<1x128xi32, #tpu.memory_space<vmem>>
        %dma_wait3A_287 = tpu.memref_squeeze %dma_wait3A_286 : memref<1x128xi32, #tpu.memory_space<vmem>> -> memref<128xi32, #tpu.memory_space<vmem>>
        %dma_wait3A_288 = arith.constant 0 : i32
        %dma_wait3A_289 = tpu.memref_slice %arg6[%dma_wait3A_288] : memref<1000512xi32, #tpu.memory_space<vmem_shared>> -> memref<1000512xi32, #tpu.memory_space<vmem_shared>>
        tpu.wait_indirect_dma semaphore(%run_scoped3A_273 : memref<!tpu.dma_semaphore, #tpu.memory_space<semaphore_mem>>) src(%dma_wait3A_284 : memref<128xi32, #tpu.memory_space<vmem>>) dst(%dma_wait3A_289 : memref<1000512xi32, #tpu.memory_space<vmem_shared>>)
        tpu.yield
      }) : () -> ()
      %run_scoped3A_219 = arith.constant 1 : i32
      %run_scoped3A_220 = arith.constant 1 : i32
      "tpu.region"() ({
        %run_scoped3A_273 = tpu.sem_alloc : memref<!tpu.dma_semaphore, #tpu.memory_space<semaphore_mem>>
        %dma_start3A_274 = arith.constant 0 : i32
        %dma_start3A_275 = tpu.memref_slice %arg9[%run_scoped3A_219, %dma_start3A_274] : memref<8x128xi32, #tpu.memory_space<vmem>> -> memref<1x128xi32, #tpu.memory_space<vmem>>
        %dma_start3A_276 = tpu.memref_squeeze %dma_start3A_275 : memref<1x128xi32, #tpu.memory_space<vmem>> -> memref<128xi32, #tpu.memory_space<vmem>>
        %dma_start3A_277 = arith.constant 0 : i32
        %dma_start3A_278 = tpu.memref_slice %arg11[%run_scoped3A_220, %dma_start3A_277] : memref<8x128xi32, #tpu.memory_space<vmem>> -> memref<1x128xi32, #tpu.memory_space<vmem>>
        %dma_start3A_279 = tpu.memref_squeeze %dma_start3A_278 : memref<1x128xi32, #tpu.memory_space<vmem>> -> memref<128xi32, #tpu.memory_space<vmem>>
        %dma_start3A_280 = arith.constant 0 : i32
        %dma_start3A_281 = tpu.memref_slice %arg6[%dma_start3A_280] : memref<1000512xi32, #tpu.memory_space<vmem_shared>> -> memref<1000512xi32, #tpu.memory_space<vmem_shared>>
        tpu.enqueue_indirect_dma source(%dma_start3A_276 : memref<128xi32, #tpu.memory_space<vmem>>) target(%dma_start3A_281 : memref<1000512xi32, #tpu.memory_space<vmem_shared>>) offsets(%dma_start3A_279 : memref<128xi32, #tpu.memory_space<vmem>>) semaphore(%run_scoped3A_273 : memref<!tpu.dma_semaphore, #tpu.memory_space<semaphore_mem>>)
        %dma_wait3A_282 = arith.constant 0 : i32
        %dma_wait3A_283 = tpu.memref_slice %arg9[%run_scoped3A_219, %dma_wait3A_282] : memref<8x128xi32, #tpu.memory_space<vmem>> -> memref<1x128xi32, #tpu.memory_space<vmem>>
        %dma_wait3A_284 = tpu.memref_squeeze %dma_wait3A_283 : memref<1x128xi32, #tpu.memory_space<vmem>> -> memref<128xi32, #tpu.memory_space<vmem>>
        %dma_wait3A_285 = arith.constant 0 : i32
        %dma_wait3A_286 = tpu.memref_slice %arg11[%run_scoped3A_220, %dma_wait3A_285] : memref<8x128xi32, #tpu.memory_space<vmem>> -> memref<1x128xi32, #tpu.memory_space<vmem>>
        %dma_wait3A_287 = tpu.memref_squeeze %dma_wait3A_286 : memref<1x128xi32, #tpu.memory_space<vmem>> -> memref<128xi32, #tpu.memory_space<vmem>>
        %dma_wait3A_288 = arith.constant 0 : i32
        %dma_wait3A_289 = tpu.memref_slice %arg6[%dma_wait3A_288] : memref<1000512xi32, #tpu.memory_space<vmem_shared>> -> memref<1000512xi32, #tpu.memory_space<vmem_shared>>
        tpu.wait_indirect_dma semaphore(%run_scoped3A_273 : memref<!tpu.dma_semaphore, #tpu.memory_space<semaphore_mem>>) src(%dma_wait3A_284 : memref<128xi32, #tpu.memory_space<vmem>>) dst(%dma_wait3A_289 : memref<1000512xi32, #tpu.memory_space<vmem_shared>>)
        tpu.yield
      }) : () -> ()
      %run_scoped3A_221 = arith.constant 2 : i32
      %run_scoped3A_222 = arith.constant 2 : i32
      "tpu.region"() ({
        %run_scoped3A_273 = tpu.sem_alloc : memref<!tpu.dma_semaphore, #tpu.memory_space<semaphore_mem>>
        %dma_start3A_274 = arith.constant 0 : i32
        %dma_start3A_275 = tpu.memref_slice %arg9[%run_scoped3A_221, %dma_start3A_274] : memref<8x128xi32, #tpu.memory_space<vmem>> -> memref<1x128xi32, #tpu.memory_space<vmem>>
        %dma_start3A_276 = tpu.memref_squeeze %dma_start3A_275 : memref<1x128xi32, #tpu.memory_space<vmem>> -> memref<128xi32, #tpu.memory_space<vmem>>
        %dma_start3A_277 = arith.constant 0 : i32
        %dma_start3A_278 = tpu.memref_slice %arg11[%run_scoped3A_222, %dma_start3A_277] : memref<8x128xi32, #tpu.memory_space<vmem>> -> memref<1x128xi32, #tpu.memory_space<vmem>>
        %dma_start3A_279 = tpu.memref_squeeze %dma_start3A_278 : memref<1x128xi32, #tpu.memory_space<vmem>> -> memref<128xi32, #tpu.memory_space<vmem>>
        %dma_start3A_280 = arith.constant 0 : i32
        %dma_start3A_281 = tpu.memref_slice %arg6[%dma_start3A_280] : memref<1000512xi32, #tpu.memory_space<vmem_shared>> -> memref<1000512xi32, #tpu.memory_space<vmem_shared>>
        tpu.enqueue_indirect_dma source(%dma_start3A_276 : memref<128xi32, #tpu.memory_space<vmem>>) target(%dma_start3A_281 : memref<1000512xi32, #tpu.memory_space<vmem_shared>>) offsets(%dma_start3A_279 : memref<128xi32, #tpu.memory_space<vmem>>) semaphore(%run_scoped3A_273 : memref<!tpu.dma_semaphore, #tpu.memory_space<semaphore_mem>>)
        %dma_wait3A_282 = arith.constant 0 : i32
        %dma_wait3A_283 = tpu.memref_slice %arg9[%run_scoped3A_221, %dma_wait3A_282] : memref<8x128xi32, #tpu.memory_space<vmem>> -> memref<1x128xi32, #tpu.memory_space<vmem>>
        %dma_wait3A_284 = tpu.memref_squeeze %dma_wait3A_283 : memref<1x128xi32, #tpu.memory_space<vmem>> -> memref<128xi32, #tpu.memory_space<vmem>>
        %dma_wait3A_285 = arith.constant 0 : i32
        %dma_wait3A_286 = tpu.memref_slice %arg11[%run_scoped3A_222, %dma_wait3A_285] : memref<8x128xi32, #tpu.memory_space<vmem>> -> memref<1x128xi32, #tpu.memory_space<vmem>>
        %dma_wait3A_287 = tpu.memref_squeeze %dma_wait3A_286 : memref<1x128xi32, #tpu.memory_space<vmem>> -> memref<128xi32, #tpu.memory_space<vmem>>
        %dma_wait3A_288 = arith.constant 0 : i32
        %dma_wait3A_289 = tpu.memref_slice %arg6[%dma_wait3A_288] : memref<1000512xi32, #tpu.memory_space<vmem_shared>> -> memref<1000512xi32, #tpu.memory_space<vmem_shared>>
        tpu.wait_indirect_dma semaphore(%run_scoped3A_273 : memref<!tpu.dma_semaphore, #tpu.memory_space<semaphore_mem>>) src(%dma_wait3A_284 : memref<128xi32, #tpu.memory_space<vmem>>) dst(%dma_wait3A_289 : memref<1000512xi32, #tpu.memory_space<vmem_shared>>)
        tpu.yield
      }) : () -> ()
      %run_scoped3A_223 = arith.constant 3 : i32
      %run_scoped3A_224 = arith.constant 3 : i32
      "tpu.region"() ({
        %run_scoped3A_273 = tpu.sem_alloc : memref<!tpu.dma_semaphore, #tpu.memory_space<semaphore_mem>>
        %dma_start3A_274 = arith.constant 0 : i32
        %dma_start3A_275 = tpu.memref_slice %arg9[%run_scoped3A_223, %dma_start3A_274] : memref<8x128xi32, #tpu.memory_space<vmem>> -> memref<1x128xi32, #tpu.memory_space<vmem>>
        %dma_start3A_276 = tpu.memref_squeeze %dma_start3A_275 : memref<1x128xi32, #tpu.memory_space<vmem>> -> memref<128xi32, #tpu.memory_space<vmem>>
        %dma_start3A_277 = arith.constant 0 : i32
        %dma_start3A_278 = tpu.memref_slice %arg11[%run_scoped3A_224, %dma_start3A_277] : memref<8x128xi32, #tpu.memory_space<vmem>> -> memref<1x128xi32, #tpu.memory_space<vmem>>
        %dma_start3A_279 = tpu.memref_squeeze %dma_start3A_278 : memref<1x128xi32, #tpu.memory_space<vmem>> -> memref<128xi32, #tpu.memory_space<vmem>>
        %dma_start3A_280 = arith.constant 0 : i32
        %dma_start3A_281 = tpu.memref_slice %arg6[%dma_start3A_280] : memref<1000512xi32, #tpu.memory_space<vmem_shared>> -> memref<1000512xi32, #tpu.memory_space<vmem_shared>>
        tpu.enqueue_indirect_dma source(%dma_start3A_276 : memref<128xi32, #tpu.memory_space<vmem>>) target(%dma_start3A_281 : memref<1000512xi32, #tpu.memory_space<vmem_shared>>) offsets(%dma_start3A_279 : memref<128xi32, #tpu.memory_space<vmem>>) semaphore(%run_scoped3A_273 : memref<!tpu.dma_semaphore, #tpu.memory_space<semaphore_mem>>)
        %dma_wait3A_282 = arith.constant 0 : i32
        %dma_wait3A_283 = tpu.memref_slice %arg9[%run_scoped3A_223, %dma_wait3A_282] : memref<8x128xi32, #tpu.memory_space<vmem>> -> memref<1x128xi32, #tpu.memory_space<vmem>>
        %dma_wait3A_284 = tpu.memref_squeeze %dma_wait3A_283 : memref<1x128xi32, #tpu.memory_space<vmem>> -> memref<128xi32, #tpu.memory_space<vmem>>
        %dma_wait3A_285 = arith.constant 0 : i32
        %dma_wait3A_286 = tpu.memref_slice %arg11[%run_scoped3A_224, %dma_wait3A_285] : memref<8x128xi32, #tpu.memory_space<vmem>> -> memref<1x128xi32, #tpu.memory_space<vmem>>
        %dma_wait3A_287 = tpu.memref_squeeze %dma_wait3A_286 : memref<1x128xi32, #tpu.memory_space<vmem>> -> memref<128xi32, #tpu.memory_space<vmem>>
        %dma_wait3A_288 = arith.constant 0 : i32
        %dma_wait3A_289 = tpu.memref_slice %arg6[%dma_wait3A_288] : memref<1000512xi32, #tpu.memory_space<vmem_shared>> -> memref<1000512xi32, #tpu.memory_space<vmem_shared>>
        tpu.wait_indirect_dma semaphore(%run_scoped3A_273 : memref<!tpu.dma_semaphore, #tpu.memory_space<semaphore_mem>>) src(%dma_wait3A_284 : memref<128xi32, #tpu.memory_space<vmem>>) dst(%dma_wait3A_289 : memref<1000512xi32, #tpu.memory_space<vmem_shared>>)
        tpu.yield
      }) : () -> ()
      %run_scoped3A_225 = arith.constant 4 : i32
      %run_scoped3A_226 = arith.constant 4 : i32
      "tpu.region"() ({
        %run_scoped3A_273 = tpu.sem_alloc : memref<!tpu.dma_semaphore, #tpu.memory_space<semaphore_mem>>
        %dma_start3A_274 = arith.constant 0 : i32
        %dma_start3A_275 = tpu.memref_slice %arg9[%run_scoped3A_225, %dma_start3A_274] : memref<8x128xi32, #tpu.memory_space<vmem>> -> memref<1x128xi32, #tpu.memory_space<vmem>>
        %dma_start3A_276 = tpu.memref_squeeze %dma_start3A_275 : memref<1x128xi32, #tpu.memory_space<vmem>> -> memref<128xi32, #tpu.memory_space<vmem>>
        %dma_start3A_277 = arith.constant 0 : i32
        %dma_start3A_278 = tpu.memref_slice %arg11[%run_scoped3A_226, %dma_start3A_277] : memref<8x128xi32, #tpu.memory_space<vmem>> -> memref<1x128xi32, #tpu.memory_space<vmem>>
        %dma_start3A_279 = tpu.memref_squeeze %dma_start3A_278 : memref<1x128xi32, #tpu.memory_space<vmem>> -> memref<128xi32, #tpu.memory_space<vmem>>
        %dma_start3A_280 = arith.constant 0 : i32
        %dma_start3A_281 = tpu.memref_slice %arg6[%dma_start3A_280] : memref<1000512xi32, #tpu.memory_space<vmem_shared>> -> memref<1000512xi32, #tpu.memory_space<vmem_shared>>
        tpu.enqueue_indirect_dma source(%dma_start3A_276 : memref<128xi32, #tpu.memory_space<vmem>>) target(%dma_start3A_281 : memref<1000512xi32, #tpu.memory_space<vmem_shared>>) offsets(%dma_start3A_279 : memref<128xi32, #tpu.memory_space<vmem>>) semaphore(%run_scoped3A_273 : memref<!tpu.dma_semaphore, #tpu.memory_space<semaphore_mem>>)
        %dma_wait3A_282 = arith.constant 0 : i32
        %dma_wait3A_283 = tpu.memref_slice %arg9[%run_scoped3A_225, %dma_wait3A_282] : memref<8x128xi32, #tpu.memory_space<vmem>> -> memref<1x128xi32, #tpu.memory_space<vmem>>
        %dma_wait3A_284 = tpu.memref_squeeze %dma_wait3A_283 : memref<1x128xi32, #tpu.memory_space<vmem>> -> memref<128xi32, #tpu.memory_space<vmem>>
        %dma_wait3A_285 = arith.constant 0 : i32
        %dma_wait3A_286 = tpu.memref_slice %arg11[%run_scoped3A_226, %dma_wait3A_285] : memref<8x128xi32, #tpu.memory_space<vmem>> -> memref<1x128xi32, #tpu.memory_space<vmem>>
        %dma_wait3A_287 = tpu.memref_squeeze %dma_wait3A_286 : memref<1x128xi32, #tpu.memory_space<vmem>> -> memref<128xi32, #tpu.memory_space<vmem>>
        %dma_wait3A_288 = arith.constant 0 : i32
        %dma_wait3A_289 = tpu.memref_slice %arg6[%dma_wait3A_288] : memref<1000512xi32, #tpu.memory_space<vmem_shared>> -> memref<1000512xi32, #tpu.memory_space<vmem_shared>>
        tpu.wait_indirect_dma semaphore(%run_scoped3A_273 : memref<!tpu.dma_semaphore, #tpu.memory_space<semaphore_mem>>) src(%dma_wait3A_284 : memref<128xi32, #tpu.memory_space<vmem>>) dst(%dma_wait3A_289 : memref<1000512xi32, #tpu.memory_space<vmem_shared>>)
        tpu.yield
      }) : () -> ()
      %run_scoped3A_227 = arith.constant 5 : i32
      %run_scoped3A_228 = arith.constant 5 : i32
      "tpu.region"() ({
        %run_scoped3A_273 = tpu.sem_alloc : memref<!tpu.dma_semaphore, #tpu.memory_space<semaphore_mem>>
        %dma_start3A_274 = arith.constant 0 : i32
        %dma_start3A_275 = tpu.memref_slice %arg9[%run_scoped3A_227, %dma_start3A_274] : memref<8x128xi32, #tpu.memory_space<vmem>> -> memref<1x128xi32, #tpu.memory_space<vmem>>
        %dma_start3A_276 = tpu.memref_squeeze %dma_start3A_275 : memref<1x128xi32, #tpu.memory_space<vmem>> -> memref<128xi32, #tpu.memory_space<vmem>>
        %dma_start3A_277 = arith.constant 0 : i32
        %dma_start3A_278 = tpu.memref_slice %arg11[%run_scoped3A_228, %dma_start3A_277] : memref<8x128xi32, #tpu.memory_space<vmem>> -> memref<1x128xi32, #tpu.memory_space<vmem>>
        %dma_start3A_279 = tpu.memref_squeeze %dma_start3A_278 : memref<1x128xi32, #tpu.memory_space<vmem>> -> memref<128xi32, #tpu.memory_space<vmem>>
        %dma_start3A_280 = arith.constant 0 : i32
        %dma_start3A_281 = tpu.memref_slice %arg6[%dma_start3A_280] : memref<1000512xi32, #tpu.memory_space<vmem_shared>> -> memref<1000512xi32, #tpu.memory_space<vmem_shared>>
        tpu.enqueue_indirect_dma source(%dma_start3A_276 : memref<128xi32, #tpu.memory_space<vmem>>) target(%dma_start3A_281 : memref<1000512xi32, #tpu.memory_space<vmem_shared>>) offsets(%dma_start3A_279 : memref<128xi32, #tpu.memory_space<vmem>>) semaphore(%run_scoped3A_273 : memref<!tpu.dma_semaphore, #tpu.memory_space<semaphore_mem>>)
        %dma_wait3A_282 = arith.constant 0 : i32
        %dma_wait3A_283 = tpu.memref_slice %arg9[%run_scoped3A_227, %dma_wait3A_282] : memref<8x128xi32, #tpu.memory_space<vmem>> -> memref<1x128xi32, #tpu.memory_space<vmem>>
        %dma_wait3A_284 = tpu.memref_squeeze %dma_wait3A_283 : memref<1x128xi32, #tpu.memory_space<vmem>> -> memref<128xi32, #tpu.memory_space<vmem>>
        %dma_wait3A_285 = arith.constant 0 : i32
        %dma_wait3A_286 = tpu.memref_slice %arg11[%run_scoped3A_228, %dma_wait3A_285] : memref<8x128xi32, #tpu.memory_space<vmem>> -> memref<1x128xi32, #tpu.memory_space<vmem>>
        %dma_wait3A_287 = tpu.memref_squeeze %dma_wait3A_286 : memref<1x128xi32, #tpu.memory_space<vmem>> -> memref<128xi32, #tpu.memory_space<vmem>>
        %dma_wait3A_288 = arith.constant 0 : i32
        %dma_wait3A_289 = tpu.memref_slice %arg6[%dma_wait3A_288] : memref<1000512xi32, #tpu.memory_space<vmem_shared>> -> memref<1000512xi32, #tpu.memory_space<vmem_shared>>
        tpu.wait_indirect_dma semaphore(%run_scoped3A_273 : memref<!tpu.dma_semaphore, #tpu.memory_space<semaphore_mem>>) src(%dma_wait3A_284 : memref<128xi32, #tpu.memory_space<vmem>>) dst(%dma_wait3A_289 : memref<1000512xi32, #tpu.memory_space<vmem_shared>>)
        tpu.yield
      }) : () -> ()
      %run_scoped3A_229 = arith.constant 6 : i32
      %run_scoped3A_230 = arith.constant 6 : i32
      "tpu.region"() ({
        %run_scoped3A_273 = tpu.sem_alloc : memref<!tpu.dma_semaphore, #tpu.memory_space<semaphore_mem>>
        %dma_start3A_274 = arith.constant 0 : i32
        %dma_start3A_275 = tpu.memref_slice %arg9[%run_scoped3A_229, %dma_start3A_274] : memref<8x128xi32, #tpu.memory_space<vmem>> -> memref<1x128xi32, #tpu.memory_space<vmem>>
        %dma_start3A_276 = tpu.memref_squeeze %dma_start3A_275 : memref<1x128xi32, #tpu.memory_space<vmem>> -> memref<128xi32, #tpu.memory_space<vmem>>
        %dma_start3A_277 = arith.constant 0 : i32
        %dma_start3A_278 = tpu.memref_slice %arg11[%run_scoped3A_230, %dma_start3A_277] : memref<8x128xi32, #tpu.memory_space<vmem>> -> memref<1x128xi32, #tpu.memory_space<vmem>>
        %dma_start3A_279 = tpu.memref_squeeze %dma_start3A_278 : memref<1x128xi32, #tpu.memory_space<vmem>> -> memref<128xi32, #tpu.memory_space<vmem>>
        %dma_start3A_280 = arith.constant 0 : i32
        %dma_start3A_281 = tpu.memref_slice %arg6[%dma_start3A_280] : memref<1000512xi32, #tpu.memory_space<vmem_shared>> -> memref<1000512xi32, #tpu.memory_space<vmem_shared>>
        tpu.enqueue_indirect_dma source(%dma_start3A_276 : memref<128xi32, #tpu.memory_space<vmem>>) target(%dma_start3A_281 : memref<1000512xi32, #tpu.memory_space<vmem_shared>>) offsets(%dma_start3A_279 : memref<128xi32, #tpu.memory_space<vmem>>) semaphore(%run_scoped3A_273 : memref<!tpu.dma_semaphore, #tpu.memory_space<semaphore_mem>>)
        %dma_wait3A_282 = arith.constant 0 : i32
        %dma_wait3A_283 = tpu.memref_slice %arg9[%run_scoped3A_229, %dma_wait3A_282] : memref<8x128xi32, #tpu.memory_space<vmem>> -> memref<1x128xi32, #tpu.memory_space<vmem>>
        %dma_wait3A_284 = tpu.memref_squeeze %dma_wait3A_283 : memref<1x128xi32, #tpu.memory_space<vmem>> -> memref<128xi32, #tpu.memory_space<vmem>>
        %dma_wait3A_285 = arith.constant 0 : i32
        %dma_wait3A_286 = tpu.memref_slice %arg11[%run_scoped3A_230, %dma_wait3A_285] : memref<8x128xi32, #tpu.memory_space<vmem>> -> memref<1x128xi32, #tpu.memory_space<vmem>>
        %dma_wait3A_287 = tpu.memref_squeeze %dma_wait3A_286 : memref<1x128xi32, #tpu.memory_space<vmem>> -> memref<128xi32, #tpu.memory_space<vmem>>
        %dma_wait3A_288 = arith.constant 0 : i32
        %dma_wait3A_289 = tpu.memref_slice %arg6[%dma_wait3A_288] : memref<1000512xi32, #tpu.memory_space<vmem_shared>> -> memref<1000512xi32, #tpu.memory_space<vmem_shared>>
        tpu.wait_indirect_dma semaphore(%run_scoped3A_273 : memref<!tpu.dma_semaphore, #tpu.memory_space<semaphore_mem>>) src(%dma_wait3A_284 : memref<128xi32, #tpu.memory_space<vmem>>) dst(%dma_wait3A_289 : memref<1000512xi32, #tpu.memory_space<vmem_shared>>)
        tpu.yield
      }) : () -> ()
      %run_scoped3A_231 = arith.constant 7 : i32
      %run_scoped3A_232 = arith.constant 7 : i32
      "tpu.region"() ({
        %run_scoped3A_273 = tpu.sem_alloc : memref<!tpu.dma_semaphore, #tpu.memory_space<semaphore_mem>>
        %dma_start3A_274 = arith.constant 0 : i32
        %dma_start3A_275 = tpu.memref_slice %arg9[%run_scoped3A_231, %dma_start3A_274] : memref<8x128xi32, #tpu.memory_space<vmem>> -> memref<1x128xi32, #tpu.memory_space<vmem>>
        %dma_start3A_276 = tpu.memref_squeeze %dma_start3A_275 : memref<1x128xi32, #tpu.memory_space<vmem>> -> memref<128xi32, #tpu.memory_space<vmem>>
        %dma_start3A_277 = arith.constant 0 : i32
        %dma_start3A_278 = tpu.memref_slice %arg11[%run_scoped3A_232, %dma_start3A_277] : memref<8x128xi32, #tpu.memory_space<vmem>> -> memref<1x128xi32, #tpu.memory_space<vmem>>
        %dma_start3A_279 = tpu.memref_squeeze %dma_start3A_278 : memref<1x128xi32, #tpu.memory_space<vmem>> -> memref<128xi32, #tpu.memory_space<vmem>>
        %dma_start3A_280 = arith.constant 0 : i32
        %dma_start3A_281 = tpu.memref_slice %arg6[%dma_start3A_280] : memref<1000512xi32, #tpu.memory_space<vmem_shared>> -> memref<1000512xi32, #tpu.memory_space<vmem_shared>>
        tpu.enqueue_indirect_dma source(%dma_start3A_276 : memref<128xi32, #tpu.memory_space<vmem>>) target(%dma_start3A_281 : memref<1000512xi32, #tpu.memory_space<vmem_shared>>) offsets(%dma_start3A_279 : memref<128xi32, #tpu.memory_space<vmem>>) semaphore(%run_scoped3A_273 : memref<!tpu.dma_semaphore, #tpu.memory_space<semaphore_mem>>)
        %dma_wait3A_282 = arith.constant 0 : i32
        %dma_wait3A_283 = tpu.memref_slice %arg9[%run_scoped3A_231, %dma_wait3A_282] : memref<8x128xi32, #tpu.memory_space<vmem>> -> memref<1x128xi32, #tpu.memory_space<vmem>>
        %dma_wait3A_284 = tpu.memref_squeeze %dma_wait3A_283 : memref<1x128xi32, #tpu.memory_space<vmem>> -> memref<128xi32, #tpu.memory_space<vmem>>
        %dma_wait3A_285 = arith.constant 0 : i32
        %dma_wait3A_286 = tpu.memref_slice %arg11[%run_scoped3A_232, %dma_wait3A_285] : memref<8x128xi32, #tpu.memory_space<vmem>> -> memref<1x128xi32, #tpu.memory_space<vmem>>
        %dma_wait3A_287 = tpu.memref_squeeze %dma_wait3A_286 : memref<1x128xi32, #tpu.memory_space<vmem>> -> memref<128xi32, #tpu.memory_space<vmem>>
        %dma_wait3A_288 = arith.constant 0 : i32
        %dma_wait3A_289 = tpu.memref_slice %arg6[%dma_wait3A_288] : memref<1000512xi32, #tpu.memory_space<vmem_shared>> -> memref<1000512xi32, #tpu.memory_space<vmem_shared>>
        tpu.wait_indirect_dma semaphore(%run_scoped3A_273 : memref<!tpu.dma_semaphore, #tpu.memory_space<semaphore_mem>>) src(%dma_wait3A_284 : memref<128xi32, #tpu.memory_space<vmem>>) dst(%dma_wait3A_289 : memref<1000512xi32, #tpu.memory_space<vmem_shared>>)
        tpu.yield
      }) : () -> ()
      %barrier3A_233 = arith.constant 0 : index
      tpu.barrier barrier_id(%barrier3A_233)
      %run_scoped3A_234 = arith.constant 0 : i32
      %run_scoped3A_235 = arith.constant 0 : i32
      "tpu.region"() ({
        %run_scoped3A_273 = tpu.sem_alloc : memref<!tpu.dma_semaphore, #tpu.memory_space<semaphore_mem>>
        %dma_start3A_274 = arith.constant 0 : i32
        %dma_start3A_275 = tpu.memref_slice %arg10[%run_scoped3A_235, %dma_start3A_274] : memref<8x128xi32, #tpu.memory_space<vmem>> -> memref<1x128xi32, #tpu.memory_space<vmem>>
        %dma_start3A_276 = tpu.memref_squeeze %dma_start3A_275 : memref<1x128xi32, #tpu.memory_space<vmem>> -> memref<128xi32, #tpu.memory_space<vmem>>
        %dma_start3A_277 = arith.constant 0 : i32
        %dma_start3A_278 = tpu.memref_slice %arg8[%run_scoped3A_234, %dma_start3A_277] : memref<8x128xi32, #tpu.memory_space<vmem>> -> memref<1x128xi32, #tpu.memory_space<vmem>>
        %dma_start3A_279 = tpu.memref_squeeze %dma_start3A_278 : memref<1x128xi32, #tpu.memory_space<vmem>> -> memref<128xi32, #tpu.memory_space<vmem>>
        %dma_start3A_280 = arith.constant 0 : i32
        %dma_start3A_281 = tpu.memref_slice %arg6[%dma_start3A_280] : memref<1000512xi32, #tpu.memory_space<vmem_shared>> -> memref<1000512xi32, #tpu.memory_space<vmem_shared>>
        tpu.enqueue_indirect_dma source(%dma_start3A_281 : memref<1000512xi32, #tpu.memory_space<vmem_shared>>) target(%dma_start3A_276 : memref<128xi32, #tpu.memory_space<vmem>>) offsets(%dma_start3A_279 : memref<128xi32, #tpu.memory_space<vmem>>) semaphore(%run_scoped3A_273 : memref<!tpu.dma_semaphore, #tpu.memory_space<semaphore_mem>>)
        %dma_wait3A_282 = arith.constant 0 : i32
        %dma_wait3A_283 = tpu.memref_slice %arg10[%run_scoped3A_235, %dma_wait3A_282] : memref<8x128xi32, #tpu.memory_space<vmem>> -> memref<1x128xi32, #tpu.memory_space<vmem>>
        %dma_wait3A_284 = tpu.memref_squeeze %dma_wait3A_283 : memref<1x128xi32, #tpu.memory_space<vmem>> -> memref<128xi32, #tpu.memory_space<vmem>>
        %dma_wait3A_285 = arith.constant 0 : i32
        %dma_wait3A_286 = tpu.memref_slice %arg8[%run_scoped3A_234, %dma_wait3A_285] : memref<8x128xi32, #tpu.memory_space<vmem>> -> memref<1x128xi32, #tpu.memory_space<vmem>>
        %dma_wait3A_287 = tpu.memref_squeeze %dma_wait3A_286 : memref<1x128xi32, #tpu.memory_space<vmem>> -> memref<128xi32, #tpu.memory_space<vmem>>
        %dma_wait3A_288 = arith.constant 0 : i32
        %dma_wait3A_289 = tpu.memref_slice %arg6[%dma_wait3A_288] : memref<1000512xi32, #tpu.memory_space<vmem_shared>> -> memref<1000512xi32, #tpu.memory_space<vmem_shared>>
        tpu.wait_indirect_dma semaphore(%run_scoped3A_273 : memref<!tpu.dma_semaphore, #tpu.memory_space<semaphore_mem>>) src(%dma_wait3A_289 : memref<1000512xi32, #tpu.memory_space<vmem_shared>>) dst(%dma_wait3A_284 : memref<128xi32, #tpu.memory_space<vmem>>)
        tpu.yield
      }) : () -> ()
      %run_scoped3A_236 = arith.constant 1 : i32
      %run_scoped3A_237 = arith.constant 1 : i32
      "tpu.region"() ({
        %run_scoped3A_273 = tpu.sem_alloc : memref<!tpu.dma_semaphore, #tpu.memory_space<semaphore_mem>>
        %dma_start3A_274 = arith.constant 0 : i32
        %dma_start3A_275 = tpu.memref_slice %arg10[%run_scoped3A_237, %dma_start3A_274] : memref<8x128xi32, #tpu.memory_space<vmem>> -> memref<1x128xi32, #tpu.memory_space<vmem>>
        %dma_start3A_276 = tpu.memref_squeeze %dma_start3A_275 : memref<1x128xi32, #tpu.memory_space<vmem>> -> memref<128xi32, #tpu.memory_space<vmem>>
        %dma_start3A_277 = arith.constant 0 : i32
        %dma_start3A_278 = tpu.memref_slice %arg8[%run_scoped3A_236, %dma_start3A_277] : memref<8x128xi32, #tpu.memory_space<vmem>> -> memref<1x128xi32, #tpu.memory_space<vmem>>
        %dma_start3A_279 = tpu.memref_squeeze %dma_start3A_278 : memref<1x128xi32, #tpu.memory_space<vmem>> -> memref<128xi32, #tpu.memory_space<vmem>>
        %dma_start3A_280 = arith.constant 0 : i32
        %dma_start3A_281 = tpu.memref_slice %arg6[%dma_start3A_280] : memref<1000512xi32, #tpu.memory_space<vmem_shared>> -> memref<1000512xi32, #tpu.memory_space<vmem_shared>>
        tpu.enqueue_indirect_dma source(%dma_start3A_281 : memref<1000512xi32, #tpu.memory_space<vmem_shared>>) target(%dma_start3A_276 : memref<128xi32, #tpu.memory_space<vmem>>) offsets(%dma_start3A_279 : memref<128xi32, #tpu.memory_space<vmem>>) semaphore(%run_scoped3A_273 : memref<!tpu.dma_semaphore, #tpu.memory_space<semaphore_mem>>)
        %dma_wait3A_282 = arith.constant 0 : i32
        %dma_wait3A_283 = tpu.memref_slice %arg10[%run_scoped3A_237, %dma_wait3A_282] : memref<8x128xi32, #tpu.memory_space<vmem>> -> memref<1x128xi32, #tpu.memory_space<vmem>>
        %dma_wait3A_284 = tpu.memref_squeeze %dma_wait3A_283 : memref<1x128xi32, #tpu.memory_space<vmem>> -> memref<128xi32, #tpu.memory_space<vmem>>
        %dma_wait3A_285 = arith.constant 0 : i32
        %dma_wait3A_286 = tpu.memref_slice %arg8[%run_scoped3A_236, %dma_wait3A_285] : memref<8x128xi32, #tpu.memory_space<vmem>> -> memref<1x128xi32, #tpu.memory_space<vmem>>
        %dma_wait3A_287 = tpu.memref_squeeze %dma_wait3A_286 : memref<1x128xi32, #tpu.memory_space<vmem>> -> memref<128xi32, #tpu.memory_space<vmem>>
        %dma_wait3A_288 = arith.constant 0 : i32
        %dma_wait3A_289 = tpu.memref_slice %arg6[%dma_wait3A_288] : memref<1000512xi32, #tpu.memory_space<vmem_shared>> -> memref<1000512xi32, #tpu.memory_space<vmem_shared>>
        tpu.wait_indirect_dma semaphore(%run_scoped3A_273 : memref<!tpu.dma_semaphore, #tpu.memory_space<semaphore_mem>>) src(%dma_wait3A_289 : memref<1000512xi32, #tpu.memory_space<vmem_shared>>) dst(%dma_wait3A_284 : memref<128xi32, #tpu.memory_space<vmem>>)
        tpu.yield
      }) : () -> ()
      %run_scoped3A_238 = arith.constant 2 : i32
      %run_scoped3A_239 = arith.constant 2 : i32
      "tpu.region"() ({
        %run_scoped3A_273 = tpu.sem_alloc : memref<!tpu.dma_semaphore, #tpu.memory_space<semaphore_mem>>
        %dma_start3A_274 = arith.constant 0 : i32
        %dma_start3A_275 = tpu.memref_slice %arg10[%run_scoped3A_239, %dma_start3A_274] : memref<8x128xi32, #tpu.memory_space<vmem>> -> memref<1x128xi32, #tpu.memory_space<vmem>>
        %dma_start3A_276 = tpu.memref_squeeze %dma_start3A_275 : memref<1x128xi32, #tpu.memory_space<vmem>> -> memref<128xi32, #tpu.memory_space<vmem>>
        %dma_start3A_277 = arith.constant 0 : i32
        %dma_start3A_278 = tpu.memref_slice %arg8[%run_scoped3A_238, %dma_start3A_277] : memref<8x128xi32, #tpu.memory_space<vmem>> -> memref<1x128xi32, #tpu.memory_space<vmem>>
        %dma_start3A_279 = tpu.memref_squeeze %dma_start3A_278 : memref<1x128xi32, #tpu.memory_space<vmem>> -> memref<128xi32, #tpu.memory_space<vmem>>
        %dma_start3A_280 = arith.constant 0 : i32
        %dma_start3A_281 = tpu.memref_slice %arg6[%dma_start3A_280] : memref<1000512xi32, #tpu.memory_space<vmem_shared>> -> memref<1000512xi32, #tpu.memory_space<vmem_shared>>
        tpu.enqueue_indirect_dma source(%dma_start3A_281 : memref<1000512xi32, #tpu.memory_space<vmem_shared>>) target(%dma_start3A_276 : memref<128xi32, #tpu.memory_space<vmem>>) offsets(%dma_start3A_279 : memref<128xi32, #tpu.memory_space<vmem>>) semaphore(%run_scoped3A_273 : memref<!tpu.dma_semaphore, #tpu.memory_space<semaphore_mem>>)
        %dma_wait3A_282 = arith.constant 0 : i32
        %dma_wait3A_283 = tpu.memref_slice %arg10[%run_scoped3A_239, %dma_wait3A_282] : memref<8x128xi32, #tpu.memory_space<vmem>> -> memref<1x128xi32, #tpu.memory_space<vmem>>
        %dma_wait3A_284 = tpu.memref_squeeze %dma_wait3A_283 : memref<1x128xi32, #tpu.memory_space<vmem>> -> memref<128xi32, #tpu.memory_space<vmem>>
        %dma_wait3A_285 = arith.constant 0 : i32
        %dma_wait3A_286 = tpu.memref_slice %arg8[%run_scoped3A_238, %dma_wait3A_285] : memref<8x128xi32, #tpu.memory_space<vmem>> -> memref<1x128xi32, #tpu.memory_space<vmem>>
        %dma_wait3A_287 = tpu.memref_squeeze %dma_wait3A_286 : memref<1x128xi32, #tpu.memory_space<vmem>> -> memref<128xi32, #tpu.memory_space<vmem>>
        %dma_wait3A_288 = arith.constant 0 : i32
        %dma_wait3A_289 = tpu.memref_slice %arg6[%dma_wait3A_288] : memref<1000512xi32, #tpu.memory_space<vmem_shared>> -> memref<1000512xi32, #tpu.memory_space<vmem_shared>>
        tpu.wait_indirect_dma semaphore(%run_scoped3A_273 : memref<!tpu.dma_semaphore, #tpu.memory_space<semaphore_mem>>) src(%dma_wait3A_289 : memref<1000512xi32, #tpu.memory_space<vmem_shared>>) dst(%dma_wait3A_284 : memref<128xi32, #tpu.memory_space<vmem>>)
        tpu.yield
      }) : () -> ()
      %run_scoped3A_240 = arith.constant 3 : i32
      %run_scoped3A_241 = arith.constant 3 : i32
      "tpu.region"() ({
        %run_scoped3A_273 = tpu.sem_alloc : memref<!tpu.dma_semaphore, #tpu.memory_space<semaphore_mem>>
        %dma_start3A_274 = arith.constant 0 : i32
        %dma_start3A_275 = tpu.memref_slice %arg10[%run_scoped3A_241, %dma_start3A_274] : memref<8x128xi32, #tpu.memory_space<vmem>> -> memref<1x128xi32, #tpu.memory_space<vmem>>
        %dma_start3A_276 = tpu.memref_squeeze %dma_start3A_275 : memref<1x128xi32, #tpu.memory_space<vmem>> -> memref<128xi32, #tpu.memory_space<vmem>>
        %dma_start3A_277 = arith.constant 0 : i32
        %dma_start3A_278 = tpu.memref_slice %arg8[%run_scoped3A_240, %dma_start3A_277] : memref<8x128xi32, #tpu.memory_space<vmem>> -> memref<1x128xi32, #tpu.memory_space<vmem>>
        %dma_start3A_279 = tpu.memref_squeeze %dma_start3A_278 : memref<1x128xi32, #tpu.memory_space<vmem>> -> memref<128xi32, #tpu.memory_space<vmem>>
        %dma_start3A_280 = arith.constant 0 : i32
        %dma_start3A_281 = tpu.memref_slice %arg6[%dma_start3A_280] : memref<1000512xi32, #tpu.memory_space<vmem_shared>> -> memref<1000512xi32, #tpu.memory_space<vmem_shared>>
        tpu.enqueue_indirect_dma source(%dma_start3A_281 : memref<1000512xi32, #tpu.memory_space<vmem_shared>>) target(%dma_start3A_276 : memref<128xi32, #tpu.memory_space<vmem>>) offsets(%dma_start3A_279 : memref<128xi32, #tpu.memory_space<vmem>>) semaphore(%run_scoped3A_273 : memref<!tpu.dma_semaphore, #tpu.memory_space<semaphore_mem>>)
        %dma_wait3A_282 = arith.constant 0 : i32
        %dma_wait3A_283 = tpu.memref_slice %arg10[%run_scoped3A_241, %dma_wait3A_282] : memref<8x128xi32, #tpu.memory_space<vmem>> -> memref<1x128xi32, #tpu.memory_space<vmem>>
        %dma_wait3A_284 = tpu.memref_squeeze %dma_wait3A_283 : memref<1x128xi32, #tpu.memory_space<vmem>> -> memref<128xi32, #tpu.memory_space<vmem>>
        %dma_wait3A_285 = arith.constant 0 : i32
        %dma_wait3A_286 = tpu.memref_slice %arg8[%run_scoped3A_240, %dma_wait3A_285] : memref<8x128xi32, #tpu.memory_space<vmem>> -> memref<1x128xi32, #tpu.memory_space<vmem>>
        %dma_wait3A_287 = tpu.memref_squeeze %dma_wait3A_286 : memref<1x128xi32, #tpu.memory_space<vmem>> -> memref<128xi32, #tpu.memory_space<vmem>>
        %dma_wait3A_288 = arith.constant 0 : i32
        %dma_wait3A_289 = tpu.memref_slice %arg6[%dma_wait3A_288] : memref<1000512xi32, #tpu.memory_space<vmem_shared>> -> memref<1000512xi32, #tpu.memory_space<vmem_shared>>
        tpu.wait_indirect_dma semaphore(%run_scoped3A_273 : memref<!tpu.dma_semaphore, #tpu.memory_space<semaphore_mem>>) src(%dma_wait3A_289 : memref<1000512xi32, #tpu.memory_space<vmem_shared>>) dst(%dma_wait3A_284 : memref<128xi32, #tpu.memory_space<vmem>>)
        tpu.yield
      }) : () -> ()
      %run_scoped3A_242 = arith.constant 4 : i32
      %run_scoped3A_243 = arith.constant 4 : i32
      "tpu.region"() ({
        %run_scoped3A_273 = tpu.sem_alloc : memref<!tpu.dma_semaphore, #tpu.memory_space<semaphore_mem>>
        %dma_start3A_274 = arith.constant 0 : i32
        %dma_start3A_275 = tpu.memref_slice %arg10[%run_scoped3A_243, %dma_start3A_274] : memref<8x128xi32, #tpu.memory_space<vmem>> -> memref<1x128xi32, #tpu.memory_space<vmem>>
        %dma_start3A_276 = tpu.memref_squeeze %dma_start3A_275 : memref<1x128xi32, #tpu.memory_space<vmem>> -> memref<128xi32, #tpu.memory_space<vmem>>
        %dma_start3A_277 = arith.constant 0 : i32
        %dma_start3A_278 = tpu.memref_slice %arg8[%run_scoped3A_242, %dma_start3A_277] : memref<8x128xi32, #tpu.memory_space<vmem>> -> memref<1x128xi32, #tpu.memory_space<vmem>>
        %dma_start3A_279 = tpu.memref_squeeze %dma_start3A_278 : memref<1x128xi32, #tpu.memory_space<vmem>> -> memref<128xi32, #tpu.memory_space<vmem>>
        %dma_start3A_280 = arith.constant 0 : i32
        %dma_start3A_281 = tpu.memref_slice %arg6[%dma_start3A_280] : memref<1000512xi32, #tpu.memory_space<vmem_shared>> -> memref<1000512xi32, #tpu.memory_space<vmem_shared>>
        tpu.enqueue_indirect_dma source(%dma_start3A_281 : memref<1000512xi32, #tpu.memory_space<vmem_shared>>) target(%dma_start3A_276 : memref<128xi32, #tpu.memory_space<vmem>>) offsets(%dma_start3A_279 : memref<128xi32, #tpu.memory_space<vmem>>) semaphore(%run_scoped3A_273 : memref<!tpu.dma_semaphore, #tpu.memory_space<semaphore_mem>>)
        %dma_wait3A_282 = arith.constant 0 : i32
        %dma_wait3A_283 = tpu.memref_slice %arg10[%run_scoped3A_243, %dma_wait3A_282] : memref<8x128xi32, #tpu.memory_space<vmem>> -> memref<1x128xi32, #tpu.memory_space<vmem>>
        %dma_wait3A_284 = tpu.memref_squeeze %dma_wait3A_283 : memref<1x128xi32, #tpu.memory_space<vmem>> -> memref<128xi32, #tpu.memory_space<vmem>>
        %dma_wait3A_285 = arith.constant 0 : i32
        %dma_wait3A_286 = tpu.memref_slice %arg8[%run_scoped3A_242, %dma_wait3A_285] : memref<8x128xi32, #tpu.memory_space<vmem>> -> memref<1x128xi32, #tpu.memory_space<vmem>>
        %dma_wait3A_287 = tpu.memref_squeeze %dma_wait3A_286 : memref<1x128xi32, #tpu.memory_space<vmem>> -> memref<128xi32, #tpu.memory_space<vmem>>
        %dma_wait3A_288 = arith.constant 0 : i32
        %dma_wait3A_289 = tpu.memref_slice %arg6[%dma_wait3A_288] : memref<1000512xi32, #tpu.memory_space<vmem_shared>> -> memref<1000512xi32, #tpu.memory_space<vmem_shared>>
        tpu.wait_indirect_dma semaphore(%run_scoped3A_273 : memref<!tpu.dma_semaphore, #tpu.memory_space<semaphore_mem>>) src(%dma_wait3A_289 : memref<1000512xi32, #tpu.memory_space<vmem_shared>>) dst(%dma_wait3A_284 : memref<128xi32, #tpu.memory_space<vmem>>)
        tpu.yield
      }) : () -> ()
      %run_scoped3A_244 = arith.constant 5 : i32
      %run_scoped3A_245 = arith.constant 5 : i32
      "tpu.region"() ({
        %run_scoped3A_273 = tpu.sem_alloc : memref<!tpu.dma_semaphore, #tpu.memory_space<semaphore_mem>>
        %dma_start3A_274 = arith.constant 0 : i32
        %dma_start3A_275 = tpu.memref_slice %arg10[%run_scoped3A_245, %dma_start3A_274] : memref<8x128xi32, #tpu.memory_space<vmem>> -> memref<1x128xi32, #tpu.memory_space<vmem>>
        %dma_start3A_276 = tpu.memref_squeeze %dma_start3A_275 : memref<1x128xi32, #tpu.memory_space<vmem>> -> memref<128xi32, #tpu.memory_space<vmem>>
        %dma_start3A_277 = arith.constant 0 : i32
        %dma_start3A_278 = tpu.memref_slice %arg8[%run_scoped3A_244, %dma_start3A_277] : memref<8x128xi32, #tpu.memory_space<vmem>> -> memref<1x128xi32, #tpu.memory_space<vmem>>
        %dma_start3A_279 = tpu.memref_squeeze %dma_start3A_278 : memref<1x128xi32, #tpu.memory_space<vmem>> -> memref<128xi32, #tpu.memory_space<vmem>>
        %dma_start3A_280 = arith.constant 0 : i32
        %dma_start3A_281 = tpu.memref_slice %arg6[%dma_start3A_280] : memref<1000512xi32, #tpu.memory_space<vmem_shared>> -> memref<1000512xi32, #tpu.memory_space<vmem_shared>>
        tpu.enqueue_indirect_dma source(%dma_start3A_281 : memref<1000512xi32, #tpu.memory_space<vmem_shared>>) target(%dma_start3A_276 : memref<128xi32, #tpu.memory_space<vmem>>) offsets(%dma_start3A_279 : memref<128xi32, #tpu.memory_space<vmem>>) semaphore(%run_scoped3A_273 : memref<!tpu.dma_semaphore, #tpu.memory_space<semaphore_mem>>)
        %dma_wait3A_282 = arith.constant 0 : i32
        %dma_wait3A_283 = tpu.memref_slice %arg10[%run_scoped3A_245, %dma_wait3A_282] : memref<8x128xi32, #tpu.memory_space<vmem>> -> memref<1x128xi32, #tpu.memory_space<vmem>>
        %dma_wait3A_284 = tpu.memref_squeeze %dma_wait3A_283 : memref<1x128xi32, #tpu.memory_space<vmem>> -> memref<128xi32, #tpu.memory_space<vmem>>
        %dma_wait3A_285 = arith.constant 0 : i32
        %dma_wait3A_286 = tpu.memref_slice %arg8[%run_scoped3A_244, %dma_wait3A_285] : memref<8x128xi32, #tpu.memory_space<vmem>> -> memref<1x128xi32, #tpu.memory_space<vmem>>
        %dma_wait3A_287 = tpu.memref_squeeze %dma_wait3A_286 : memref<1x128xi32, #tpu.memory_space<vmem>> -> memref<128xi32, #tpu.memory_space<vmem>>
        %dma_wait3A_288 = arith.constant 0 : i32
        %dma_wait3A_289 = tpu.memref_slice %arg6[%dma_wait3A_288] : memref<1000512xi32, #tpu.memory_space<vmem_shared>> -> memref<1000512xi32, #tpu.memory_space<vmem_shared>>
        tpu.wait_indirect_dma semaphore(%run_scoped3A_273 : memref<!tpu.dma_semaphore, #tpu.memory_space<semaphore_mem>>) src(%dma_wait3A_289 : memref<1000512xi32, #tpu.memory_space<vmem_shared>>) dst(%dma_wait3A_284 : memref<128xi32, #tpu.memory_space<vmem>>)
        tpu.yield
      }) : () -> ()
      %run_scoped3A_246 = arith.constant 6 : i32
      %run_scoped3A_247 = arith.constant 6 : i32
      "tpu.region"() ({
        %run_scoped3A_273 = tpu.sem_alloc : memref<!tpu.dma_semaphore, #tpu.memory_space<semaphore_mem>>
        %dma_start3A_274 = arith.constant 0 : i32
        %dma_start3A_275 = tpu.memref_slice %arg10[%run_scoped3A_247, %dma_start3A_274] : memref<8x128xi32, #tpu.memory_space<vmem>> -> memref<1x128xi32, #tpu.memory_space<vmem>>
        %dma_start3A_276 = tpu.memref_squeeze %dma_start3A_275 : memref<1x128xi32, #tpu.memory_space<vmem>> -> memref<128xi32, #tpu.memory_space<vmem>>
        %dma_start3A_277 = arith.constant 0 : i32
        %dma_start3A_278 = tpu.memref_slice %arg8[%run_scoped3A_246, %dma_start3A_277] : memref<8x128xi32, #tpu.memory_space<vmem>> -> memref<1x128xi32, #tpu.memory_space<vmem>>
        %dma_start3A_279 = tpu.memref_squeeze %dma_start3A_278 : memref<1x128xi32, #tpu.memory_space<vmem>> -> memref<128xi32, #tpu.memory_space<vmem>>
        %dma_start3A_280 = arith.constant 0 : i32
        %dma_start3A_281 = tpu.memref_slice %arg6[%dma_start3A_280] : memref<1000512xi32, #tpu.memory_space<vmem_shared>> -> memref<1000512xi32, #tpu.memory_space<vmem_shared>>
        tpu.enqueue_indirect_dma source(%dma_start3A_281 : memref<1000512xi32, #tpu.memory_space<vmem_shared>>) target(%dma_start3A_276 : memref<128xi32, #tpu.memory_space<vmem>>) offsets(%dma_start3A_279 : memref<128xi32, #tpu.memory_space<vmem>>) semaphore(%run_scoped3A_273 : memref<!tpu.dma_semaphore, #tpu.memory_space<semaphore_mem>>)
        %dma_wait3A_282 = arith.constant 0 : i32
        %dma_wait3A_283 = tpu.memref_slice %arg10[%run_scoped3A_247, %dma_wait3A_282] : memref<8x128xi32, #tpu.memory_space<vmem>> -> memref<1x128xi32, #tpu.memory_space<vmem>>
        %dma_wait3A_284 = tpu.memref_squeeze %dma_wait3A_283 : memref<1x128xi32, #tpu.memory_space<vmem>> -> memref<128xi32, #tpu.memory_space<vmem>>
        %dma_wait3A_285 = arith.constant 0 : i32
        %dma_wait3A_286 = tpu.memref_slice %arg8[%run_scoped3A_246, %dma_wait3A_285] : memref<8x128xi32, #tpu.memory_space<vmem>> -> memref<1x128xi32, #tpu.memory_space<vmem>>
        %dma_wait3A_287 = tpu.memref_squeeze %dma_wait3A_286 : memref<1x128xi32, #tpu.memory_space<vmem>> -> memref<128xi32, #tpu.memory_space<vmem>>
        %dma_wait3A_288 = arith.constant 0 : i32
        %dma_wait3A_289 = tpu.memref_slice %arg6[%dma_wait3A_288] : memref<1000512xi32, #tpu.memory_space<vmem_shared>> -> memref<1000512xi32, #tpu.memory_space<vmem_shared>>
        tpu.wait_indirect_dma semaphore(%run_scoped3A_273 : memref<!tpu.dma_semaphore, #tpu.memory_space<semaphore_mem>>) src(%dma_wait3A_289 : memref<1000512xi32, #tpu.memory_space<vmem_shared>>) dst(%dma_wait3A_284 : memref<128xi32, #tpu.memory_space<vmem>>)
        tpu.yield
      }) : () -> ()
      %run_scoped3A_248 = arith.constant 7 : i32
      %run_scoped3A_249 = arith.constant 7 : i32
      "tpu.region"() ({
        %run_scoped3A_273 = tpu.sem_alloc : memref<!tpu.dma_semaphore, #tpu.memory_space<semaphore_mem>>
        %dma_start3A_274 = arith.constant 0 : i32
        %dma_start3A_275 = tpu.memref_slice %arg10[%run_scoped3A_249, %dma_start3A_274] : memref<8x128xi32, #tpu.memory_space<vmem>> -> memref<1x128xi32, #tpu.memory_space<vmem>>
        %dma_start3A_276 = tpu.memref_squeeze %dma_start3A_275 : memref<1x128xi32, #tpu.memory_space<vmem>> -> memref<128xi32, #tpu.memory_space<vmem>>
        %dma_start3A_277 = arith.constant 0 : i32
        %dma_start3A_278 = tpu.memref_slice %arg8[%run_scoped3A_248, %dma_start3A_277] : memref<8x128xi32, #tpu.memory_space<vmem>> -> memref<1x128xi32, #tpu.memory_space<vmem>>
        %dma_start3A_279 = tpu.memref_squeeze %dma_start3A_278 : memref<1x128xi32, #tpu.memory_space<vmem>> -> memref<128xi32, #tpu.memory_space<vmem>>
        %dma_start3A_280 = arith.constant 0 : i32
        %dma_start3A_281 = tpu.memref_slice %arg6[%dma_start3A_280] : memref<1000512xi32, #tpu.memory_space<vmem_shared>> -> memref<1000512xi32, #tpu.memory_space<vmem_shared>>
        tpu.enqueue_indirect_dma source(%dma_start3A_281 : memref<1000512xi32, #tpu.memory_space<vmem_shared>>) target(%dma_start3A_276 : memref<128xi32, #tpu.memory_space<vmem>>) offsets(%dma_start3A_279 : memref<128xi32, #tpu.memory_space<vmem>>) semaphore(%run_scoped3A_273 : memref<!tpu.dma_semaphore, #tpu.memory_space<semaphore_mem>>)
        %dma_wait3A_282 = arith.constant 0 : i32
        %dma_wait3A_283 = tpu.memref_slice %arg10[%run_scoped3A_249, %dma_wait3A_282] : memref<8x128xi32, #tpu.memory_space<vmem>> -> memref<1x128xi32, #tpu.memory_space<vmem>>
        %dma_wait3A_284 = tpu.memref_squeeze %dma_wait3A_283 : memref<1x128xi32, #tpu.memory_space<vmem>> -> memref<128xi32, #tpu.memory_space<vmem>>
        %dma_wait3A_285 = arith.constant 0 : i32
        %dma_wait3A_286 = tpu.memref_slice %arg8[%run_scoped3A_248, %dma_wait3A_285] : memref<8x128xi32, #tpu.memory_space<vmem>> -> memref<1x128xi32, #tpu.memory_space<vmem>>
        %dma_wait3A_287 = tpu.memref_squeeze %dma_wait3A_286 : memref<1x128xi32, #tpu.memory_space<vmem>> -> memref<128xi32, #tpu.memory_space<vmem>>
        %dma_wait3A_288 = arith.constant 0 : i32
        %dma_wait3A_289 = tpu.memref_slice %arg6[%dma_wait3A_288] : memref<1000512xi32, #tpu.memory_space<vmem_shared>> -> memref<1000512xi32, #tpu.memory_space<vmem_shared>>
        tpu.wait_indirect_dma semaphore(%run_scoped3A_273 : memref<!tpu.dma_semaphore, #tpu.memory_space<semaphore_mem>>) src(%dma_wait3A_289 : memref<1000512xi32, #tpu.memory_space<vmem_shared>>) dst(%dma_wait3A_284 : memref<128xi32, #tpu.memory_space<vmem>>)
        tpu.yield
      }) : () -> ()
      %scan3A_250 = arith.constant 0 : i32
      %scan3A_251 = arith.constant 0 : i32
      %scan3A_252 = arith.constant 64 : i32
      %scan3A_253 = arith.addi %scan3A_251, %scan3A_252 : i32
      %scan3A_254 = arith.constant 1 : i32
      %scan3A_255 = scf.for %scan3A_273 = %scan3A_251 to %scan3A_253 step %scan3A_254 iter_args(%scan3A_274 = %scan3A_250) -> (i32)  : i32 {
        %jit3A = arith.constant 8 : i32
        %div3A = arith.divsi %scan3A_273, %jit3A : i32
        %sign3A = arith.constant 0 : i32
        %sign3A_275 = arith.cmpi sgt, %scan3A_273, %sign3A : i32
        %sign3A_276 = arith.extui %sign3A_275 : i1 to i32
        %sign3A_277 = arith.constant 0 : i32
        %sign3A_278 = arith.cmpi slt, %scan3A_273, %sign3A_277 : i32
        %sign3A_279 = arith.extui %sign3A_278 : i1 to i32
        %sign3A_280 = arith.subi %sign3A_276, %sign3A_279 : i32
        %sign3A_281 = arith.constant 0 : i32
        %sign3A_282 = arith.cmpi sgt, %jit3A, %sign3A_281 : i32
        %sign3A_283 = arith.extui %sign3A_282 : i1 to i32
        %sign3A_284 = arith.constant 0 : i32
        %sign3A_285 = arith.cmpi slt, %jit3A, %sign3A_284 : i32
        %sign3A_286 = arith.extui %sign3A_285 : i1 to i32
        %sign3A_287 = arith.subi %sign3A_283, %sign3A_286 : i32
        %ne3A = arith.cmpi ne, %sign3A_280, %sign3A_287 : i32
        %rem3A = arith.remsi %scan3A_273, %jit3A : i32
        %ne3A_288 = arith.constant 0 : i32
        %ne3A_289 = arith.cmpi ne, %rem3A, %ne3A_288 : i32
        %and3A = arith.andi %ne3A, %ne3A_289 : i1
        %sub3A = arith.constant 1 : i32
        %sub3A_290 = arith.subi %div3A, %sub3A : i32
        %select_n3A = arith.select %and3A, %sub3A_290, %div3A : i32
        %jit3A_291 = arith.constant 8 : i32
        %eq3A_292 = arith.constant 0 : i32
        %eq3A_293 = arith.cmpi eq, %jit3A_291, %eq3A_292 : i32
        %jit3A_294 = arith.constant 1 : i32
        %select_n3A_295 = arith.select %eq3A_293, %jit3A_294, %jit3A_291 : i32
        %rem3A_296 = arith.remsi %scan3A_273, %select_n3A_295 : i32
        %ne3A_297 = arith.constant 0 : i32
        %ne3A_298 = arith.cmpi ne, %rem3A_296, %ne3A_297 : i32
        %lt3A = arith.constant 0 : i32
        %lt3A_299 = arith.cmpi slt, %rem3A_296, %lt3A : i32
        %lt3A_300 = arith.constant 0 : i32
        %lt3A_301 = arith.cmpi slt, %select_n3A_295, %lt3A_300 : i32
        %ne3A_302 = arith.xori %lt3A_299, %lt3A_301 : i1
        %and3A_303 = arith.andi %ne3A_302, %ne3A_298 : i1
        %add3A_304 = arith.addi %rem3A_296, %select_n3A_295 : i32
        %select_n3A_305 = arith.select %and3A_303, %add3A_304, %rem3A_296 : i32
        %mul3A_306 = arith.constant 16 : i32
        %mul3A_307 = arith.muli %select_n3A_305, %mul3A_306 : i32
        %get3A = arith.index_cast %select_n3A : i32 to index
        %get3A_308 = arith.index_cast %mul3A_307 : i32 to index
        %get3A_309 = tpu.vector_load %arg9[%get3A, %get3A_308] {strides = array<i32>} : memref<8x128xi32, #tpu.memory_space<vmem>>, vector<16xi32>,
        %get3A_310 = arith.index_cast %select_n3A : i32 to index
        %get3A_311 = arith.index_cast %mul3A_307 : i32 to index
        %get3A_312 = tpu.vector_load %arg10[%get3A_310, %get3A_311] {strides = array<i32>} : memref<8x128xi32, #tpu.memory_space<vmem>>, vector<16xi32>,
        %get3A_313 = arith.index_cast %select_n3A : i32 to index
        %get3A_314 = arith.index_cast %mul3A_307 : i32 to index
        %get3A_315 = tpu.vector_load %arg8[%get3A_313, %get3A_314] {strides = array<i32>} : memref<8x128xi32, #tpu.memory_space<vmem>>, vector<16xi32>,
        %gt3A = arith.cmpi sgt, %get3A_309, %get3A_312 : vector<16xi32>
        %select_n3A_316 = arith.select %gt3A, %get3A_315, %add3A_5 : vector<16xi1>, vector<16xi32>
        %swap3A_317 = arith.index_cast %select_n3A : i32 to index
        %swap3A_318 = arith.index_cast %mul3A_307 : i32 to index
        %swap3A_319 = tpu.vector_load %arg11[%swap3A_317, %swap3A_318] {strides = array<i32>} : memref<8x128xi32, #tpu.memory_space<vmem>>, vector<16xi32>,
        tpu.vector_store %arg11[%swap3A_317, %swap3A_318], %select_n3A_316 {strides = array<i32>} : memref<8x128xi32, #tpu.memory_space<vmem>>, vector<16xi32>,
        %jit3A_320 = arith.constant 1 : i32
        %jit3A_321 = arith.constant 0 : i32
        %broadcast_in_dim3A_322 = vector.broadcast %jit3A_320 : i32 to vector<16xi32>
        %broadcast_in_dim3A_323 = vector.broadcast %jit3A_321 : i32 to vector<16xi32>
        %select_n3A_324 = arith.select %gt3A, %broadcast_in_dim3A_322, %broadcast_in_dim3A_323 : vector<16xi1>, vector<16xi32>
        %reduce_sum3A_325 = arith.constant true
        %reduce_sum3A_326 = vector.broadcast %reduce_sum3A_325 : i1 to vector<16xi1>
        %reduce_sum3A_327 = tpu.scan <sum>, %select_n3A_324 masked %reduce_sum3A_326 : vector<16xi32>, vector<16xi1> -> vector<16xi32>
        %reduce_sum3A_328 = vector.extract %reduce_sum3A_327[15] : i32 from vector<16xi32>
        %add3A_329 = arith.addi %scan3A_274, %reduce_sum3A_328 : i32
        scf.yield %add3A_329 : i32
      }
      %scan3A_256 = arith.constant 64 : i32
      %broadcast_in_dim3A_257 = vector.broadcast %scan3A_255 : i32 to vector<16xi32>
      %swap3A_258 = arith.constant 0 : index
      %swap3A_259 = tpu.vector_load %arg13[%swap3A_258] {strides = array<i32>} : memref<16xi32, #tpu.memory_space<vmem>>, vector<16xi32>,
      tpu.vector_store %arg13[%swap3A_258], %broadcast_in_dim3A_257 {strides = array<i32>} : memref<16xi32, #tpu.memory_space<vmem>>, vector<16xi32>,
      "tpu.region"() ({
        %run_scoped3A_273 = tpu.sem_alloc : memref<!tpu.dma_semaphore, #tpu.memory_space<semaphore_mem>>
        %dma_start3A_274 = arith.constant 0 : i32
        %dma_start3A_275 = tpu.memref_slice %arg7[%arg1, %dma_start3A_274] : memref<16x16xi32, #tpu.memory_space<vmem_shared>> -> memref<1x16xi32, #tpu.memory_space<vmem_shared>>
        %dma_start3A_276 = tpu.memref_squeeze %dma_start3A_275 : memref<1x16xi32, #tpu.memory_space<vmem_shared>> -> memref<16xi32, #tpu.memory_space<vmem_shared>>
        %dma_start3A_277 = arith.constant 0 : i32
        %dma_start3A_278 = tpu.memref_slice %arg7[%arg1, %dma_start3A_277] : memref<16x16xi32, #tpu.memory_space<vmem_shared>> -> memref<1x16xi32, #tpu.memory_space<vmem_shared>>
        %dma_start3A_279 = tpu.memref_squeeze %dma_start3A_278 : memref<1x16xi32, #tpu.memory_space<vmem_shared>> -> memref<16xi32, #tpu.memory_space<vmem_shared>>
        tpu.enqueue_dma source(%arg13 : memref<16xi32, #tpu.memory_space<vmem>>) target(%dma_start3A_279 : memref<16xi32, #tpu.memory_space<vmem_shared>>) target_semaphore(%run_scoped3A_273 : memref<!tpu.dma_semaphore, #tpu.memory_space<semaphore_mem>>)
        %dma_wait3A_280 = arith.constant 0 : i32
        %dma_wait3A_281 = tpu.memref_slice %arg7[%arg1, %dma_wait3A_280] : memref<16x16xi32, #tpu.memory_space<vmem_shared>> -> memref<1x16xi32, #tpu.memory_space<vmem_shared>>
        %dma_wait3A_282 = tpu.memref_squeeze %dma_wait3A_281 : memref<1x16xi32, #tpu.memory_space<vmem_shared>> -> memref<16xi32, #tpu.memory_space<vmem_shared>>
        %dma_wait3A_283 = arith.constant 0 : i32
        %dma_wait3A_284 = tpu.memref_slice %arg7[%arg1, %dma_wait3A_283] : memref<16x16xi32, #tpu.memory_space<vmem_shared>> -> memref<1x16xi32, #tpu.memory_space<vmem_shared>>
        %dma_wait3A_285 = tpu.memref_squeeze %dma_wait3A_284 : memref<1x16xi32, #tpu.memory_space<vmem_shared>> -> memref<16xi32, #tpu.memory_space<vmem_shared>>
        tpu.wait_dma2 semaphore(%run_scoped3A_273 : memref<!tpu.dma_semaphore, #tpu.memory_space<semaphore_mem>>) src(%arg13 : memref<16xi32, #tpu.memory_space<vmem>>) dst(%dma_wait3A_285 : memref<16xi32, #tpu.memory_space<vmem_shared>>)
        tpu.yield
      }) : () -> ()
      %barrier3A_260 = arith.constant 0 : index
      tpu.barrier barrier_id(%barrier3A_260)
      "tpu.region"() ({
        %run_scoped3A_273 = tpu.sem_alloc : memref<!tpu.dma_semaphore, #tpu.memory_space<semaphore_mem>>
        tpu.enqueue_dma source(%arg7 : memref<16x16xi32, #tpu.memory_space<vmem_shared>>) target(%arg14 : memref<16x16xi32, #tpu.memory_space<vmem>>) target_semaphore(%run_scoped3A_273 : memref<!tpu.dma_semaphore, #tpu.memory_space<semaphore_mem>>)
        tpu.wait_dma2 semaphore(%run_scoped3A_273 : memref<!tpu.dma_semaphore, #tpu.memory_space<semaphore_mem>>) src(%arg7 : memref<16x16xi32, #tpu.memory_space<vmem_shared>>) dst(%arg14 : memref<16x16xi32, #tpu.memory_space<vmem>>)
        tpu.yield
      }) : () -> ()
      %broadcast_in_dim3A_261 = arith.constant 0 : i32
      %broadcast_in_dim3A_262 = vector.broadcast %broadcast_in_dim3A_261 : i32 to vector<16xi32>
      %scan3A_263 = arith.constant 0 : i32
      %scan3A_264 = arith.constant 16 : i32
      %scan3A_265 = arith.addi %scan3A_263, %scan3A_264 : i32
      %scan3A_266 = arith.constant 1 : i32
      %scan3A_267 = scf.for %scan3A_273 = %scan3A_263 to %scan3A_265 step %scan3A_266 iter_args(%scan3A_274 = %broadcast_in_dim3A_262) -> (vector<16xi32>)  : i32 {
        %get3A = arith.index_cast %scan3A_273 : i32 to index
        %get3A_275 = arith.constant 0 : index
        %get3A_276 = tpu.vector_load %arg14[%get3A, %get3A_275] {strides = array<i32>} : memref<16x16xi32, #tpu.memory_space<vmem>>, vector<16xi32>,
        %add3A_277 = arith.addi %scan3A_274, %get3A_276 : vector<16xi32>
        scf.yield %add3A_277 : vector<16xi32>
      }
      %scan3A_268 = arith.constant 16 : i32
      %reduce_sum3A_269 = arith.constant true
      %reduce_sum3A_270 = vector.broadcast %reduce_sum3A_269 : i1 to vector<16xi1>
      %reduce_sum3A_271 = tpu.scan <sum>, %scan3A_267 masked %reduce_sum3A_270 : vector<16xi32>, vector<16xi1> -> vector<16xi32>
      %reduce_sum3A_272 = vector.extract %reduce_sum3A_271[15] : i32 from vector<16xi32>
      scf.yield %reduce_sum3A_272 : i32
    }
    %dma_start3A = arith.constant 0 : i32
    %dma_start3A_56 = arith.constant 0 : i32
    %dma_start3A_57 = arith.constant 0 : i32
    %dma_start3A_58 = tpu.memref_slice %arg12[%dma_start3A_56, %dma_start3A_57] : memref<1024x32xf32, #tpu.memory_space<vmem>> -> memref<128x32xf32, #tpu.memory_space<vmem>>
    %dma_start3A_59 = arith.constant 0 : i32
    %dma_start3A_60 = tpu.memref_slice %arg10[%dma_start3A, %dma_start3A_59] : memref<8x128xi32, #tpu.memory_space<vmem>> -> memref<1x128xi32, #tpu.memory_space<vmem>>
    %dma_start3A_61 = tpu.memref_squeeze %dma_start3A_60 : memref<1x128xi32, #tpu.memory_space<vmem>> -> memref<128xi32, #tpu.memory_space<vmem>>
    %dma_start3A_62 = arith.constant 0 : i32
    %dma_start3A_63 = arith.constant 0 : i32
    %dma_start3A_64 = tpu.memref_slice %arg2[%dma_start3A_62, %dma_start3A_63] : memref<16384x32xf32, #tpu.memory_space<hbm>> -> memref<16384x32xf32, #tpu.memory_space<hbm>>
    tpu.enqueue_indirect_dma source(%dma_start3A_64 : memref<16384x32xf32, #tpu.memory_space<hbm>>) target(%dma_start3A_58 : memref<128x32xf32, #tpu.memory_space<vmem>>) offsets(%dma_start3A_61 : memref<128xi32, #tpu.memory_space<vmem>>) semaphore(%arg15 : memref<!tpu.dma_semaphore, #tpu.memory_space<semaphore_mem>>)
    %dma_start3A_65 = arith.constant 1 : i32
    %dma_start3A_66 = arith.constant 128 : i32
    %dma_start3A_67 = arith.constant 0 : i32
    %dma_start3A_68 = tpu.memref_slice %arg12[%dma_start3A_66, %dma_start3A_67] : memref<1024x32xf32, #tpu.memory_space<vmem>> -> memref<128x32xf32, #tpu.memory_space<vmem>>
    %dma_start3A_69 = arith.constant 0 : i32
    %dma_start3A_70 = tpu.memref_slice %arg10[%dma_start3A_65, %dma_start3A_69] : memref<8x128xi32, #tpu.memory_space<vmem>> -> memref<1x128xi32, #tpu.memory_space<vmem>>
    %dma_start3A_71 = tpu.memref_squeeze %dma_start3A_70 : memref<1x128xi32, #tpu.memory_space<vmem>> -> memref<128xi32, #tpu.memory_space<vmem>>
    %dma_start3A_72 = arith.constant 0 : i32
    %dma_start3A_73 = arith.constant 0 : i32
    %dma_start3A_74 = tpu.memref_slice %arg2[%dma_start3A_72, %dma_start3A_73] : memref<16384x32xf32, #tpu.memory_space<hbm>> -> memref<16384x32xf32, #tpu.memory_space<hbm>>
    tpu.enqueue_indirect_dma source(%dma_start3A_74 : memref<16384x32xf32, #tpu.memory_space<hbm>>) target(%dma_start3A_68 : memref<128x32xf32, #tpu.memory_space<vmem>>) offsets(%dma_start3A_71 : memref<128xi32, #tpu.memory_space<vmem>>) semaphore(%arg15 : memref<!tpu.dma_semaphore, #tpu.memory_space<semaphore_mem>>)
    %dma_start3A_75 = arith.constant 2 : i32
    %dma_start3A_76 = arith.constant 256 : i32
    %dma_start3A_77 = arith.constant 0 : i32
    %dma_start3A_78 = tpu.memref_slice %arg12[%dma_start3A_76, %dma_start3A_77] : memref<1024x32xf32, #tpu.memory_space<vmem>> -> memref<128x32xf32, #tpu.memory_space<vmem>>
    %dma_start3A_79 = arith.constant 0 : i32
    %dma_start3A_80 = tpu.memref_slice %arg10[%dma_start3A_75, %dma_start3A_79] : memref<8x128xi32, #tpu.memory_space<vmem>> -> memref<1x128xi32, #tpu.memory_space<vmem>>
    %dma_start3A_81 = tpu.memref_squeeze %dma_start3A_80 : memref<1x128xi32, #tpu.memory_space<vmem>> -> memref<128xi32, #tpu.memory_space<vmem>>
    %dma_start3A_82 = arith.constant 0 : i32
    %dma_start3A_83 = arith.constant 0 : i32
    %dma_start3A_84 = tpu.memref_slice %arg2[%dma_start3A_82, %dma_start3A_83] : memref<16384x32xf32, #tpu.memory_space<hbm>> -> memref<16384x32xf32, #tpu.memory_space<hbm>>
    tpu.enqueue_indirect_dma source(%dma_start3A_84 : memref<16384x32xf32, #tpu.memory_space<hbm>>) target(%dma_start3A_78 : memref<128x32xf32, #tpu.memory_space<vmem>>) offsets(%dma_start3A_81 : memref<128xi32, #tpu.memory_space<vmem>>) semaphore(%arg15 : memref<!tpu.dma_semaphore, #tpu.memory_space<semaphore_mem>>)
    %dma_start3A_85 = arith.constant 3 : i32
    %dma_start3A_86 = arith.constant 384 : i32
    %dma_start3A_87 = arith.constant 0 : i32
    %dma_start3A_88 = tpu.memref_slice %arg12[%dma_start3A_86, %dma_start3A_87] : memref<1024x32xf32, #tpu.memory_space<vmem>> -> memref<128x32xf32, #tpu.memory_space<vmem>>
    %dma_start3A_89 = arith.constant 0 : i32
    %dma_start3A_90 = tpu.memref_slice %arg10[%dma_start3A_85, %dma_start3A_89] : memref<8x128xi32, #tpu.memory_space<vmem>> -> memref<1x128xi32, #tpu.memory_space<vmem>>
    %dma_start3A_91 = tpu.memref_squeeze %dma_start3A_90 : memref<1x128xi32, #tpu.memory_space<vmem>> -> memref<128xi32, #tpu.memory_space<vmem>>
    %dma_start3A_92 = arith.constant 0 : i32
    %dma_start3A_93 = arith.constant 0 : i32
    %dma_start3A_94 = tpu.memref_slice %arg2[%dma_start3A_92, %dma_start3A_93] : memref<16384x32xf32, #tpu.memory_space<hbm>> -> memref<16384x32xf32, #tpu.memory_space<hbm>>
    tpu.enqueue_indirect_dma source(%dma_start3A_94 : memref<16384x32xf32, #tpu.memory_space<hbm>>) target(%dma_start3A_88 : memref<128x32xf32, #tpu.memory_space<vmem>>) offsets(%dma_start3A_91 : memref<128xi32, #tpu.memory_space<vmem>>) semaphore(%arg15 : memref<!tpu.dma_semaphore, #tpu.memory_space<semaphore_mem>>)
    %dma_start3A_95 = arith.constant 4 : i32
    %dma_start3A_96 = arith.constant 512 : i32
    %dma_start3A_97 = arith.constant 0 : i32
    %dma_start3A_98 = tpu.memref_slice %arg12[%dma_start3A_96, %dma_start3A_97] : memref<1024x32xf32, #tpu.memory_space<vmem>> -> memref<128x32xf32, #tpu.memory_space<vmem>>
    %dma_start3A_99 = arith.constant 0 : i32
    %dma_start3A_100 = tpu.memref_slice %arg10[%dma_start3A_95, %dma_start3A_99] : memref<8x128xi32, #tpu.memory_space<vmem>> -> memref<1x128xi32, #tpu.memory_space<vmem>>
    %dma_start3A_101 = tpu.memref_squeeze %dma_start3A_100 : memref<1x128xi32, #tpu.memory_space<vmem>> -> memref<128xi32, #tpu.memory_space<vmem>>
    %dma_start3A_102 = arith.constant 0 : i32
    %dma_start3A_103 = arith.constant 0 : i32
    %dma_start3A_104 = tpu.memref_slice %arg2[%dma_start3A_102, %dma_start3A_103] : memref<16384x32xf32, #tpu.memory_space<hbm>> -> memref<16384x32xf32, #tpu.memory_space<hbm>>
    tpu.enqueue_indirect_dma source(%dma_start3A_104 : memref<16384x32xf32, #tpu.memory_space<hbm>>) target(%dma_start3A_98 : memref<128x32xf32, #tpu.memory_space<vmem>>) offsets(%dma_start3A_101 : memref<128xi32, #tpu.memory_space<vmem>>) semaphore(%arg15 : memref<!tpu.dma_semaphore, #tpu.memory_space<semaphore_mem>>)
    %dma_start3A_105 = arith.constant 5 : i32
    %dma_start3A_106 = arith.constant 640 : i32
    %dma_start3A_107 = arith.constant 0 : i32
    %dma_start3A_108 = tpu.memref_slice %arg12[%dma_start3A_106, %dma_start3A_107] : memref<1024x32xf32, #tpu.memory_space<vmem>> -> memref<128x32xf32, #tpu.memory_space<vmem>>
    %dma_start3A_109 = arith.constant 0 : i32
    %dma_start3A_110 = tpu.memref_slice %arg10[%dma_start3A_105, %dma_start3A_109] : memref<8x128xi32, #tpu.memory_space<vmem>> -> memref<1x128xi32, #tpu.memory_space<vmem>>
    %dma_start3A_111 = tpu.memref_squeeze %dma_start3A_110 : memref<1x128xi32, #tpu.memory_space<vmem>> -> memref<128xi32, #tpu.memory_space<vmem>>
    %dma_start3A_112 = arith.constant 0 : i32
    %dma_start3A_113 = arith.constant 0 : i32
    %dma_start3A_114 = tpu.memref_slice %arg2[%dma_start3A_112, %dma_start3A_113] : memref<16384x32xf32, #tpu.memory_space<hbm>> -> memref<16384x32xf32, #tpu.memory_space<hbm>>
    tpu.enqueue_indirect_dma source(%dma_start3A_114 : memref<16384x32xf32, #tpu.memory_space<hbm>>) target(%dma_start3A_108 : memref<128x32xf32, #tpu.memory_space<vmem>>) offsets(%dma_start3A_111 : memref<128xi32, #tpu.memory_space<vmem>>) semaphore(%arg15 : memref<!tpu.dma_semaphore, #tpu.memory_space<semaphore_mem>>)
    %dma_start3A_115 = arith.constant 6 : i32
    %dma_start3A_116 = arith.constant 768 : i32
    %dma_start3A_117 = arith.constant 0 : i32
    %dma_start3A_118 = tpu.memref_slice %arg12[%dma_start3A_116, %dma_start3A_117] : memref<1024x32xf32, #tpu.memory_space<vmem>> -> memref<128x32xf32, #tpu.memory_space<vmem>>
    %dma_start3A_119 = arith.constant 0 : i32
    %dma_start3A_120 = tpu.memref_slice %arg10[%dma_start3A_115, %dma_start3A_119] : memref<8x128xi32, #tpu.memory_space<vmem>> -> memref<1x128xi32, #tpu.memory_space<vmem>>
    %dma_start3A_121 = tpu.memref_squeeze %dma_start3A_120 : memref<1x128xi32, #tpu.memory_space<vmem>> -> memref<128xi32, #tpu.memory_space<vmem>>
    %dma_start3A_122 = arith.constant 0 : i32
    %dma_start3A_123 = arith.constant 0 : i32
    %dma_start3A_124 = tpu.memref_slice %arg2[%dma_start3A_122, %dma_start3A_123] : memref<16384x32xf32, #tpu.memory_space<hbm>> -> memref<16384x32xf32, #tpu.memory_space<hbm>>
    tpu.enqueue_indirect_dma source(%dma_start3A_124 : memref<16384x32xf32, #tpu.memory_space<hbm>>) target(%dma_start3A_118 : memref<128x32xf32, #tpu.memory_space<vmem>>) offsets(%dma_start3A_121 : memref<128xi32, #tpu.memory_space<vmem>>) semaphore(%arg15 : memref<!tpu.dma_semaphore, #tpu.memory_space<semaphore_mem>>)
    %dma_start3A_125 = arith.constant 7 : i32
    %dma_start3A_126 = arith.constant 896 : i32
    %dma_start3A_127 = arith.constant 0 : i32
    %dma_start3A_128 = tpu.memref_slice %arg12[%dma_start3A_126, %dma_start3A_127] : memref<1024x32xf32, #tpu.memory_space<vmem>> -> memref<128x32xf32, #tpu.memory_space<vmem>>
    %dma_start3A_129 = arith.constant 0 : i32
    %dma_start3A_130 = tpu.memref_slice %arg10[%dma_start3A_125, %dma_start3A_129] : memref<8x128xi32, #tpu.memory_space<vmem>> -> memref<1x128xi32, #tpu.memory_space<vmem>>
    %dma_start3A_131 = tpu.memref_squeeze %dma_start3A_130 : memref<1x128xi32, #tpu.memory_space<vmem>> -> memref<128xi32, #tpu.memory_space<vmem>>
    %dma_start3A_132 = arith.constant 0 : i32
    %dma_start3A_133 = arith.constant 0 : i32
    %dma_start3A_134 = tpu.memref_slice %arg2[%dma_start3A_132, %dma_start3A_133] : memref<16384x32xf32, #tpu.memory_space<hbm>> -> memref<16384x32xf32, #tpu.memory_space<hbm>>
    tpu.enqueue_indirect_dma source(%dma_start3A_134 : memref<16384x32xf32, #tpu.memory_space<hbm>>) target(%dma_start3A_128 : memref<128x32xf32, #tpu.memory_space<vmem>>) offsets(%dma_start3A_131 : memref<128xi32, #tpu.memory_space<vmem>>) semaphore(%arg15 : memref<!tpu.dma_semaphore, #tpu.memory_space<semaphore_mem>>)
    %dma_wait3A = arith.constant 0 : i32
    %dma_wait3A_135 = arith.constant 0 : i32
    %dma_wait3A_136 = arith.constant 0 : i32
    %dma_wait3A_137 = tpu.memref_slice %arg12[%dma_wait3A_135, %dma_wait3A_136] : memref<1024x32xf32, #tpu.memory_space<vmem>> -> memref<128x32xf32, #tpu.memory_space<vmem>>
    %dma_wait3A_138 = arith.constant 0 : i32
    %dma_wait3A_139 = tpu.memref_slice %arg10[%dma_wait3A, %dma_wait3A_138] : memref<8x128xi32, #tpu.memory_space<vmem>> -> memref<1x128xi32, #tpu.memory_space<vmem>>
    %dma_wait3A_140 = tpu.memref_squeeze %dma_wait3A_139 : memref<1x128xi32, #tpu.memory_space<vmem>> -> memref<128xi32, #tpu.memory_space<vmem>>
    %dma_wait3A_141 = arith.constant 0 : i32
    %dma_wait3A_142 = arith.constant 0 : i32
    %dma_wait3A_143 = tpu.memref_slice %arg2[%dma_wait3A_141, %dma_wait3A_142] : memref<16384x32xf32, #tpu.memory_space<hbm>> -> memref<16384x32xf32, #tpu.memory_space<hbm>>
    tpu.wait_indirect_dma semaphore(%arg15 : memref<!tpu.dma_semaphore, #tpu.memory_space<semaphore_mem>>) src(%dma_wait3A_143 : memref<16384x32xf32, #tpu.memory_space<hbm>>) dst(%dma_wait3A_137 : memref<128x32xf32, #tpu.memory_space<vmem>>)
    %dma_wait3A_144 = arith.constant 1 : i32
    %dma_wait3A_145 = arith.constant 128 : i32
    %dma_wait3A_146 = arith.constant 0 : i32
    %dma_wait3A_147 = tpu.memref_slice %arg12[%dma_wait3A_145, %dma_wait3A_146] : memref<1024x32xf32, #tpu.memory_space<vmem>> -> memref<128x32xf32, #tpu.memory_space<vmem>>
    %dma_wait3A_148 = arith.constant 0 : i32
    %dma_wait3A_149 = tpu.memref_slice %arg10[%dma_wait3A_144, %dma_wait3A_148] : memref<8x128xi32, #tpu.memory_space<vmem>> -> memref<1x128xi32, #tpu.memory_space<vmem>>
    %dma_wait3A_150 = tpu.memref_squeeze %dma_wait3A_149 : memref<1x128xi32, #tpu.memory_space<vmem>> -> memref<128xi32, #tpu.memory_space<vmem>>
    %dma_wait3A_151 = arith.constant 0 : i32
    %dma_wait3A_152 = arith.constant 0 : i32
    %dma_wait3A_153 = tpu.memref_slice %arg2[%dma_wait3A_151, %dma_wait3A_152] : memref<16384x32xf32, #tpu.memory_space<hbm>> -> memref<16384x32xf32, #tpu.memory_space<hbm>>
    tpu.wait_indirect_dma semaphore(%arg15 : memref<!tpu.dma_semaphore, #tpu.memory_space<semaphore_mem>>) src(%dma_wait3A_153 : memref<16384x32xf32, #tpu.memory_space<hbm>>) dst(%dma_wait3A_147 : memref<128x32xf32, #tpu.memory_space<vmem>>)
    %dma_wait3A_154 = arith.constant 2 : i32
    %dma_wait3A_155 = arith.constant 256 : i32
    %dma_wait3A_156 = arith.constant 0 : i32
    %dma_wait3A_157 = tpu.memref_slice %arg12[%dma_wait3A_155, %dma_wait3A_156] : memref<1024x32xf32, #tpu.memory_space<vmem>> -> memref<128x32xf32, #tpu.memory_space<vmem>>
    %dma_wait3A_158 = arith.constant 0 : i32
    %dma_wait3A_159 = tpu.memref_slice %arg10[%dma_wait3A_154, %dma_wait3A_158] : memref<8x128xi32, #tpu.memory_space<vmem>> -> memref<1x128xi32, #tpu.memory_space<vmem>>
    %dma_wait3A_160 = tpu.memref_squeeze %dma_wait3A_159 : memref<1x128xi32, #tpu.memory_space<vmem>> -> memref<128xi32, #tpu.memory_space<vmem>>
    %dma_wait3A_161 = arith.constant 0 : i32
    %dma_wait3A_162 = arith.constant 0 : i32
    %dma_wait3A_163 = tpu.memref_slice %arg2[%dma_wait3A_161, %dma_wait3A_162] : memref<16384x32xf32, #tpu.memory_space<hbm>> -> memref<16384x32xf32, #tpu.memory_space<hbm>>
    tpu.wait_indirect_dma semaphore(%arg15 : memref<!tpu.dma_semaphore, #tpu.memory_space<semaphore_mem>>) src(%dma_wait3A_163 : memref<16384x32xf32, #tpu.memory_space<hbm>>) dst(%dma_wait3A_157 : memref<128x32xf32, #tpu.memory_space<vmem>>)
    %dma_wait3A_164 = arith.constant 3 : i32
    %dma_wait3A_165 = arith.constant 384 : i32
    %dma_wait3A_166 = arith.constant 0 : i32
    %dma_wait3A_167 = tpu.memref_slice %arg12[%dma_wait3A_165, %dma_wait3A_166] : memref<1024x32xf32, #tpu.memory_space<vmem>> -> memref<128x32xf32, #tpu.memory_space<vmem>>
    %dma_wait3A_168 = arith.constant 0 : i32
    %dma_wait3A_169 = tpu.memref_slice %arg10[%dma_wait3A_164, %dma_wait3A_168] : memref<8x128xi32, #tpu.memory_space<vmem>> -> memref<1x128xi32, #tpu.memory_space<vmem>>
    %dma_wait3A_170 = tpu.memref_squeeze %dma_wait3A_169 : memref<1x128xi32, #tpu.memory_space<vmem>> -> memref<128xi32, #tpu.memory_space<vmem>>
    %dma_wait3A_171 = arith.constant 0 : i32
    %dma_wait3A_172 = arith.constant 0 : i32
    %dma_wait3A_173 = tpu.memref_slice %arg2[%dma_wait3A_171, %dma_wait3A_172] : memref<16384x32xf32, #tpu.memory_space<hbm>> -> memref<16384x32xf32, #tpu.memory_space<hbm>>
    tpu.wait_indirect_dma semaphore(%arg15 : memref<!tpu.dma_semaphore, #tpu.memory_space<semaphore_mem>>) src(%dma_wait3A_173 : memref<16384x32xf32, #tpu.memory_space<hbm>>) dst(%dma_wait3A_167 : memref<128x32xf32, #tpu.memory_space<vmem>>)
    %dma_wait3A_174 = arith.constant 4 : i32
    %dma_wait3A_175 = arith.constant 512 : i32
    %dma_wait3A_176 = arith.constant 0 : i32
    %dma_wait3A_177 = tpu.memref_slice %arg12[%dma_wait3A_175, %dma_wait3A_176] : memref<1024x32xf32, #tpu.memory_space<vmem>> -> memref<128x32xf32, #tpu.memory_space<vmem>>
    %dma_wait3A_178 = arith.constant 0 : i32
    %dma_wait3A_179 = tpu.memref_slice %arg10[%dma_wait3A_174, %dma_wait3A_178] : memref<8x128xi32, #tpu.memory_space<vmem>> -> memref<1x128xi32, #tpu.memory_space<vmem>>
    %dma_wait3A_180 = tpu.memref_squeeze %dma_wait3A_179 : memref<1x128xi32, #tpu.memory_space<vmem>> -> memref<128xi32, #tpu.memory_space<vmem>>
    %dma_wait3A_181 = arith.constant 0 : i32
    %dma_wait3A_182 = arith.constant 0 : i32
    %dma_wait3A_183 = tpu.memref_slice %arg2[%dma_wait3A_181, %dma_wait3A_182] : memref<16384x32xf32, #tpu.memory_space<hbm>> -> memref<16384x32xf32, #tpu.memory_space<hbm>>
    tpu.wait_indirect_dma semaphore(%arg15 : memref<!tpu.dma_semaphore, #tpu.memory_space<semaphore_mem>>) src(%dma_wait3A_183 : memref<16384x32xf32, #tpu.memory_space<hbm>>) dst(%dma_wait3A_177 : memref<128x32xf32, #tpu.memory_space<vmem>>)
    %dma_wait3A_184 = arith.constant 5 : i32
    %dma_wait3A_185 = arith.constant 640 : i32
    %dma_wait3A_186 = arith.constant 0 : i32
    %dma_wait3A_187 = tpu.memref_slice %arg12[%dma_wait3A_185, %dma_wait3A_186] : memref<1024x32xf32, #tpu.memory_space<vmem>> -> memref<128x32xf32, #tpu.memory_space<vmem>>
    %dma_wait3A_188 = arith.constant 0 : i32
    %dma_wait3A_189 = tpu.memref_slice %arg10[%dma_wait3A_184, %dma_wait3A_188] : memref<8x128xi32, #tpu.memory_space<vmem>> -> memref<1x128xi32, #tpu.memory_space<vmem>>
    %dma_wait3A_190 = tpu.memref_squeeze %dma_wait3A_189 : memref<1x128xi32, #tpu.memory_space<vmem>> -> memref<128xi32, #tpu.memory_space<vmem>>
    %dma_wait3A_191 = arith.constant 0 : i32
    %dma_wait3A_192 = arith.constant 0 : i32
    %dma_wait3A_193 = tpu.memref_slice %arg2[%dma_wait3A_191, %dma_wait3A_192] : memref<16384x32xf32, #tpu.memory_space<hbm>> -> memref<16384x32xf32, #tpu.memory_space<hbm>>
    tpu.wait_indirect_dma semaphore(%arg15 : memref<!tpu.dma_semaphore, #tpu.memory_space<semaphore_mem>>) src(%dma_wait3A_193 : memref<16384x32xf32, #tpu.memory_space<hbm>>) dst(%dma_wait3A_187 : memref<128x32xf32, #tpu.memory_space<vmem>>)
    %dma_wait3A_194 = arith.constant 6 : i32
    %dma_wait3A_195 = arith.constant 768 : i32
    %dma_wait3A_196 = arith.constant 0 : i32
    %dma_wait3A_197 = tpu.memref_slice %arg12[%dma_wait3A_195, %dma_wait3A_196] : memref<1024x32xf32, #tpu.memory_space<vmem>> -> memref<128x32xf32, #tpu.memory_space<vmem>>
    %dma_wait3A_198 = arith.constant 0 : i32
    %dma_wait3A_199 = tpu.memref_slice %arg10[%dma_wait3A_194, %dma_wait3A_198] : memref<8x128xi32, #tpu.memory_space<vmem>> -> memref<1x128xi32, #tpu.memory_space<vmem>>
    %dma_wait3A_200 = tpu.memref_squeeze %dma_wait3A_199 : memref<1x128xi32, #tpu.memory_space<vmem>> -> memref<128xi32, #tpu.memory_space<vmem>>
    %dma_wait3A_201 = arith.constant 0 : i32
    %dma_wait3A_202 = arith.constant 0 : i32
    %dma_wait3A_203 = tpu.memref_slice %arg2[%dma_wait3A_201, %dma_wait3A_202] : memref<16384x32xf32, #tpu.memory_space<hbm>> -> memref<16384x32xf32, #tpu.memory_space<hbm>>
    tpu.wait_indirect_dma semaphore(%arg15 : memref<!tpu.dma_semaphore, #tpu.memory_space<semaphore_mem>>) src(%dma_wait3A_203 : memref<16384x32xf32, #tpu.memory_space<hbm>>) dst(%dma_wait3A_197 : memref<128x32xf32, #tpu.memory_space<vmem>>)
    %dma_wait3A_204 = arith.constant 7 : i32
    %dma_wait3A_205 = arith.constant 896 : i32
    %dma_wait3A_206 = arith.constant 0 : i32
    %dma_wait3A_207 = tpu.memref_slice %arg12[%dma_wait3A_205, %dma_wait3A_206] : memref<1024x32xf32, #tpu.memory_space<vmem>> -> memref<128x32xf32, #tpu.memory_space<vmem>>
    %dma_wait3A_208 = arith.constant 0 : i32
    %dma_wait3A_209 = tpu.memref_slice %arg10[%dma_wait3A_204, %dma_wait3A_208] : memref<8x128xi32, #tpu.memory_space<vmem>> -> memref<1x128xi32, #tpu.memory_space<vmem>>
    %dma_wait3A_210 = tpu.memref_squeeze %dma_wait3A_209 : memref<1x128xi32, #tpu.memory_space<vmem>> -> memref<128xi32, #tpu.memory_space<vmem>>
    %dma_wait3A_211 = arith.constant 0 : i32
    %dma_wait3A_212 = arith.constant 0 : i32
    %dma_wait3A_213 = tpu.memref_slice %arg2[%dma_wait3A_211, %dma_wait3A_212] : memref<16384x32xf32, #tpu.memory_space<hbm>> -> memref<16384x32xf32, #tpu.memory_space<hbm>>
    tpu.wait_indirect_dma semaphore(%arg15 : memref<!tpu.dma_semaphore, #tpu.memory_space<semaphore_mem>>) src(%dma_wait3A_213 : memref<16384x32xf32, #tpu.memory_space<hbm>>) dst(%dma_wait3A_207 : memref<128x32xf32, #tpu.memory_space<vmem>>)
    %eq3A = arith.constant 0 : i32
    %eq3A_214 = arith.cmpi eq, %arg0, %eq3A : i32
    %convert_element_type3A = arith.extui %eq3A_214 : i1 to i32
    %cond3A = arith.constant 0 : i32
    %cond3A_215 = arith.cmpi ne, %convert_element_type3A, %cond3A : i32
    scf.if %cond3A_215 {
      %mul3A_216 = arith.constant 1024 : i32
      %mul3A_217 = arith.muli %arg1, %mul3A_216 : i32
      "tpu.region"() ({
        %run_scoped3A_218 = tpu.sem_alloc : memref<!tpu.dma_semaphore, #tpu.memory_space<semaphore_mem>>
        %dma_start3A_219 = arith.constant 0 : i32
        %dma_start3A_220 = tpu.memref_slice %arg5[%mul3A_217, %dma_start3A_219] : memref<16384x32xf32, #tpu.memory_space<hbm>> -> memref<1024x32xf32, #tpu.memory_space<hbm>>
        %dma_start3A_221 = arith.constant 0 : i32
        %dma_start3A_222 = tpu.memref_slice %arg5[%mul3A_217, %dma_start3A_221] : memref<16384x32xf32, #tpu.memory_space<hbm>> -> memref<1024x32xf32, #tpu.memory_space<hbm>>
        tpu.enqueue_dma source(%arg12 : memref<1024x32xf32, #tpu.memory_space<vmem>>) target(%dma_start3A_222 : memref<1024x32xf32, #tpu.memory_space<hbm>>) target_semaphore(%run_scoped3A_218 : memref<!tpu.dma_semaphore, #tpu.memory_space<semaphore_mem>>)
        %dma_wait3A_223 = arith.constant 0 : i32
        %dma_wait3A_224 = tpu.memref_slice %arg5[%mul3A_217, %dma_wait3A_223] : memref<16384x32xf32, #tpu.memory_space<hbm>> -> memref<1024x32xf32, #tpu.memory_space<hbm>>
        %dma_wait3A_225 = arith.constant 0 : i32
        %dma_wait3A_226 = tpu.memref_slice %arg5[%mul3A_217, %dma_wait3A_225] : memref<16384x32xf32, #tpu.memory_space<hbm>> -> memref<1024x32xf32, #tpu.memory_space<hbm>>
        tpu.wait_dma2 semaphore(%run_scoped3A_218 : memref<!tpu.dma_semaphore, #tpu.memory_space<semaphore_mem>>) src(%arg12 : memref<1024x32xf32, #tpu.memory_space<vmem>>) dst(%dma_wait3A_226 : memref<1024x32xf32, #tpu.memory_space<hbm>>)
        tpu.yield
      }) : () -> ()
    } else {
    }
    return
  }
}

#map = affine_map<(d0, d1) -> (0, 0)>
module attributes {stable_mosaic.version = 14 : i64} {
  func.func @new_body(%arg0: i32, %arg1: i32, %arg2: memref<16384x32xf32, #tpu.memory_space<hbm>>, %arg3: memref<128x128xi32, #tpu.memory_space<hbm>>, %arg4: memref<1048576x32xf32, #tpu.memory_space<hbm>>, %arg5: memref<1048576x32xf32, #tpu.memory_space<hbm>>, %arg6: memref<4x128xi32, #tpu.memory_space<vmem>>, %arg7: memref<4x128xi32, #tpu.memory_space<vmem>>, %arg8: memref<512x32xf32, #tpu.memory_space<vmem>>, %arg9: memref<!tpu.dma_semaphore, #tpu.memory_space<semaphore_mem>>) attributes {dimension_semantics = [#tpu.dimension_semantics<core_parallel>, #tpu.dimension_semantics<subcore_parallel>], iteration_bounds = array<i64: 2, 16>, scalar_prefetch = 0 : i64, scratch_operands = 4 : i64, tpu.core_type = #tpu.core_type<sc_vector_subcore>, window_params = [{transform_indices = #map}, {transform_indices = #map}, {transform_indices = #map}, {transform_indices = #map}]} {
    %mul3A = arith.constant 2 : i32
    %mul3A_0 = arith.muli %arg1, %mul3A : i32
    %add3A = arith.addi %mul3A_0, %arg0 : i32
    %mul3A_1 = arith.constant 4 : i32
    %mul3A_2 = arith.muli %add3A, %mul3A_1 : i32
    "tpu.region"() ({
      %run_scoped3A = tpu.sem_alloc : memref<!tpu.dma_semaphore, #tpu.memory_space<semaphore_mem>>
      %dma_start3A_89 = arith.constant 0 : i32
      %dma_start3A_90 = tpu.memref_slice %arg3[%mul3A_2, %dma_start3A_89] : memref<128x128xi32, #tpu.memory_space<hbm>> -> memref<4x128xi32, #tpu.memory_space<hbm>>
      %dma_start3A_91 = arith.constant 0 : i32
      %dma_start3A_92 = tpu.memref_slice %arg3[%mul3A_2, %dma_start3A_91] : memref<128x128xi32, #tpu.memory_space<hbm>> -> memref<4x128xi32, #tpu.memory_space<hbm>>
      tpu.enqueue_dma source(%dma_start3A_92 : memref<4x128xi32, #tpu.memory_space<hbm>>) target(%arg6 : memref<4x128xi32, #tpu.memory_space<vmem>>) target_semaphore(%run_scoped3A : memref<!tpu.dma_semaphore, #tpu.memory_space<semaphore_mem>>)
      %dma_wait3A_93 = arith.constant 0 : i32
      %dma_wait3A_94 = tpu.memref_slice %arg3[%mul3A_2, %dma_wait3A_93] : memref<128x128xi32, #tpu.memory_space<hbm>> -> memref<4x128xi32, #tpu.memory_space<hbm>>
      %dma_wait3A_95 = arith.constant 0 : i32
      %dma_wait3A_96 = tpu.memref_slice %arg3[%mul3A_2, %dma_wait3A_95] : memref<128x128xi32, #tpu.memory_space<hbm>> -> memref<4x128xi32, #tpu.memory_space<hbm>>
      tpu.wait_dma2 semaphore(%run_scoped3A : memref<!tpu.dma_semaphore, #tpu.memory_space<semaphore_mem>>) src(%dma_wait3A_96 : memref<4x128xi32, #tpu.memory_space<hbm>>) dst(%arg6 : memref<4x128xi32, #tpu.memory_space<vmem>>)
      tpu.yield
    }) : () -> ()
    %mul3A_3 = arith.constant 512 : i32
    %mul3A_4 = arith.muli %add3A, %mul3A_3 : i32
    "tpu.region"() ({
      %run_scoped3A = tpu.sem_alloc : memref<!tpu.dma_semaphore, #tpu.memory_space<semaphore_mem>>
      %dma_start3A_89 = arith.constant 0 : i32
      %dma_start3A_90 = tpu.memref_slice %arg2[%mul3A_4, %dma_start3A_89] : memref<16384x32xf32, #tpu.memory_space<hbm>> -> memref<512x32xf32, #tpu.memory_space<hbm>>
      %dma_start3A_91 = arith.constant 0 : i32
      %dma_start3A_92 = tpu.memref_slice %arg2[%mul3A_4, %dma_start3A_91] : memref<16384x32xf32, #tpu.memory_space<hbm>> -> memref<512x32xf32, #tpu.memory_space<hbm>>
      tpu.enqueue_dma source(%dma_start3A_92 : memref<512x32xf32, #tpu.memory_space<hbm>>) target(%arg8 : memref<512x32xf32, #tpu.memory_space<vmem>>) target_semaphore(%run_scoped3A : memref<!tpu.dma_semaphore, #tpu.memory_space<semaphore_mem>>)
      %dma_wait3A_93 = arith.constant 0 : i32
      %dma_wait3A_94 = tpu.memref_slice %arg2[%mul3A_4, %dma_wait3A_93] : memref<16384x32xf32, #tpu.memory_space<hbm>> -> memref<512x32xf32, #tpu.memory_space<hbm>>
      %dma_wait3A_95 = arith.constant 0 : i32
      %dma_wait3A_96 = tpu.memref_slice %arg2[%mul3A_4, %dma_wait3A_95] : memref<16384x32xf32, #tpu.memory_space<hbm>> -> memref<512x32xf32, #tpu.memory_space<hbm>>
      tpu.wait_dma2 semaphore(%run_scoped3A : memref<!tpu.dma_semaphore, #tpu.memory_space<semaphore_mem>>) src(%dma_wait3A_96 : memref<512x32xf32, #tpu.memory_space<hbm>>) dst(%arg8 : memref<512x32xf32, #tpu.memory_space<vmem>>)
      tpu.yield
    }) : () -> ()
    %scan3A = arith.constant 0 : i32
    %scan3A_5 = arith.constant 0 : i32
    %scan3A_6 = arith.constant 32 : i32
    %scan3A_7 = arith.addi %scan3A_5, %scan3A_6 : i32
    %scan3A_8 = arith.constant 1 : i32
    %scan3A_9 = scf.for %scan3A_89 = %scan3A_5 to %scan3A_7 step %scan3A_8 iter_args(%scan3A_90 = %scan3A) -> (i32)  : i32 {
      %jit3A = arith.constant 8 : i32
      %div3A = arith.divsi %scan3A_89, %jit3A : i32
      %sign3A = arith.constant 0 : i32
      %sign3A_91 = arith.cmpi sgt, %scan3A_89, %sign3A : i32
      %sign3A_92 = arith.extui %sign3A_91 : i1 to i32
      %sign3A_93 = arith.constant 0 : i32
      %sign3A_94 = arith.cmpi slt, %scan3A_89, %sign3A_93 : i32
      %sign3A_95 = arith.extui %sign3A_94 : i1 to i32
      %sign3A_96 = arith.subi %sign3A_92, %sign3A_95 : i32
      %sign3A_97 = arith.constant 0 : i32
      %sign3A_98 = arith.cmpi sgt, %jit3A, %sign3A_97 : i32
      %sign3A_99 = arith.extui %sign3A_98 : i1 to i32
      %sign3A_100 = arith.constant 0 : i32
      %sign3A_101 = arith.cmpi slt, %jit3A, %sign3A_100 : i32
      %sign3A_102 = arith.extui %sign3A_101 : i1 to i32
      %sign3A_103 = arith.subi %sign3A_99, %sign3A_102 : i32
      %ne3A = arith.cmpi ne, %sign3A_96, %sign3A_103 : i32
      %rem3A = arith.remsi %scan3A_89, %jit3A : i32
      %ne3A_104 = arith.constant 0 : i32
      %ne3A_105 = arith.cmpi ne, %rem3A, %ne3A_104 : i32
      %and3A = arith.andi %ne3A, %ne3A_105 : i1
      %sub3A = arith.constant 1 : i32
      %sub3A_106 = arith.subi %div3A, %sub3A : i32
      %select_n3A = arith.select %and3A, %sub3A_106, %div3A : i32
      %jit3A_107 = arith.constant 8 : i32
      %eq3A = arith.constant 0 : i32
      %eq3A_108 = arith.cmpi eq, %jit3A_107, %eq3A : i32
      %jit3A_109 = arith.constant 1 : i32
      %select_n3A_110 = arith.select %eq3A_108, %jit3A_109, %jit3A_107 : i32
      %rem3A_111 = arith.remsi %scan3A_89, %select_n3A_110 : i32
      %ne3A_112 = arith.constant 0 : i32
      %ne3A_113 = arith.cmpi ne, %rem3A_111, %ne3A_112 : i32
      %lt3A = arith.constant 0 : i32
      %lt3A_114 = arith.cmpi slt, %rem3A_111, %lt3A : i32
      %lt3A_115 = arith.constant 0 : i32
      %lt3A_116 = arith.cmpi slt, %select_n3A_110, %lt3A_115 : i32
      %ne3A_117 = arith.xori %lt3A_114, %lt3A_116 : i1
      %and3A_118 = arith.andi %ne3A_117, %ne3A_113 : i1
      %add3A_119 = arith.addi %rem3A_111, %select_n3A_110 : i32
      %select_n3A_120 = arith.select %and3A_118, %add3A_119, %rem3A_111 : i32
      %mul3A_121 = arith.constant 16 : i32
      %mul3A_122 = arith.muli %select_n3A_120, %mul3A_121 : i32
      %get3A = arith.index_cast %select_n3A : i32 to index
      %get3A_123 = arith.index_cast %mul3A_122 : i32 to index
      %get3A_124 = tpu.vector_load %arg6[%get3A, %get3A_123] {strides = array<i32>} : memref<4x128xi32, #tpu.memory_space<vmem>>, vector<16xi32>,
      %jit3A_125 = arith.constant 65536 : i32
      %eq3A_126 = arith.constant 0 : i32
      %eq3A_127 = arith.cmpi eq, %jit3A_125, %eq3A_126 : i32
      %jit3A_128 = arith.constant 1 : i32
      %select_n3A_129 = arith.select %eq3A_127, %jit3A_128, %jit3A_125 : i32
      %rem3A_130 = vector.broadcast %select_n3A_129 : i32 to vector<16xi32>
      %rem3A_131 = arith.remsi %get3A_124, %rem3A_130 : vector<16xi32>
      %ne3A_132 = arith.constant 0 : i32
      %ne3A_133 = vector.broadcast %ne3A_132 : i32 to vector<16xi32>
      %ne3A_134 = arith.cmpi ne, %rem3A_131, %ne3A_133 : vector<16xi32>
      %lt3A_135 = arith.constant 0 : i32
      %lt3A_136 = vector.broadcast %lt3A_135 : i32 to vector<16xi32>
      %lt3A_137 = arith.cmpi slt, %rem3A_131, %lt3A_136 : vector<16xi32>
      %lt3A_138 = arith.constant 0 : i32
      %lt3A_139 = arith.cmpi slt, %select_n3A_129, %lt3A_138 : i32
      %ne3A_140 = vector.broadcast %lt3A_139 : i1 to vector<16xi1>
      %ne3A_141 = vector.broadcast %ne3A_140 : vector<16xi1> to vector<16xi1>
      %ne3A_142 = arith.xori %lt3A_137, %ne3A_141 : vector<16xi1>
      %and3A_143 = arith.andi %ne3A_142, %ne3A_134 : vector<16xi1>
      %add3A_144 = vector.broadcast %select_n3A_129 : i32 to vector<16xi32>
      %add3A_145 = arith.addi %rem3A_131, %add3A_144 : vector<16xi32>
      %select_n3A_146 = arith.select %and3A_143, %add3A_145, %rem3A_131 : vector<16xi1>, vector<16xi32>
      %jit3A_147 = arith.constant 65536 : i32
      %div3A_148 = vector.broadcast %jit3A_147 : i32 to vector<16xi32>
      %div3A_149 = arith.divsi %get3A_124, %div3A_148 : vector<16xi32>
      %sign3A_150 = arith.constant 0 : i32
      %sign3A_151 = vector.broadcast %sign3A_150 : i32 to vector<16xi32>
      %sign3A_152 = arith.cmpi sgt, %get3A_124, %sign3A_151 : vector<16xi32>
      %sign3A_153 = arith.extui %sign3A_152 : vector<16xi1> to vector<16xi32>
      %sign3A_154 = arith.constant 0 : i32
      %sign3A_155 = vector.broadcast %sign3A_154 : i32 to vector<16xi32>
      %sign3A_156 = arith.cmpi slt, %get3A_124, %sign3A_155 : vector<16xi32>
      %sign3A_157 = arith.extui %sign3A_156 : vector<16xi1> to vector<16xi32>
      %sign3A_158 = arith.subi %sign3A_153, %sign3A_157 : vector<16xi32>
      %sign3A_159 = arith.constant 0 : i32
      %sign3A_160 = arith.cmpi sgt, %jit3A_147, %sign3A_159 : i32
      %sign3A_161 = arith.extui %sign3A_160 : i1 to i32
      %sign3A_162 = arith.constant 0 : i32
      %sign3A_163 = arith.cmpi slt, %jit3A_147, %sign3A_162 : i32
      %sign3A_164 = arith.extui %sign3A_163 : i1 to i32
      %sign3A_165 = arith.subi %sign3A_161, %sign3A_164 : i32
      %ne3A_166 = vector.broadcast %sign3A_165 : i32 to vector<16xi32>
      %ne3A_167 = arith.cmpi ne, %sign3A_158, %ne3A_166 : vector<16xi32>
      %rem3A_168 = vector.broadcast %jit3A_147 : i32 to vector<16xi32>
      %rem3A_169 = arith.remsi %get3A_124, %rem3A_168 : vector<16xi32>
      %ne3A_170 = arith.constant 0 : i32
      %ne3A_171 = vector.broadcast %ne3A_170 : i32 to vector<16xi32>
      %ne3A_172 = arith.cmpi ne, %rem3A_169, %ne3A_171 : vector<16xi32>
      %and3A_173 = arith.andi %ne3A_167, %ne3A_172 : vector<16xi1>
      %sub3A_174 = arith.constant 1 : i32
      %sub3A_175 = vector.broadcast %sub3A_174 : i32 to vector<16xi32>
      %sub3A_176 = arith.subi %div3A_149, %sub3A_175 : vector<16xi32>
      %select_n3A_177 = arith.select %and3A_173, %sub3A_176, %div3A_149 : vector<16xi1>, vector<16xi32>
      %mul3A_178 = arith.constant 16384 : i32
      %mul3A_179 = vector.broadcast %mul3A_178 : i32 to vector<16xi32>
      %mul3A_180 = arith.muli %mul3A_179, %select_n3A_177 : vector<16xi32>
      %jit3A_181 = arith.constant 16384 : i32
      %eq3A_182 = arith.constant 0 : i32
      %eq3A_183 = arith.cmpi eq, %jit3A_181, %eq3A_182 : i32
      %jit3A_184 = arith.constant 1 : i32
      %select_n3A_185 = arith.select %eq3A_183, %jit3A_184, %jit3A_181 : i32
      %rem3A_186 = vector.broadcast %select_n3A_185 : i32 to vector<16xi32>
      %rem3A_187 = arith.remsi %get3A_124, %rem3A_186 : vector<16xi32>
      %ne3A_188 = arith.constant 0 : i32
      %ne3A_189 = vector.broadcast %ne3A_188 : i32 to vector<16xi32>
      %ne3A_190 = arith.cmpi ne, %rem3A_187, %ne3A_189 : vector<16xi32>
      %lt3A_191 = arith.constant 0 : i32
      %lt3A_192 = vector.broadcast %lt3A_191 : i32 to vector<16xi32>
      %lt3A_193 = arith.cmpi slt, %rem3A_187, %lt3A_192 : vector<16xi32>
      %lt3A_194 = arith.constant 0 : i32
      %lt3A_195 = arith.cmpi slt, %select_n3A_185, %lt3A_194 : i32
      %ne3A_196 = vector.broadcast %lt3A_195 : i1 to vector<16xi1>
      %ne3A_197 = vector.broadcast %ne3A_196 : vector<16xi1> to vector<16xi1>
      %ne3A_198 = arith.xori %lt3A_193, %ne3A_197 : vector<16xi1>
      %and3A_199 = arith.andi %ne3A_198, %ne3A_190 : vector<16xi1>
      %add3A_200 = vector.broadcast %select_n3A_185 : i32 to vector<16xi32>
      %add3A_201 = arith.addi %rem3A_187, %add3A_200 : vector<16xi32>
      %select_n3A_202 = arith.select %and3A_199, %add3A_201, %rem3A_187 : vector<16xi1>, vector<16xi32>
      %add3A_203 = arith.addi %mul3A_180, %select_n3A_202 : vector<16xi32>
      %mul3A_204 = arith.constant 4 : i32
      %mul3A_205 = vector.broadcast %mul3A_204 : i32 to vector<16xi32>
      %mul3A_206 = arith.muli %mul3A_205, %add3A_203 : vector<16xi32>
      %jit3A_207 = arith.constant 16384 : i32
      %div3A_208 = vector.broadcast %jit3A_207 : i32 to vector<16xi32>
      %div3A_209 = arith.divsi %select_n3A_146, %div3A_208 : vector<16xi32>
      %sign3A_210 = arith.constant 0 : i32
      %sign3A_211 = vector.broadcast %sign3A_210 : i32 to vector<16xi32>
      %sign3A_212 = arith.cmpi sgt, %select_n3A_146, %sign3A_211 : vector<16xi32>
      %sign3A_213 = arith.extui %sign3A_212 : vector<16xi1> to vector<16xi32>
      %sign3A_214 = arith.constant 0 : i32
      %sign3A_215 = vector.broadcast %sign3A_214 : i32 to vector<16xi32>
      %sign3A_216 = arith.cmpi slt, %select_n3A_146, %sign3A_215 : vector<16xi32>
      %sign3A_217 = arith.extui %sign3A_216 : vector<16xi1> to vector<16xi32>
      %sign3A_218 = arith.subi %sign3A_213, %sign3A_217 : vector<16xi32>
      %sign3A_219 = arith.constant 0 : i32
      %sign3A_220 = arith.cmpi sgt, %jit3A_207, %sign3A_219 : i32
      %sign3A_221 = arith.extui %sign3A_220 : i1 to i32
      %sign3A_222 = arith.constant 0 : i32
      %sign3A_223 = arith.cmpi slt, %jit3A_207, %sign3A_222 : i32
      %sign3A_224 = arith.extui %sign3A_223 : i1 to i32
      %sign3A_225 = arith.subi %sign3A_221, %sign3A_224 : i32
      %ne3A_226 = vector.broadcast %sign3A_225 : i32 to vector<16xi32>
      %ne3A_227 = arith.cmpi ne, %sign3A_218, %ne3A_226 : vector<16xi32>
      %rem3A_228 = vector.broadcast %jit3A_207 : i32 to vector<16xi32>
      %rem3A_229 = arith.remsi %select_n3A_146, %rem3A_228 : vector<16xi32>
      %ne3A_230 = arith.constant 0 : i32
      %ne3A_231 = vector.broadcast %ne3A_230 : i32 to vector<16xi32>
      %ne3A_232 = arith.cmpi ne, %rem3A_229, %ne3A_231 : vector<16xi32>
      %and3A_233 = arith.andi %ne3A_227, %ne3A_232 : vector<16xi1>
      %sub3A_234 = arith.constant 1 : i32
      %sub3A_235 = vector.broadcast %sub3A_234 : i32 to vector<16xi32>
      %sub3A_236 = arith.subi %div3A_209, %sub3A_235 : vector<16xi32>
      %select_n3A_237 = arith.select %and3A_233, %sub3A_236, %div3A_209 : vector<16xi1>, vector<16xi32>
      %add3A_238 = arith.addi %mul3A_206, %select_n3A_237 : vector<16xi32>
      %swap3A = arith.index_cast %select_n3A : i32 to index
      %swap3A_239 = arith.index_cast %mul3A_122 : i32 to index
      %swap3A_240 = tpu.vector_load %arg7[%swap3A, %swap3A_239] {strides = array<i32>} : memref<4x128xi32, #tpu.memory_space<vmem>>, vector<16xi32>,
      tpu.vector_store %arg7[%swap3A, %swap3A_239], %add3A_238 {strides = array<i32>} : memref<4x128xi32, #tpu.memory_space<vmem>>, vector<16xi32>,
      %scan3A_241 = arith.constant 0 : i32
      scf.yield %scan3A_241 : i32
    }
    %scan3A_10 = arith.constant 32 : i32
    %dma_start3A = arith.constant 0 : i32
    %dma_start3A_11 = arith.constant 0 : i32
    %dma_start3A_12 = arith.constant 0 : i32
    %dma_start3A_13 = tpu.memref_slice %arg8[%dma_start3A_11, %dma_start3A_12] : memref<512x32xf32, #tpu.memory_space<vmem>> -> memref<128x32xf32, #tpu.memory_space<vmem>>
    %dma_start3A_14 = arith.constant 0 : i32
    %dma_start3A_15 = tpu.memref_slice %arg7[%dma_start3A, %dma_start3A_14] : memref<4x128xi32, #tpu.memory_space<vmem>> -> memref<1x128xi32, #tpu.memory_space<vmem>>
    %dma_start3A_16 = tpu.memref_squeeze %dma_start3A_15 : memref<1x128xi32, #tpu.memory_space<vmem>> -> memref<128xi32, #tpu.memory_space<vmem>>
    %dma_start3A_17 = arith.constant 0 : i32
    %dma_start3A_18 = arith.constant 0 : i32
    %dma_start3A_19 = tpu.memref_slice %arg4[%dma_start3A_17, %dma_start3A_18] : memref<1048576x32xf32, #tpu.memory_space<hbm>> -> memref<1048576x32xf32, #tpu.memory_space<hbm>>
    tpu.enqueue_indirect_dma source(%dma_start3A_13 : memref<128x32xf32, #tpu.memory_space<vmem>>) target(%dma_start3A_19 : memref<1048576x32xf32, #tpu.memory_space<hbm>>) offsets(%dma_start3A_16 : memref<128xi32, #tpu.memory_space<vmem>>) semaphore(%arg9 : memref<!tpu.dma_semaphore, #tpu.memory_space<semaphore_mem>>)
    %dma_start3A_20 = arith.constant 1 : i32
    %dma_start3A_21 = arith.constant 128 : i32
    %dma_start3A_22 = arith.constant 0 : i32
    %dma_start3A_23 = tpu.memref_slice %arg8[%dma_start3A_21, %dma_start3A_22] : memref<512x32xf32, #tpu.memory_space<vmem>> -> memref<128x32xf32, #tpu.memory_space<vmem>>
    %dma_start3A_24 = arith.constant 0 : i32
    %dma_start3A_25 = tpu.memref_slice %arg7[%dma_start3A_20, %dma_start3A_24] : memref<4x128xi32, #tpu.memory_space<vmem>> -> memref<1x128xi32, #tpu.memory_space<vmem>>
    %dma_start3A_26 = tpu.memref_squeeze %dma_start3A_25 : memref<1x128xi32, #tpu.memory_space<vmem>> -> memref<128xi32, #tpu.memory_space<vmem>>
    %dma_start3A_27 = arith.constant 0 : i32
    %dma_start3A_28 = arith.constant 0 : i32
    %dma_start3A_29 = tpu.memref_slice %arg4[%dma_start3A_27, %dma_start3A_28] : memref<1048576x32xf32, #tpu.memory_space<hbm>> -> memref<1048576x32xf32, #tpu.memory_space<hbm>>
    tpu.enqueue_indirect_dma source(%dma_start3A_23 : memref<128x32xf32, #tpu.memory_space<vmem>>) target(%dma_start3A_29 : memref<1048576x32xf32, #tpu.memory_space<hbm>>) offsets(%dma_start3A_26 : memref<128xi32, #tpu.memory_space<vmem>>) semaphore(%arg9 : memref<!tpu.dma_semaphore, #tpu.memory_space<semaphore_mem>>)
    %dma_start3A_30 = arith.constant 2 : i32
    %dma_start3A_31 = arith.constant 256 : i32
    %dma_start3A_32 = arith.constant 0 : i32
    %dma_start3A_33 = tpu.memref_slice %arg8[%dma_start3A_31, %dma_start3A_32] : memref<512x32xf32, #tpu.memory_space<vmem>> -> memref<128x32xf32, #tpu.memory_space<vmem>>
    %dma_start3A_34 = arith.constant 0 : i32
    %dma_start3A_35 = tpu.memref_slice %arg7[%dma_start3A_30, %dma_start3A_34] : memref<4x128xi32, #tpu.memory_space<vmem>> -> memref<1x128xi32, #tpu.memory_space<vmem>>
    %dma_start3A_36 = tpu.memref_squeeze %dma_start3A_35 : memref<1x128xi32, #tpu.memory_space<vmem>> -> memref<128xi32, #tpu.memory_space<vmem>>
    %dma_start3A_37 = arith.constant 0 : i32
    %dma_start3A_38 = arith.constant 0 : i32
    %dma_start3A_39 = tpu.memref_slice %arg4[%dma_start3A_37, %dma_start3A_38] : memref<1048576x32xf32, #tpu.memory_space<hbm>> -> memref<1048576x32xf32, #tpu.memory_space<hbm>>
    tpu.enqueue_indirect_dma source(%dma_start3A_33 : memref<128x32xf32, #tpu.memory_space<vmem>>) target(%dma_start3A_39 : memref<1048576x32xf32, #tpu.memory_space<hbm>>) offsets(%dma_start3A_36 : memref<128xi32, #tpu.memory_space<vmem>>) semaphore(%arg9 : memref<!tpu.dma_semaphore, #tpu.memory_space<semaphore_mem>>)
    %dma_start3A_40 = arith.constant 3 : i32
    %dma_start3A_41 = arith.constant 384 : i32
    %dma_start3A_42 = arith.constant 0 : i32
    %dma_start3A_43 = tpu.memref_slice %arg8[%dma_start3A_41, %dma_start3A_42] : memref<512x32xf32, #tpu.memory_space<vmem>> -> memref<128x32xf32, #tpu.memory_space<vmem>>
    %dma_start3A_44 = arith.constant 0 : i32
    %dma_start3A_45 = tpu.memref_slice %arg7[%dma_start3A_40, %dma_start3A_44] : memref<4x128xi32, #tpu.memory_space<vmem>> -> memref<1x128xi32, #tpu.memory_space<vmem>>
    %dma_start3A_46 = tpu.memref_squeeze %dma_start3A_45 : memref<1x128xi32, #tpu.memory_space<vmem>> -> memref<128xi32, #tpu.memory_space<vmem>>
    %dma_start3A_47 = arith.constant 0 : i32
    %dma_start3A_48 = arith.constant 0 : i32
    %dma_start3A_49 = tpu.memref_slice %arg4[%dma_start3A_47, %dma_start3A_48] : memref<1048576x32xf32, #tpu.memory_space<hbm>> -> memref<1048576x32xf32, #tpu.memory_space<hbm>>
    tpu.enqueue_indirect_dma source(%dma_start3A_43 : memref<128x32xf32, #tpu.memory_space<vmem>>) target(%dma_start3A_49 : memref<1048576x32xf32, #tpu.memory_space<hbm>>) offsets(%dma_start3A_46 : memref<128xi32, #tpu.memory_space<vmem>>) semaphore(%arg9 : memref<!tpu.dma_semaphore, #tpu.memory_space<semaphore_mem>>)
    %dma_wait3A = arith.constant 0 : i32
    %dma_wait3A_50 = arith.constant 0 : i32
    %dma_wait3A_51 = arith.constant 0 : i32
    %dma_wait3A_52 = tpu.memref_slice %arg8[%dma_wait3A_50, %dma_wait3A_51] : memref<512x32xf32, #tpu.memory_space<vmem>> -> memref<128x32xf32, #tpu.memory_space<vmem>>
    %dma_wait3A_53 = arith.constant 0 : i32
    %dma_wait3A_54 = tpu.memref_slice %arg7[%dma_wait3A, %dma_wait3A_53] : memref<4x128xi32, #tpu.memory_space<vmem>> -> memref<1x128xi32, #tpu.memory_space<vmem>>
    %dma_wait3A_55 = tpu.memref_squeeze %dma_wait3A_54 : memref<1x128xi32, #tpu.memory_space<vmem>> -> memref<128xi32, #tpu.memory_space<vmem>>
    %dma_wait3A_56 = arith.constant 0 : i32
    %dma_wait3A_57 = arith.constant 0 : i32
    %dma_wait3A_58 = tpu.memref_slice %arg4[%dma_wait3A_56, %dma_wait3A_57] : memref<1048576x32xf32, #tpu.memory_space<hbm>> -> memref<1048576x32xf32, #tpu.memory_space<hbm>>
    tpu.wait_indirect_dma semaphore(%arg9 : memref<!tpu.dma_semaphore, #tpu.memory_space<semaphore_mem>>) src(%dma_wait3A_52 : memref<128x32xf32, #tpu.memory_space<vmem>>) dst(%dma_wait3A_58 : memref<1048576x32xf32, #tpu.memory_space<hbm>>)
    %dma_wait3A_59 = arith.constant 1 : i32
    %dma_wait3A_60 = arith.constant 128 : i32
    %dma_wait3A_61 = arith.constant 0 : i32
    %dma_wait3A_62 = tpu.memref_slice %arg8[%dma_wait3A_60, %dma_wait3A_61] : memref<512x32xf32, #tpu.memory_space<vmem>> -> memref<128x32xf32, #tpu.memory_space<vmem>>
    %dma_wait3A_63 = arith.constant 0 : i32
    %dma_wait3A_64 = tpu.memref_slice %arg7[%dma_wait3A_59, %dma_wait3A_63] : memref<4x128xi32, #tpu.memory_space<vmem>> -> memref<1x128xi32, #tpu.memory_space<vmem>>
    %dma_wait3A_65 = tpu.memref_squeeze %dma_wait3A_64 : memref<1x128xi32, #tpu.memory_space<vmem>> -> memref<128xi32, #tpu.memory_space<vmem>>
    %dma_wait3A_66 = arith.constant 0 : i32
    %dma_wait3A_67 = arith.constant 0 : i32
    %dma_wait3A_68 = tpu.memref_slice %arg4[%dma_wait3A_66, %dma_wait3A_67] : memref<1048576x32xf32, #tpu.memory_space<hbm>> -> memref<1048576x32xf32, #tpu.memory_space<hbm>>
    tpu.wait_indirect_dma semaphore(%arg9 : memref<!tpu.dma_semaphore, #tpu.memory_space<semaphore_mem>>) src(%dma_wait3A_62 : memref<128x32xf32, #tpu.memory_space<vmem>>) dst(%dma_wait3A_68 : memref<1048576x32xf32, #tpu.memory_space<hbm>>)
    %dma_wait3A_69 = arith.constant 2 : i32
    %dma_wait3A_70 = arith.constant 256 : i32
    %dma_wait3A_71 = arith.constant 0 : i32
    %dma_wait3A_72 = tpu.memref_slice %arg8[%dma_wait3A_70, %dma_wait3A_71] : memref<512x32xf32, #tpu.memory_space<vmem>> -> memref<128x32xf32, #tpu.memory_space<vmem>>
    %dma_wait3A_73 = arith.constant 0 : i32
    %dma_wait3A_74 = tpu.memref_slice %arg7[%dma_wait3A_69, %dma_wait3A_73] : memref<4x128xi32, #tpu.memory_space<vmem>> -> memref<1x128xi32, #tpu.memory_space<vmem>>
    %dma_wait3A_75 = tpu.memref_squeeze %dma_wait3A_74 : memref<1x128xi32, #tpu.memory_space<vmem>> -> memref<128xi32, #tpu.memory_space<vmem>>
    %dma_wait3A_76 = arith.constant 0 : i32
    %dma_wait3A_77 = arith.constant 0 : i32
    %dma_wait3A_78 = tpu.memref_slice %arg4[%dma_wait3A_76, %dma_wait3A_77] : memref<1048576x32xf32, #tpu.memory_space<hbm>> -> memref<1048576x32xf32, #tpu.memory_space<hbm>>
    tpu.wait_indirect_dma semaphore(%arg9 : memref<!tpu.dma_semaphore, #tpu.memory_space<semaphore_mem>>) src(%dma_wait3A_72 : memref<128x32xf32, #tpu.memory_space<vmem>>) dst(%dma_wait3A_78 : memref<1048576x32xf32, #tpu.memory_space<hbm>>)
    %dma_wait3A_79 = arith.constant 3 : i32
    %dma_wait3A_80 = arith.constant 384 : i32
    %dma_wait3A_81 = arith.constant 0 : i32
    %dma_wait3A_82 = tpu.memref_slice %arg8[%dma_wait3A_80, %dma_wait3A_81] : memref<512x32xf32, #tpu.memory_space<vmem>> -> memref<128x32xf32, #tpu.memory_space<vmem>>
    %dma_wait3A_83 = arith.constant 0 : i32
    %dma_wait3A_84 = tpu.memref_slice %arg7[%dma_wait3A_79, %dma_wait3A_83] : memref<4x128xi32, #tpu.memory_space<vmem>> -> memref<1x128xi32, #tpu.memory_space<vmem>>
    %dma_wait3A_85 = tpu.memref_squeeze %dma_wait3A_84 : memref<1x128xi32, #tpu.memory_space<vmem>> -> memref<128xi32, #tpu.memory_space<vmem>>
    %dma_wait3A_86 = arith.constant 0 : i32
    %dma_wait3A_87 = arith.constant 0 : i32
    %dma_wait3A_88 = tpu.memref_slice %arg4[%dma_wait3A_86, %dma_wait3A_87] : memref<1048576x32xf32, #tpu.memory_space<hbm>> -> memref<1048576x32xf32, #tpu.memory_space<hbm>>
    tpu.wait_indirect_dma semaphore(%arg9 : memref<!tpu.dma_semaphore, #tpu.memory_space<semaphore_mem>>) src(%dma_wait3A_82 : memref<128x32xf32, #tpu.memory_space<vmem>>) dst(%dma_wait3A_88 : memref<1048576x32xf32, #tpu.memory_space<hbm>>)
    return
  }
}

module attributes {stable_mosaic.version = 14 : i64} {
  func.func @body(%arg0: i32, %arg1: memref<32x16384xf32, #tpu.memory_space<vmem>>, %arg2: memref<32x16384xf32, #tpu.memory_space<vmem>>, %arg3: memref<32x16384xf32, #tpu.memory_space<vmem>>, %arg4: memref<32x16384xf32, #tpu.memory_space<vmem>>, %arg5: memref<32x16384xf32, #tpu.memory_space<vmem>>, %arg6: memref<16384x128xf32, #tpu.memory_space<vmem>>) attributes {dimension_semantics = [#tpu.dimension_semantics<arbitrary>], iteration_bounds = array<i64: 16>, scalar_prefetch = 0 : i64, scratch_operands = 0 : i64, tpu.core_type = #tpu.core_type<tc>, window_params = [{transform_indices = @transform_0, window_bounds = array<i64: 32, 16384>}, {transform_indices = @transform_1, window_bounds = array<i64: 32, 16384>}, {transform_indices = @transform_2, window_bounds = array<i64: 32, 16384>}, {transform_indices = @transform_3, window_bounds = array<i64: 32, 16384>}, {pipeline_mode = #tpu.pipeline_mode<synchronous>, transform_indices = @transform_4, window_bounds = array<i64: 32, 16384>}, {transform_indices = @transform_5, window_bounds = array<i64: 16384, 128>}]} {
    %lt3A = arith.constant 15 : i32
    %lt3A_0 = arith.cmpi slt, %arg0, %lt3A : i32
    %convert_element_type3A = arith.extui %lt3A_0 : i1 to i32
    %cond3A = arith.constant 0 : i32
    %cond3A_1 = arith.cmpi ne, %convert_element_type3A, %cond3A : i32
    scf.if %cond3A_1 {
      %get3A = arith.constant 0 : index
      %get3A_6 = arith.constant 0 : index
      %get3A_7 = vector.load %arg1[%get3A, %get3A_6] : memref<32x16384xf32, #tpu.memory_space<vmem>>, vector<32x16384xf32>
      %get3A_8 = arith.constant 0 : index
      %get3A_9 = arith.constant 0 : index
      %get3A_10 = vector.load %arg2[%get3A_8, %get3A_9] : memref<32x16384xf32, #tpu.memory_space<vmem>>, vector<32x16384xf32>
      %get3A_11 = arith.constant 0 : index
      %get3A_12 = arith.constant 0 : index
      %get3A_13 = vector.load %arg3[%get3A_11, %get3A_12] : memref<32x16384xf32, #tpu.memory_space<vmem>>, vector<32x16384xf32>
      %get3A_14 = arith.constant 0 : index
      %get3A_15 = arith.constant 0 : index
      %get3A_16 = vector.load %arg4[%get3A_14, %get3A_15] : memref<32x16384xf32, #tpu.memory_space<vmem>>, vector<32x16384xf32>
      %concatenate3A = tpu.concatenate %get3A_7, %get3A_10, %get3A_13, %get3A_16 in 0 : vector<32x16384xf32>, vector<32x16384xf32>, vector<32x16384xf32>, vector<32x16384xf32> -> vector<128x16384xf32>
      %transpose3A = tpu.transpose %concatenate3A, [1, 0] : vector<128x16384xf32> -> vector<16384x128xf32>
      %swap3A = arith.constant 0 : index
      %swap3A_17 = arith.constant 0 : index
      %swap3A_18 = vector.load %arg6[%swap3A, %swap3A_17] : memref<16384x128xf32, #tpu.memory_space<vmem>>, vector<16384x128xf32>
      tpu.vector_store %arg6[%swap3A, %swap3A_17], %transpose3A {strides = array<i32>} : memref<16384x128xf32, #tpu.memory_space<vmem>>, vector<16384x128xf32>,
    } else {
    }
    %eq3A = arith.constant 15 : i32
    %eq3A_2 = arith.cmpi eq, %arg0, %eq3A : i32
    %convert_element_type3A_3 = arith.extui %eq3A_2 : i1 to i32
    %cond3A_4 = arith.constant 0 : i32
    %cond3A_5 = arith.cmpi ne, %convert_element_type3A_3, %cond3A_4 : i32
    scf.if %cond3A_5 {
      %get3A = arith.constant 0 : index
      %get3A_6 = arith.constant 0 : index
      %get3A_7 = vector.load %arg1[%get3A, %get3A_6] : memref<32x16384xf32, #tpu.memory_space<vmem>>, vector<32x16384xf32>
      %get3A_8 = arith.constant 0 : index
      %get3A_9 = arith.constant 0 : index
      %get3A_10 = vector.load %arg5[%get3A_8, %get3A_9] : memref<32x16384xf32, #tpu.memory_space<vmem>>, vector<32x16384xf32>
      %get3A_11 = arith.constant 0 : index
      %get3A_12 = arith.constant 0 : index
      %get3A_13 = vector.load %arg5[%get3A_11, %get3A_12] : memref<32x16384xf32, #tpu.memory_space<vmem>>, vector<32x16384xf32>
      %get3A_14 = arith.constant 0 : index
      %get3A_15 = arith.constant 0 : index
      %get3A_16 = vector.load %arg5[%get3A_14, %get3A_15] : memref<32x16384xf32, #tpu.memory_space<vmem>>, vector<32x16384xf32>
      %concatenate3A = tpu.concatenate %get3A_7, %get3A_10, %get3A_13, %get3A_16 in 0 : vector<32x16384xf32>, vector<32x16384xf32>, vector<32x16384xf32>, vector<32x16384xf32> -> vector<128x16384xf32>
      %transpose3A = tpu.transpose %concatenate3A, [1, 0] : vector<128x16384xf32> -> vector<16384x128xf32>
      %swap3A = arith.constant 0 : index
      %swap3A_17 = arith.constant 0 : index
      %swap3A_18 = vector.load %arg6[%swap3A, %swap3A_17] : memref<16384x128xf32, #tpu.memory_space<vmem>>, vector<16384x128xf32>
      tpu.vector_store %arg6[%swap3A, %swap3A_17], %transpose3A {strides = array<i32>} : memref<16384x128xf32, #tpu.memory_space<vmem>>, vector<16384x128xf32>,
    } else {
    }
    return
  }
  func.func @transform_0(%arg0: i32) -> (i32, i32) {
    %mul3A = arith.constant 4 : i32
    %mul3A_0 = arith.muli %mul3A, %arg0 : i32
    %add3A = arith.constant 0 : i32
    %add3A_1 = arith.addi %mul3A_0, %add3A : i32
    %min3A = arith.constant 60 : i32
    %min3A_2 = arith.minsi %add3A_1, %min3A : i32
    %c0_i32 = arith.constant 0 : i32
    %c0_i32_3 = arith.constant 0 : i32
    return %c0_i32, %min3A_2 : i32, i32
  }
  func.func @transform_1(%arg0: i32) -> (i32, i32) {
    %mul3A = arith.constant 4 : i32
    %mul3A_0 = arith.muli %mul3A, %arg0 : i32
    %add3A = arith.constant 1 : i32
    %add3A_1 = arith.addi %mul3A_0, %add3A : i32
    %min3A = arith.constant 60 : i32
    %min3A_2 = arith.minsi %add3A_1, %min3A : i32
    %c0_i32 = arith.constant 0 : i32
    %c0_i32_3 = arith.constant 0 : i32
    return %c0_i32, %min3A_2 : i32, i32
  }
  func.func @transform_2(%arg0: i32) -> (i32, i32) {
    %mul3A = arith.constant 4 : i32
    %mul3A_0 = arith.muli %mul3A, %arg0 : i32
    %add3A = arith.constant 2 : i32
    %add3A_1 = arith.addi %mul3A_0, %add3A : i32
    %min3A = arith.constant 60 : i32
    %min3A_2 = arith.minsi %add3A_1, %min3A : i32
    %c0_i32 = arith.constant 0 : i32
    %c0_i32_3 = arith.constant 0 : i32
    return %c0_i32, %min3A_2 : i32, i32
  }
  func.func @transform_3(%arg0: i32) -> (i32, i32) {
    %mul3A = arith.constant 4 : i32
    %mul3A_0 = arith.muli %mul3A, %arg0 : i32
    %add3A = arith.constant 3 : i32
    %add3A_1 = arith.addi %mul3A_0, %add3A : i32
    %min3A = arith.constant 60 : i32
    %min3A_2 = arith.minsi %add3A_1, %min3A : i32
    %c0_i32 = arith.constant 0 : i32
    %c0_i32_3 = arith.constant 0 : i32
    return %c0_i32, %min3A_2 : i32, i32
  }
  func.func @transform_4(%arg0: i32) -> (i32, i32) {
    %c0_i32 = arith.constant 0 : i32
    %c0_i32_0 = arith.constant 0 : i32
    %c0_i32_1 = arith.constant 0 : i32
    return %c0_i32, %c0_i32_0 : i32, i32
  }
  func.func @transform_5(%arg0: i32) -> (i32, i32) {
    %c0_i32 = arith.constant 0 : i32
    %c0_i32_0 = arith.constant 0 : i32
    return %arg0, %c0_i32 : i32, i32
  }
}

module attributes {stable_mosaic.version = 14 : i64} {
  func.func @body(%arg0: i32, %arg1: memref<16384x128xf32, #tpu.memory_space<vmem>>, %arg2: memref<32x65536xf32, #tpu.memory_space<vmem>>) attributes {dimension_semantics = [#tpu.dimension_semantics<arbitrary>], iteration_bounds = array<i64: 16>, scalar_prefetch = 0 : i64, scratch_operands = 0 : i64, tpu.core_type = #tpu.core_type<tc>, window_params = [{transform_indices = @transform_0, window_bounds = array<i64: 16384, 128>}, {transform_indices = @transform_1, window_bounds = array<i64: 32, 65536>}]} {
    %get3A = arith.constant 0 : index
    %get3A_0 = arith.constant 0 : index
    %get3A_1 = vector.load %arg1[%get3A, %get3A_0] : memref<16384x128xf32, #tpu.memory_space<vmem>>, vector<16384x128xf32>
    %transpose3A = tpu.transpose %get3A_1, [1, 0] : vector<16384x128xf32> -> vector<128x16384xf32>
    %slice3A = vector.extract_strided_slice %transpose3A {offsets = [0, 0], sizes = [32, 16384], strides = [1, 1]} : vector<128x16384xf32> to vector<32x16384xf32>
    %swap3A = arith.constant 0 : index
    %swap3A_2 = arith.constant 0 : index
    %swap3A_3 = vector.load %arg2[%swap3A, %swap3A_2] : memref<32x65536xf32, #tpu.memory_space<vmem>>, vector<32x16384xf32>
    tpu.vector_store %arg2[%swap3A, %swap3A_2], %slice3A {strides = array<i32>} : memref<32x65536xf32, #tpu.memory_space<vmem>>, vector<32x16384xf32>,
    %slice3A_4 = vector.extract_strided_slice %transpose3A {offsets = [32, 0], sizes = [32, 16384], strides = [1, 1]} : vector<128x16384xf32> to vector<32x16384xf32>
    %swap3A_5 = arith.constant 0 : index
    %swap3A_6 = arith.constant 16384 : index
    %swap3A_7 = vector.load %arg2[%swap3A_5, %swap3A_6] : memref<32x65536xf32, #tpu.memory_space<vmem>>, vector<32x16384xf32>
    tpu.vector_store %arg2[%swap3A_5, %swap3A_6], %slice3A_4 {strides = array<i32>} : memref<32x65536xf32, #tpu.memory_space<vmem>>, vector<32x16384xf32>,
    %slice3A_8 = vector.extract_strided_slice %transpose3A {offsets = [64, 0], sizes = [32, 16384], strides = [1, 1]} : vector<128x16384xf32> to vector<32x16384xf32>
    %swap3A_9 = arith.constant 0 : index
    %swap3A_10 = arith.constant 32768 : index
    %swap3A_11 = vector.load %arg2[%swap3A_9, %swap3A_10] : memref<32x65536xf32, #tpu.memory_space<vmem>>, vector<32x16384xf32>
    tpu.vector_store %arg2[%swap3A_9, %swap3A_10], %slice3A_8 {strides = array<i32>} : memref<32x65536xf32, #tpu.memory_space<vmem>>, vector<32x16384xf32>,
    %slice3A_12 = vector.extract_strided_slice %transpose3A {offsets = [96, 0], sizes = [32, 16384], strides = [1, 1]} : vector<128x16384xf32> to vector<32x16384xf32>
    %swap3A_13 = arith.constant 0 : index
    %swap3A_14 = arith.constant 49152 : index
    %swap3A_15 = vector.load %arg2[%swap3A_13, %swap3A_14] : memref<32x65536xf32, #tpu.memory_space<vmem>>, vector<32x16384xf32>
    tpu.vector_store %arg2[%swap3A_13, %swap3A_14], %slice3A_12 {strides = array<i32>} : memref<32x65536xf32, #tpu.memory_space<vmem>>, vector<32x16384xf32>,
    return
  }
  func.func @transform_0(%arg0: i32) -> (i32, i32) {
    %c0_i32 = arith.constant 0 : i32
    %c0_i32_0 = arith.constant 0 : i32
    return %arg0, %c0_i32 : i32, i32
  }
  func.func @transform_1(%arg0: i32) -> (i32, i32) {
    %c0_i32 = arith.constant 0 : i32
    %c0_i32_0 = arith.constant 0 : i32
    return %c0_i32, %arg0 : i32, i32
  }
}

</mosaic_0001>

<sc_bundles>
// kernel: kernel.6.cloned.1.call-start
scs
__scs_entry_jumppad:
0x0: {  	(pc) =	sbr.rel $0x88, $3  }
0x1: {  	(tag) =	ssettag $0x0;
	lr =	simm.s32 $0x1  }
0x2: {  	[smem:$0x3F9E] =	sst lr;
	_ =	strace $0xD0000000  }
0x3: {  	_ = 	snop  }
0x4: {  	_ = 	snop  }
0x5: {  	_ = 	snop  }
0x6: {  	_ = 	snop  }
0x7: {  	_ = 	snop  }
__scs_overlays_trampoline_lowered:
0x8: {  	[smem:$0x3FAD] =	sst s0  }
0x9: {  	[smem:$0x3FAE] =	sst s1  }
0xa: {  	[smem:$0x3FAF] =	sst s2  }
0xb: {  	[smem:$0x3FB0] =	sst s3  }
0xc: {  	[smem:$0x3FB1] =	sst s4  }
0xd: {  	[smem:$0x3FB2] =	sst s5  }
0xe: {  	[smem:$0x3FB3] =	sst s6  }
0xf: {  	[smem:$0x3FB4] =	sst s7  }
0x10: {  	[smem:$0x3FB5] =	sst s8  }
0x11: {  	[smem:$0x3FB6] =	sst s9;
	s0 =	simm.s32 @!p0 $0x0  }
0x12: {  	s1 =	sld [smem:$0x3F9C];
	s0 =	simm.s32 @p0 $0x1  }
0x13: {  	[smem:$0x3FB7] =	sst s0;
	s0 =	simm.s32 @!p1 $0x0  }
0x14: {  	s2 =	sld [smem:$0x3F9B];
	s0 =	simm.s32 @p1 $0x1  }
0x15: {  	[smem:$0x3FB8] =	sst s0;
	s0 =	simm.s32 @!p2 $0x0  }
0x16: {  	s3 =	sld [smem:$0x3FDB];
	s0 =	simm.s32 @p2 $0x1  }
0x17: {  	s4 =	simm.s32 $0x1BF5;
	[smem:$0x3FBA] =	sst s0  }
0x18: {  	s0 =	sld [smem:$0x3F9D];
	_ =	swait.ge [sflag:s4], $0x0  }
0x19: {  	s7 =	sld [smem:$0x3F9E]  }
0x1a: {  	s8 =	sadd.s32 $0xFFFFE003, lr  }
0x1b: {  	s9 =	sadd.s32 $0xFFFFFEF7, lr;
	s5 =	simm.s32 $0xFFFFFFFF;
	p2 =	slt.u32 s8, $0xFFFFF086  }
0x1c: {  	p1 =	slt.u32 s9, $0xF7A;
	s5 =	simm.s32 @!p2 $0x0  }
0x1d: {  	s5 =	simm.s32 @p1 $0x1;
	p0 =	seq.s32 s7, s2  }
0x1e: {  	s7 =	smul.u32 @!p0 $0xF7A, s2;
	p2 =	seq.s32 @!p0 s5, $0x0  }
0x1f: {  	s9 =	smul.u32 $0xF7A, s1;
	s8 =	simm.s32 @!p0 $0x1BF5;
	p2 =	por !p2, p0  }
0x20: {  	[sflag:s8] =	ssyncset.s32 @!p0 $0xFFFFF086;
	s6 =	sadd.s32 @!p0 s3, s7;
	s7 =	simm.s32 @!p0 $0x108  }
0x21: {  	s3 =	sadd.s32 s3, s9;
	s6 =	sadd.s32 @!p0 $0x88, s6;
	s7 =	simm.s32 @p2 $0x1082  }
0x22: {  	[simem:s7], [sflag:s8] =	dma.local @!p0 [hbm:s6], $0xF7A  }
0x23: {  	s9 =	sor.u32 $0xD0000000, s2;
	s6 =	simm.s32 $0x108;
	_ =	swait.ge @!p0 [sflag:s8], $0x0  }
0x24: {  	s3 =	sadd.s32 $0x88, s3;
	s6 =	simm.s32 @!p1 $0x1082;
	[sflag:s4] =	ssyncset.s32 $0xFFFFF086  }
0x25: {  	[simem:s6], [sflag:s4] =	dma.local [hbm:s3], $0xF7A  }
0x26: {  	[smem:$0x3F9E] =	sst s1;
	(tag) =	ssettag s2;
	_ =	strace s9  }
0x27: {  	s1 =	sld [smem:$0x3FAE]  }
0x28: {  	s2 =	sld [smem:$0x3FAF]  }
0x29: {  	s4 =	sld [smem:$0x3FB1]  }
0x2a: {  	p0 =	seq.s32 s5, $0x0;
	s5 =	sld [smem:$0x3FB2]  }
0x2b: {  	s6 =	sld [smem:$0x3FB3]  }
0x2c: {  	s7 =	sld [smem:$0x3FB4]  }
0x2d: {  	s3 =	simm.s32 $0x108;
	s8 =	sld [smem:$0x3FB5]  }
0x2e: {  	s3 =	simm.s32 @!p0 $0x1082;
	s9 =	sld [smem:$0x3FB6]  }
0x2f: {  	lr =	sadd.s32 s0, s3;
	s0 =	sld [smem:$0x3FAD]  }
0x30: {  	s3 =	sld [smem:$0x3FB0]  }
0x31: {  	[smem:$0x3FB9] =	sst s10  }
0x32: {  	s10 =	sld [smem:$0x3FB7];
	_ =	sdelay $0x3  }
0x33: {  	p0 =	seq.s32 s10, $0x1;
	s10 =	sld [smem:$0x3FB9];
	_ =	sdelay $0x3  }
0x34: {  	[smem:$0x3FB9] =	sst s10  }
0x35: {  	s10 =	sld [smem:$0x3FB8];
	_ =	sdelay $0x3  }
0x36: {  	p1 =	seq.s32 s10, $0x1;
	s10 =	sld [smem:$0x3FB9];
	_ =	sdelay $0x3  }
0x37: {  	[smem:$0x3FB9] =	sst s10  }
0x38: {  	s10 =	sld [smem:$0x3FBA]  }
0x39: {  	_ = 	snop;
	(pc) =	sbr.ind lr, $3  }
0x3a: {  	_ = 	snop  }
0x3b: {  	_ = 	snop  }
0x3c: {  	p2 =	seq.s32 s10, $0x1;
	s10 =	sld [smem:$0x3FB9]  }
0x3d: {  	_ =	shalt  }
0x3e: {  	_ =	shalt  }
0x3f: {  	_ =	shalt  }
0x40: {  	_ =	shalt  }
0x41: {  	_ =	shalt  }
0x42: {  	_ =	shalt  }
0x43: {  	_ =	shalt  }
0x44: {  	_ =	shalt  }
0x45: {  	_ =	shalt  }
0x46: {  	_ =	shalt  }
0x47: {  	_ =	shalt  }
0x48: {  	_ =	shalt  }
0x49: {  	_ =	shalt  }
0x4a: {  	_ =	shalt  }
0x4b: {  	_ =	shalt  }
0x4c: {  	_ =	shalt  }
0x4d: {  	_ =	shalt  }
0x4e: {  	_ =	shalt  }
0x4f: {  	_ =	shalt  }
0x50: {  	_ =	shalt  }
0x51: {  	_ =	shalt  }
0x52: {  	_ =	shalt  }
0x53: {  	_ =	shalt  }
0x54: {  	_ =	shalt  }
0x55: {  	_ =	shalt  }
0x56: {  	_ =	shalt  }
0x57: {  	_ =	shalt  }
0x58: {  	_ =	shalt  }
0x59: {  	_ =	shalt  }
0x5a: {  	_ =	shalt  }
0x5b: {  	_ =	shalt  }
0x5c: {  	_ =	shalt  }
0x5d: {  	_ =	shalt  }
0x5e: {  	_ =	shalt  }
0x5f: {  	_ =	shalt  }
0x60: {  	_ =	shalt  }
0x61: {  	_ =	shalt  }
0x62: {  	_ =	shalt  }
0x63: {  	_ =	shalt  }
0x64: {  	_ =	shalt  }
0x65: {  	_ =	shalt  }
0x66: {  	_ =	shalt  }
0x67: {  	_ =	shalt  }
0x68: {  	_ =	shalt  }
0x69: {  	_ =	shalt  }
0x6a: {  	_ =	shalt  }
0x6b: {  	_ =	shalt  }
0x6c: {  	_ =	shalt  }
0x6d: {  	_ =	shalt  }
0x6e: {  	_ =	shalt  }
0x6f: {  	_ =	shalt  }
0x70: {  	_ =	shalt  }
0x71: {  	_ =	shalt  }
0x72: {  	_ =	shalt  }
0x73: {  	_ =	shalt  }
0x74: {  	_ =	shalt  }
0x75: {  	_ =	shalt  }
0x76: {  	_ =	shalt  }
0x77: {  	_ =	shalt  }
0x78: {  	_ =	shalt  }
0x79: {  	_ =	shalt  }
0x7a: {  	_ =	shalt  }
0x7b: {  	_ =	shalt  }
0x7c: {  	_ =	shalt  }
0x7d: {  	_ =	shalt  }
0x7e: {  	_ =	shalt  }
0x7f: {  	_ =	shalt  }
0x80: {  	_ =	shalt  }
0x81: {  	_ =	shalt  }
0x82: {  	_ =	shalt  }
0x83: {  	_ =	shalt  }
0x84: {  	_ =	shalt  }
0x85: {  	_ =	shalt  }
0x86: {  	_ =	shalt  }
0x87: {  	_ =	shalt  }
.Lfunc_end0:
.L_simem_size_0:
called_computation_lowered:
.L_overlay_start_0:
0x88: {  	s2 =	sld [smem:$0x3FD9]  }
0x89: {  	s3 =	sld [smem:$0x3FFE];
	_ =	sdelay $0x1  }
0x8a: {  	s1 =	srdreg.scid  }
0x8b: {  	s0 =	sand.u32 $0x1, s1  }
0x8c: {  	s17 =	sshll.u32 s0, $0xA;
	s2 =	sadd.s32 s3, s2  }
0x8d: {  	s2 =	sadd.s32 s2, s17  }
0x8e: {  	[smem:$0x3FC5] =	sst s2  }
0x8f: {  	_ = 	snop  }
0x90: {  	s2 =	sld [smem:$0x3FC7]  }
0x91: {  	s18 =	sld [smem:$0x3FD0];
	(tm) =	ssettm $0x1  }
0x92: {  	s4 =	sld [smem:$0x3FFB];
	_ =	sdelay $0x3  }
0x93: {  	_ =	strace s4  }
0x94: {  	s4 =	sld [smem:$0x3FFC];
	_ =	sdelay $0x3  }
0x95: {  	_ =	strace s4  }
0x96: {  	s4 =	sld [smem:$0x3FFD];
	_ =	sdelay $0x3  }
0x97: {  	_ =	strace s4  }
0x98: {  	_ =	strace $0x8FFFFFFF  }
0x99: {  	s19 =	sld [smem:$0x3FDB];
	_ =	sdelay $0x1  }
0x9a: {  	s5 =	simm.s32 $_scs_section_size  }
0x9b: {  	s6 =	simm.s32 $_size__tile_overlayer_lowered;
	s7 =	simm.s32 $_tile_overlayer_lowered  }
0x9c: {  	s22 =	simm.s32 $0x1BFF;
	s21 =	sshll.u32 s7, $0x1;
	s4 =	sadd.s32 s5, s19  }
0x9d: {  	s8 =	simm.s32 $0x0;
	s20 =	sshll.u32 s6, $0x1;
	s6 =	sadd.s32 s21, s4  }
0x9e: {  	[timem:s8], [sflag:s22] =	dma.local [hbm:s6], s20  }
0x9f: {  	_ =	swait.ge [sflag:s22], s20  }
0xa0: {  	s5 =	ssub.s32 $0x0, s20;
	[sflag:s22] =	ssyncset.done $0x0  }
0xa1: {  	[sflag:s22] =	ssyncadd.s32 s5;
	_ =	sdelay $0x1  }
0xa2: {  	s23 =	simm.s32 $0x1B8B  }
0xa3: {  	_ =	swait.ge [sflag:s23], $0x1  }
0xa4: {  	[sflag:s23] =	ssyncset.done $0x0  }
0xa5: {  	s25 =	simm.s32 $0x1B8E;
	s24 =	sld [smem:$0x3FFE];
	[sflag:s23] =	ssyncadd.s32 $0xFFFFFFFF  }
0xa6: {  	s26 =	simm.s32 $execute0_lowered;
	[smem:$0x3FD2] =	sst s25  }
0xa7: {  	s6 =	sshll.u32 s26, $0x1;
	_ =	strace $0x80000046;
	[dreg:$0x1] =	wrdreg $0xFFFFFFFF  }
0xa8: {  	s28 =	simm.s32 $_size_execute0_lowered;
	s4 =	sadd.s32 s4, s6;
	[dreg:$0x0] =	wrdreg $0x0  }
0xa9: {  	s6 =	sshll.u32 s28, $0x1;
	[dreg:$0x2] =	wrdreg s4  }
0xaa: {  	[dreg:$0x3] =	wrdreg s6  }
0xab: {  	[dreg:$0x4] =	wrdreg $0xC0  }
0xac: {  	_ =	task [dreg:s8], $0x5FFFF  }
0xad: {  	[dreg:$0x1] =	wrdreg $0xFFFFFFFF  }
0xae: {  	[dreg:$0x0] =	wrdreg $0x60  }
0xaf: {  	[dreg:$0x2] =	wrdreg s18  }
0xb0: {  	[dreg:$0x3] =	wrdreg s2  }
0xb1: {  	[dreg:$0x4] =	wrdreg s24  }
0xb2: {  	[dreg:$0x5] =	wrdreg $0x0  }
0xb3: {  	[dreg:$0x6] =	wrdreg $0xF4480  }
0xb4: {  	[dreg:$0x7] =	wrdreg $0x9  }
0xb5: {  	_ =	task.clear_ibuf [dreg:s8], $0x8FFFF;
	_ =	strace $0x90000046  }
0xb6: {  	s29 =	simm.s32 $0x9;
	_ =	strace $0x80000048  }
0xb7: {  	_ =	swait.ge [sflag:s29], $0x1  }
0xb8: {  	[sflag:s29] =	ssyncadd.s32 $0xFFFFFFFF  }
0xb9: {  	_ =	strace $0x90000048  }
0xba: {  	_ =	sfence  }
0xbb: {  	s30 =	sld [smem:$0x0];
	_ =	sdelay $0x2  }
0xbc: {  	s31 =	sshll.u32 s1, $0xD;
	s1 =	sshrl.u32 s1, $0x2  }
0xbd: {  	s3 =	sand.u32 $0x4000, s31;
	s1 =	sadd.s32 s1, s30  }
0xbe: {  	s0 =	sor.u32 s3, s0;
	s1 =	sshll.u32 s1, $0x11  }
0xbf: {  	s0 =	sor.u32 s1, s0  }
0xc0: {  	s0 =	sadd.s32 $0x8F2B, s0  }
0xc1: {  	[sflag:s0] =	ssyncadd.remote.s32 $0x1  }
0xc2: {  	_ =	sfence.sel $0xFFFF  }
0xc3: {  	[dreg:$0x0] =	wrdreg $0xFFFFFFFF;
	(pc) =	sbr.abs _section_cstart, $3  }
0xc4: {  	[dreg:$0x1] =	wrdreg $0xFFFFFFFF  }
0xc5: {  	_ =	task.clear_ibuf [dreg:s8], $0x2FFFF;
	_ =	strace $0x9FFFFFFF  }
0xc6: {  	(tm) =	ssettm $0x7FFFFFFF  }
0xc7: {  	_ =	shalt  }
tec
execute0_lowered:
.L_overlay_start_1:
0x0: {  	(tag) =	ssettag $0x1  }
0x1: {  	s0 =	rddreg [dreg:$0x1]  }
0x2: {  	s1 =	rddreg [dreg:$0x2]  }
0x3: {  	s2 =	rddreg [dreg:$0x3]  }
0x4: {  	s9 =	rddreg [dreg:$0x4]  }
0x5: {  	s3 =	simm.s32 $0x0;
	s8 =	stileid.u32;
	s22 =	srdreg.scid  }
0x6: {  	s11 =	simm.s32 $0xF458;
	s12 =	simm.s32 $0x2;
	s13 =	simm.s32 $0xF858  }
0x7: {  	s14 =	simm.s32 $0x80;
	s15 =	simm.s32 $0xF4D8;
	s17 =	simm.s32 $0xF558  }
0x8: {  	s19 =	simm.s32 $0xF5D8;
	s21 =	simm.s32 $0xF658;
	s28 =	simm.s32 $0xF7D8  }
0x9: {  	s29 =	simm.s32 $0xFBD8;
	s30 =	simm.s32 $0xFC58;
	s31 =	simm.s32 $0xFCD8  }
0xa: {  	s10 =	simm.s32 $0x18458;
	s20 =	simm.s32 $0x0;
	[smem:$0x7FF] =	sst s3  }
0xb: {  	s4 =	sshll.u32 s8, $0x7;
	s3 =	sand.u32 $0x1, s22;
	s6 =	sshll.u32 s8, $0xC  }
0xc: {  	s8 =	sshll.u32 s8, $0x4;
	_ =	strace $0x80000047;
	s5 =	sadd.s32 s4, s1  }
0xd: {  	s7 =	ssub.s32 $0x2, s3;
	s1 =	sadd.s32 s6, s1;
	s16 =	sadd.s32 $0xF4240, s8  }
0xe: {  	s0 =	sadd.s32 s0, s4;
	s8 =	sadd.s32 s8, s9;
	p0 =	sne.s32 s3, $0x0  }
0xf: {  	s3 =	simm.s32 $0xFDD8;
	s9 =	simm.s32 $0xFFD8;
	s23 =	sshrl.u32 s7, $0x1  }
0x10: {  	[dreg:$0x6] =	wrdreg s0;
	s24 =	sadd.s32 $0x800, s5;
	s25 =	sadd.s32 $0x1000, s1  }
.Ltmp0:
0x11: {  	v0 =	vlaneseq.u32;
	s0 =	simm.s32 $0xFD58;
	s5 =	simm.s32 $0xFE58;
	(pc) =	sbr.rel .LBB2_1-.Ltmp0, $4  }
0x12: {  	s1 =	simm.s32 $0x18468;
	v0 =	vor.u32 s16, v0;
	s16 =	simm.s32 $0x1;
	[dreg:$0x7] =	wrdreg s24  }
0x13: {  	s6 =	ssub.s32 s7, s23;
	[dreg:$0x8] =	wrdreg s25;
	s23 =	simm.s32 $0xF6D8  }
0x14: {  	s25 =	simm.s32 $0xF758;
	s7 =	simm.s32 $0xFF58;
	s26 =	smax.u32 s6, $0x1  }
0x15: {  	v1 =	vimm.s32 $0x0;
	s6 =	simm.s32 $0xFED8;
	[dreg:$0x9] =	wrdreg s26;
	s26 =	simm.s32 $0xFB58  }
.LBB2_7:
0x16: {  	s4 =	rddreg [dreg:$0x0];
	s18 =	simm.s32 $0x10458  }
0x17: {  	[tilespmem:s18], [sflag:$0x1] =	stream.indirect.gather [hbm4b:s4+s14], $0x20, s30, s14, $0xb8;
	[tilespmem:$0x18568] =	vst v63  }
0x18: {  	s20 =	simm.s32 $0x11458  }
0x19: {  	[tilespmem:s20], [sflag:$0x1] =	stream.indirect.gather [hbm4b:s4+s14], $0x20, s31, s14, $0xb8;
	[tilespmem:$0x18568] =	vst v63  }
0x1a: {  	s22 =	simm.s32 $0x12458  }
0x1b: {  	[tilespmem:s22], [sflag:$0x1] =	stream.indirect.gather [hbm4b:s4+s14], $0x20, s0, s14, $0xb8;
	[tilespmem:$0x18568] =	vst v63  }
0x1c: {  	s24 =	simm.s32 $0x13458  }
0x1d: {  	[tilespmem:s24], [sflag:$0x1] =	stream.indirect.gather [hbm4b:s4+s14], $0x20, s3, s14, $0xb8;
	[tilespmem:$0x18568] =	vst v63  }
0x1e: {  	s20 =	simm.s32 $0x14458  }
0x1f: {  	[tilespmem:s20], [sflag:$0x1] =	stream.indirect.gather [hbm4b:s4+s14], $0x20, s5, s14, $0xb8;
	[tilespmem:$0x18568] =	vst v63  }
0x20: {  	s22 =	simm.s32 $0x15458  }
0x21: {  	[tilespmem:s22], [sflag:$0x1] =	stream.indirect.gather [hbm4b:s4+s14], $0x20, s6, s14, $0xb8;
	[tilespmem:$0x18568] =	vst v63  }
0x22: {  	s24 =	simm.s32 $0x16458  }
0x23: {  	[tilespmem:s24], [sflag:$0x1] =	stream.indirect.gather [hbm4b:s4+s14], $0x20, s7, s14, $0xb8;
	[tilespmem:$0x18568] =	vst v63  }
0x24: {  	s20 =	simm.s32 $0x17458  }
0x25: {  	[tilespmem:s20], [sflag:$0x1] =	stream.indirect.gather [hbm4b:s4+s14], $0x20, s9, s14, $0xb8;
	[tilespmem:$0x18568] =	vst v63  }
0x26: {  	_ =	swait.ge [sflag:s16], $0x1000  }
0x27: {  	[sflag:s16] =	ssyncset.done $0x0  }
0x28: {  	[sflag:s16] =	ssyncadd.s32 $0xFFFFF000  }
0x29: {  	_ =	swait.ge [sflag:s16], $0x1000  }
0x2a: {  	[sflag:s16] =	ssyncset.done $0x0  }
0x2b: {  	[sflag:s16] =	ssyncadd.s32 $0xFFFFF000  }
0x2c: {  	_ =	swait.ge [sflag:s16], $0x1000  }
0x2d: {  	[sflag:s16] =	ssyncset.done $0x0  }
0x2e: {  	[sflag:s16] =	ssyncadd.s32 $0xFFFFF000  }
0x2f: {  	_ =	swait.ge [sflag:s16], $0x1000  }
0x30: {  	[sflag:s16] =	ssyncset.done $0x0  }
0x31: {  	[sflag:s16] =	ssyncadd.s32 $0xFFFFF000  }
0x32: {  	_ =	swait.ge [sflag:s16], $0x1000  }
0x33: {  	[sflag:s16] =	ssyncset.done $0x0  }
0x34: {  	[sflag:s16] =	ssyncadd.s32 $0xFFFFF000  }
0x35: {  	_ =	swait.ge [sflag:s16], $0x1000  }
0x36: {  	[sflag:s16] =	ssyncset.done $0x0  }
0x37: {  	[sflag:s16] =	ssyncadd.s32 $0xFFFFF000  }
0x38: {  	_ =	swait.ge [sflag:s16], $0x1000  }
0x39: {  	[sflag:s16] =	ssyncset.done $0x0  }
0x3a: {  	[sflag:s16] =	ssyncadd.s32 $0xFFFFF000  }
0x3b: {  	_ =	swait.ge [sflag:s16], $0x1000  }
0x3c: {  	s18 =	simm.s32 @!p0 $0x10458;
	[sflag:s16] =	ssyncset.done $0x0  }
0x3d: {  	s4 =	simm.s32 @!p0 $0x0;
	s20 =	rddreg [dreg:$0x8];
	[sflag:s16] =	ssyncadd.s32 $0xFFFFF000  }
0x3e: {  	[hbm4b:s20+s4] =	stream.linear.scatter @!p0 [tilespmem:s18], [sflag:$0x2], $0x8000, $0x38;
	[tilespmem:$0x18568] =	vst v63  }
0x3f: {  	s4 =	simm.s32 @!p0 $0x2  }
0x40: {  	_ =	swait.ge @!p0 [sflag:s4], $0x8000  }
0x41: {  	s22 =	rddreg [dreg:$0xa]  }
0x42: {  	s24 =	rddreg [dreg:$0x9];
	s20 =	sadd.s32 $0x1, s22  }
0x43: {  	p1 =	sne.s32 s20, s24  }
.Ltmp1:
0x44: {  	_ = 	snop;
	(pc) =	sbr.rel @!p1 .LBB2_8-.Ltmp1, $3  }
0x45: {  	_ =	sdelay $0x1  }
0x46: {  	[sflag:s4] =	ssyncset.done @!p0 $0x0  }
0x47: {  	[sflag:s4] =	ssyncadd.s32 @!p0 $0xFFFF8000  }
.LBB2_1:
0x48: {  	[dreg:$0xa] =	wrdreg s20  }
0x49: {  	s4 =	simm.s32 $0x0;
	s18 =	rddreg [dreg:$0x6]  }
0x4a: {  	[tilespmem:s11], [sflag:$0x2] =	stream.linear.gather [hbm4b:s18+s4], $0x400, $0x38;
	[tilespmem:$0x18568] =	vst v63  }
0x4b: {  	_ =	swait.ge [sflag:s12], $0x400  }
0x4c: {  	[sflag:s12] =	ssyncset.done $0x0  }
0x4d: {  	s22 =	rddreg [dreg:$0x7];
	[sflag:s12] =	ssyncadd.s32 $0xFFFFFC00  }
0x4e: {  	[tilespmem:s13], [sflag:$0x2] =	stream.linear.gather [hbm4b:s22+s4], $0x400, $0x38;
	[tilespmem:$0x18568] =	vst v63  }
0x4f: {  	_ =	swait.ge [sflag:s12], $0x400  }
0x50: {  	[sflag:s12] =	ssyncset.done $0x0  }
0x51: {  	[sflag:s12] =	ssyncadd.s32 $0xFFFFFC00  }
0x52: {  	[spmem:s2] =	stream.indirect.scatter [tilespmem:s13], [sflag:$0x2], $0x1, s11, s14, $0xb8;
	[tilespmem:$0x18568] =	vst v63  }
0x53: {  	_ =	swait.ge [sflag:s12], $0x80  }
0x54: {  	[sflag:s12] =	ssyncset.done $0x0  }
0x55: {  	s24 =	simm.s32 $0xF8D8;
	[sflag:s12] =	ssyncadd.s32 $0xFFFFFF80  }
0x56: {  	[spmem:s2] =	stream.indirect.scatter [tilespmem:s24], [sflag:$0x2], $0x1, s15, s14, $0xb8;
	[tilespmem:$0x18568] =	vst v63  }
0x57: {  	_ =	swait.ge [sflag:s12], $0x80  }
0x58: {  	[sflag:s12] =	ssyncset.done $0x0  }
0x59: {  	s18 =	simm.s32 $0xF958;
	[sflag:s12] =	ssyncadd.s32 $0xFFFFFF80  }
0x5a: {  	[spmem:s2] =	stream.indirect.scatter [tilespmem:s18], [sflag:$0x2], $0x1, s17, s14, $0xb8;
	[tilespmem:$0x18568] =	vst v63  }
0x5b: {  	_ =	swait.ge [sflag:s12], $0x80  }
0x5c: {  	[sflag:s12] =	ssyncset.done $0x0  }
0x5d: {  	s20 =	simm.s32 $0xF9D8;
	[sflag:s12] =	ssyncadd.s32 $0xFFFFFF80  }
0x5e: {  	[spmem:s2] =	stream.indirect.scatter [tilespmem:s20], [sflag:$0x2], $0x1, s19, s14, $0xb8;
	[tilespmem:$0x18568] =	vst v63  }
0x5f: {  	_ =	swait.ge [sflag:s12], $0x80  }
0x60: {  	[sflag:s12] =	ssyncset.done $0x0  }
0x61: {  	s22 =	simm.s32 $0xFA58;
	[sflag:s12] =	ssyncadd.s32 $0xFFFFFF80  }
0x62: {  	[spmem:s2] =	stream.indirect.scatter [tilespmem:s22], [sflag:$0x2], $0x1, s21, s14, $0xb8;
	[tilespmem:$0x18568] =	vst v63  }
0x63: {  	_ =	swait.ge [sflag:s12], $0x80  }
0x64: {  	[sflag:s12] =	ssyncset.done $0x0  }
0x65: {  	s24 =	simm.s32 $0xFAD8;
	[sflag:s12] =	ssyncadd.s32 $0xFFFFFF80  }
0x66: {  	[spmem:s2] =	stream.indirect.scatter [tilespmem:s24], [sflag:$0x2], $0x1, s23, s14, $0xb8;
	[tilespmem:$0x18568] =	vst v63  }
0x67: {  	_ =	swait.ge [sflag:s12], $0x80  }
0x68: {  	[sflag:s12] =	ssyncset.done $0x0  }
0x69: {  	[sflag:s12] =	ssyncadd.s32 $0xFFFFFF80  }
0x6a: {  	[spmem:s2] =	stream.indirect.scatter [tilespmem:s26], [sflag:$0x2], $0x1, s25, s14, $0xb8;
	[tilespmem:$0x18568] =	vst v63  }
0x6b: {  	_ =	swait.ge [sflag:s12], $0x80  }
0x6c: {  	[sflag:s12] =	ssyncset.done $0x0  }
0x6d: {  	[sflag:s12] =	ssyncadd.s32 $0xFFFFFF80  }
0x6e: {  	[spmem:s2] =	stream.indirect.scatter [tilespmem:s29], [sflag:$0x2], $0x1, s28, s14, $0xb8;
	[tilespmem:$0x18568] =	vst v63  }
0x6f: {  	_ =	swait.ge [sflag:s12], $0x80  }
0x70: {  	[sflag:s12] =	ssyncset.done $0x0  }
0x71: {  	[sflag:s12] =	ssyncadd.s32 $0xFFFFFF80  }
0x72: {  	[bflag:$0x0] =	sbarrier.arrive $0xFFFF  }
0x73: {  	[tilespmem:s30], [sflag:$0x2] =	stream.indirect.gather [spmem:s2], $0x1, s11, s14, $0xb8;
	[tilespmem:$0x18568] =	vst v63  }
0x74: {  	_ =	swait.ge [sflag:s12], $0x80  }
0x75: {  	[sflag:s12] =	ssyncset.done $0x0  }
0x76: {  	[sflag:s12] =	ssyncadd.s32 $0xFFFFFF80  }
0x77: {  	[tilespmem:s31], [sflag:$0x2] =	stream.indirect.gather [spmem:s2], $0x1, s15, s14, $0xb8;
	[tilespmem:$0x18568] =	vst v63  }
0x78: {  	_ =	swait.ge [sflag:s12], $0x80  }
0x79: {  	[sflag:s12] =	ssyncset.done $0x0  }
0x7a: {  	[sflag:s12] =	ssyncadd.s32 $0xFFFFFF80  }
0x7b: {  	[tilespmem:s0], [sflag:$0x2] =	stream.indirect.gather [spmem:s2], $0x1, s17, s14, $0xb8;
	[tilespmem:$0x18568] =	vst v63  }
0x7c: {  	_ =	swait.ge [sflag:s12], $0x80  }
0x7d: {  	[sflag:s12] =	ssyncset.done $0x0  }
0x7e: {  	[sflag:s12] =	ssyncadd.s32 $0xFFFFFF80  }
0x7f: {  	[tilespmem:s3], [sflag:$0x2] =	stream.indirect.gather [spmem:s2], $0x1, s19, s14, $0xb8;
	[tilespmem:$0x18568] =	vst v63  }
0x80: {  	_ =	swait.ge [sflag:s12], $0x80  }
0x81: {  	[sflag:s12] =	ssyncset.done $0x0  }
0x82: {  	[sflag:s12] =	ssyncadd.s32 $0xFFFFFF80  }
0x83: {  	[tilespmem:s5], [sflag:$0x2] =	stream.indirect.gather [spmem:s2], $0x1, s21, s14, $0xb8;
	[tilespmem:$0x18568] =	vst v63  }
0x84: {  	_ =	swait.ge [sflag:s12], $0x80  }
0x85: {  	[sflag:s12] =	ssyncset.done $0x0  }
0x86: {  	[sflag:s12] =	ssyncadd.s32 $0xFFFFFF80  }
0x87: {  	[tilespmem:s6], [sflag:$0x2] =	stream.indirect.gather [spmem:s2], $0x1, s23, s14, $0xb8;
	[tilespmem:$0x18568] =	vst v63  }
0x88: {  	_ =	swait.ge [sflag:s12], $0x80  }
0x89: {  	[sflag:s12] =	ssyncset.done $0x0  }
0x8a: {  	[sflag:s12] =	ssyncadd.s32 $0xFFFFFF80  }
0x8b: {  	[tilespmem:s7], [sflag:$0x2] =	stream.indirect.gather [spmem:s2], $0x1, s25, s14, $0xb8;
	[tilespmem:$0x18568] =	vst v63  }
0x8c: {  	_ =	swait.ge [sflag:s12], $0x80  }
0x8d: {  	[sflag:s12] =	ssyncset.done $0x0  }
0x8e: {  	[sflag:s12] =	ssyncadd.s32 $0xFFFFFF80  }
0x8f: {  	[tilespmem:s9], [sflag:$0x2] =	stream.indirect.gather [spmem:s2], $0x1, s28, s14, $0xb8;
	[tilespmem:$0x18568] =	vst v63  }
0x90: {  	_ =	swait.ge [sflag:s12], $0x80  }
0x91: {  	[sflag:s12] =	ssyncset.done $0x0  }
0x92: {  	s18 =	simm.s32 $0x0;
	[sflag:s12] =	ssyncadd.s32 $0xFFFFFF80  }
0x93: {  	v2 =	vld [tilespmem:s18+$0xF858]  }
0x94: {  	v3 =	vld [tilespmem:s18+$0xFC58]  }
0x95: {  	v4 =	vld [tilespmem:s18+$0xF458];
	_ =	sdelay $0x2  }
0x96: {  	s20 =	simm.s32 $0x10  }
0x97: {  	v5 =	vld [tilespmem:s20+$0xF858];
	vm0 =	vgt.s32 v2, v3  }
0x98: {  	v2 =	vld [tilespmem:s20+$0xFC58];
	v3 =	vsel vm0, v4, v0  }
0x99: {  	s22 =	simm.s32 $0x20;
	v4 =	vld [tilespmem:s20+$0xF458];
	[tilespmem:s18+$0x10058] =	vst v3  }
0x9a: {  	v3 =	vld [tilespmem:s22+$0xF858]  }
0x9b: {  	v6 =	vld [tilespmem:s22+$0xFC58];
	_ =	sdelay $0x2  }
0x9c: {  	vm1 =	vgt.s32 v5, v2;
	v2 =	vsel vm0, $0x1, v1  }
0x9d: {  	(xrf0) =	vadd.scan.msk.s32 $0xffff, v2  }
0x9e: {  	v5 =	vld [tilespmem:s22+$0xF458];
	v2 =	vsel vm1, $0x1, v1;
	vm14 =	vgt.s32 v3, v6  }
0x9f: {  	(xrf0) =	vadd.scan.msk.s32 $0xffff, v2;
	v3 =	vsel vm14, $0x1, v1  }
0xa0: {  	(xrf0) =	vadd.scan.msk.s32 $0xffff, v3;
	_ =	sdelay $0x2  }
0xa1: {  	v3 =	vsel vm14, v5, v0;
	v5, _, _ =	vpop (xrf0)  }
0xa2: {  	(v2sf) =	vpush v5, $0xF  }
0xa3: {  	v4 =	vsel vm1, v4, v0;
	v5, _, _ =	vpop (xrf0)  }
0xa4: {  	s24 =	simm.s32 $0x30;
	[tilespmem:s20+$0x10058] =	vst v4;
	(v2sf) =	vpush v5, $0xF;
	v7, _, _ =	vpop (xrf0)  }
0xa5: {  	v2 =	vld [tilespmem:s24+$0xF858];
	(v2sf) =	vpush v7, $0xF  }
0xa6: {  	v4 =	vld [tilespmem:s24+$0xFC58]  }
0xa7: {  	v6 =	vld [tilespmem:s24+$0xF458];
	_ =	sdelay $0x2  }
0xa8: {  	s20 =	simm.s32 $0x40;
	[tilespmem:s22+$0x10058] =	vst v3  }
0xa9: {  	v3 =	vld [tilespmem:s20+$0xF858];
	vm15 =	vgt.s32 v2, v4  }
0xaa: {  	v4 =	vld [tilespmem:s20+$0xFC58];
	v5 =	vsel vm15, v6, v0;
	v6 =	vsel vm15, $0x1, v1  }
0xab: {  	v2 =	vld [tilespmem:s20+$0xF458];
	(xrf0) =	vadd.scan.msk.s32 $0xffff, v6  }
0xac: {  	s4 =	simm.s32 $0x140;
	s18 =	simm.s32 $0x0;
	[tilespmem:s24+$0x10058] =	vst v5  }
.LBB2_2:
0xad: {  	p1 =	sne.s32 s4, $0xFC0  }
.Ltmp2:
0xae: {  	s22 =	sshra.s32 s4, $0x2;
	(pc) =	sbr.rel @p1 .LBB2_2-.Ltmp2, $4  }
0xaf: {  	s4 =	sadd.s32 $0x40, s4;
	s24 =	spop (v2sf);
	vm0 =	vgt.s32 v3, v4;
	v3 =	vld [tilespmem:s22+$0xF858]  }
0xb0: {  	s18 =	sadd.s32 s18, s24;
	v4 =	vld [tilespmem:s22+$0xFC58];
	v7 =	vsel vm0, v2, v0;
	v6 =	vsel vm0, $0x1, v1  }
0xb1: {  	v2 =	vld [tilespmem:s22+$0xF458];
	[tilespmem:s20+$0x10058] =	vst v7;
	(xrf0) =	vadd.scan.msk.s32 $0xffff, v6;
	v5, _, _ =	vpop (xrf0);
	s20 =	smov.u32 s22  }
0xb2: {  	(v2sf) =	vpush v5, $0xF  }
0xb3: {  	_ =	sdelay $0x1  }
0xb4: {  	vm0 =	vgt.s32 v3, v4  }
0xb5: {  	v3 =	vsel vm0, $0x1, v1  }
0xb6: {  	(xrf0) =	vadd.scan.msk.s32 $0xffff, v3;
	_ =	sdelay $0x4  }
0xb7: {  	v3, _, _ =	vpop (xrf0)  }
0xb8: {  	(v2sf) =	vpush v3, $0xF;
	v3, _, _ =	vpop (xrf0)  }
0xb9: {  	(v2sf) =	vpush v3, $0xF;
	_ =	sdelay $0xa  }
0xba: {  	s4 =	spop (v2sf)  }
0xbb: {  	s4 =	sadd.s32 s18, s4;
	s22 =	spop (v2sf)  }
0xbc: {  	s4 =	sadd.s32 s4, s22;
	s24 =	spop (v2sf)  }
0xbd: {  	s4 =	sadd.s32 s4, s24;
	s22 =	spop (v2sf)  }
0xbe: {  	s4 =	sadd.s32 s4, s22;
	s24 =	spop (v2sf)  }
0xbf: {  	v2 =	vsel vm0, v2, v0;
	s4 =	sadd.s32 s4, s24  }
0xc0: {  	[tilespmem:s20+$0x10058] =	vst v2;
	v2 =	vmov s4  }
0xc1: {  	[tilespmem:$0x18458] =	vst v2  }
0xc2: {  	[spmem:s8] =	stream.linear.scatter [tilespmem:s10], [sflag:$0x2], $0x10, $0x38;
	[tilespmem:$0x18568] =	vst v63  }
0xc3: {  	_ =	swait.ge [sflag:s12], $0x10  }
0xc4: {  	[sflag:s12] =	ssyncset.done $0x0  }
0xc5: {  	[sflag:s12] =	ssyncadd.s32 $0xFFFFFFF0  }
0xc6: {  	[bflag:$0x0] =	sbarrier.arrive $0xFFFF  }
0xc7: {  	s22 =	rddreg [dreg:$0x4]  }
0xc8: {  	[tilespmem:s1], [sflag:$0x2] =	stream.linear.gather [spmem:s22], $0x100, $0x38;
	[tilespmem:$0x18568] =	vst v63  }
0xc9: {  	_ =	swait.ge [sflag:s12], $0x100  }
0xca: {  	[sflag:s12] =	ssyncset.done $0x0  }
0xcb: {  	[sflag:s12] =	ssyncadd.s32 $0xFFFFFF00  }
0xcc: {  	v2 =	vld [tilespmem:$0x18468]  }
0xcd: {  	v3 =	vld [tilespmem:$0x18478]  }
0xce: {  	v55 =	vld [tilespmem:$0x18488]  }
0xcf: {  	v5 =	vld [tilespmem:$0x18498]  }
0xd0: {  	v6 =	vld [tilespmem:$0x184A8]  }
0xd1: {  	v7 =	vld [tilespmem:$0x184B8]  }
0xd2: {  	v2 =	vadd.s32 v2, v3;
	v3 =	vld [tilespmem:$0x184C8]  }
0xd3: {  	v56 =	vld [tilespmem:$0x184D8];
	v2 =	vadd.s32 v2, v55  }
0xd4: {  	v57 =	vld [tilespmem:$0x184E8];
	v2 =	vadd.s32 v2, v5  }
0xd5: {  	v58 =	vld [tilespmem:$0x184F8];
	v2 =	vadd.s32 v2, v6  }
0xd6: {  	v59 =	vld [tilespmem:$0x18508];
	v2 =	vadd.s32 v2, v7  }
0xd7: {  	v2 =	vadd.s32 v2, v3;
	v3 =	vld [tilespmem:$0x18518]  }
0xd8: {  	v60 =	vld [tilespmem:$0x18528];
	v2 =	vadd.s32 v2, v56  }
0xd9: {  	v61 =	vld [tilespmem:$0x18538];
	v2 =	vadd.s32 v2, v57  }
0xda: {  	v62 =	vld [tilespmem:$0x18548];
	v2 =	vadd.s32 v2, v58  }
0xdb: {  	v63 =	vld [tilespmem:$0x18558];
	v2 =	vadd.s32 v2, v59  }
0xdc: {  	v2 =	vadd.s32 v2, v3  }
0xdd: {  	v2 =	vadd.s32 v2, v60  }
0xde: {  	v2 =	vadd.s32 v2, v61  }
0xdf: {  	v2 =	vadd.s32 v2, v62  }
0xe0: {  	v2 =	vadd.s32 v2, v63  }
0xe1: {  	(xrf0) =	vadd.scan.msk.s32 $0xffff, v2;
	_ =	sdelay $0x5  }
0xe2: {  	v2, _, _ =	vpop (xrf0)  }
0xe3: {  	(v2sf) =	vpush v2, $0xF;
	_ =	sdelay $0xe  }
0xe4: {  	s24 =	spop (v2sf)  }
0xe5: {  	p1 =	slt.s32 s24, $0x1  }
.Ltmp3:
0xe6: {  	_ = 	snop;
	(pc) =	sbr.rel @p1 .LBB2_7-.Ltmp3, $1  }
0xe7: {  	_ =	sdelay $0x3  }
.LBB2_4:
0xe8: {  	s4 =	simm.s32 $0x10058  }
0xe9: {  	[spmem:s2] =	stream.indirect.scatter [tilespmem:s13], [sflag:$0x2], $0x1, s4, s14, $0xb8;
	[tilespmem:$0x18568] =	vst v63  }
0xea: {  	_ =	swait.ge [sflag:s12], $0x80  }
0xeb: {  	[sflag:s12] =	ssyncset.done $0x0  }
0xec: {  	s20 =	simm.s32 $0xF8D8;
	s18 =	simm.s32 $0x100D8;
	[sflag:s12] =	ssyncadd.s32 $0xFFFFFF80  }
0xed: {  	[spmem:s2] =	stream.indirect.scatter [tilespmem:s20], [sflag:$0x2], $0x1, s18, s14, $0xb8;
	[tilespmem:$0x18568] =	vst v63  }
0xee: {  	_ =	swait.ge [sflag:s12], $0x80  }
0xef: {  	[sflag:s12] =	ssyncset.done $0x0  }
0xf0: {  	s22 =	simm.s32 $0xF958;
	s24 =	simm.s32 $0x10158;
	[sflag:s12] =	ssyncadd.s32 $0xFFFFFF80  }
0xf1: {  	[spmem:s2] =	stream.indirect.scatter [tilespmem:s22], [sflag:$0x2], $0x1, s24, s14, $0xb8;
	[tilespmem:$0x18568] =	vst v63  }
0xf2: {  	_ =	swait.ge [sflag:s12], $0x80  }
0xf3: {  	[sflag:s12] =	ssyncset.done $0x0  }
0xf4: {  	s18 =	simm.s32 $0xF9D8;
	s20 =	simm.s32 $0x101D8;
	[sflag:s12] =	ssyncadd.s32 $0xFFFFFF80  }
0xf5: {  	[spmem:s2] =	stream.indirect.scatter [tilespmem:s18], [sflag:$0x2], $0x1, s20, s14, $0xb8;
	[tilespmem:$0x18568] =	vst v63  }
0xf6: {  	_ =	swait.ge [sflag:s12], $0x80  }
0xf7: {  	[sflag:s12] =	ssyncset.done $0x0  }
0xf8: {  	s22 =	simm.s32 $0xFA58;
	s24 =	simm.s32 $0x10258;
	[sflag:s12] =	ssyncadd.s32 $0xFFFFFF80  }
0xf9: {  	[spmem:s2] =	stream.indirect.scatter [tilespmem:s22], [sflag:$0x2], $0x1, s24, s14, $0xb8;
	[tilespmem:$0x18568] =	vst v63  }
0xfa: {  	_ =	swait.ge [sflag:s12], $0x80  }
0xfb: {  	[sflag:s12] =	ssyncset.done $0x0  }
0xfc: {  	s18 =	simm.s32 $0xFAD8;
	s20 =	simm.s32 $0x102D8;
	[sflag:s12] =	ssyncadd.s32 $0xFFFFFF80  }
0xfd: {  	[spmem:s2] =	stream.indirect.scatter [tilespmem:s18], [sflag:$0x2], $0x1, s20, s14, $0xb8;
	[tilespmem:$0x18568] =	vst v63  }
0xfe: {  	_ =	swait.ge [sflag:s12], $0x80  }
0xff: {  	[sflag:s12] =	ssyncset.done $0x0  }
0x100: {  	s22 =	simm.s32 $0x10358;
	[sflag:s12] =	ssyncadd.s32 $0xFFFFFF80  }
0x101: {  	[spmem:s2] =	stream.indirect.scatter [tilespmem:s26], [sflag:$0x2], $0x1, s22, s14, $0xb8;
	[tilespmem:$0x18568] =	vst v63  }
0x102: {  	_ =	swait.ge [sflag:s12], $0x80  }
0x103: {  	[sflag:s12] =	ssyncset.done $0x0  }
0x104: {  	s24 =	simm.s32 $0x103D8;
	[sflag:s12] =	ssyncadd.s32 $0xFFFFFF80  }
0x105: {  	[spmem:s2] =	stream.indirect.scatter [tilespmem:s29], [sflag:$0x2], $0x1, s24, s14, $0xb8;
	[tilespmem:$0x18568] =	vst v63  }
0x106: {  	_ =	swait.ge [sflag:s12], $0x80  }
0x107: {  	[sflag:s12] =	ssyncset.done $0x0  }
0x108: {  	[sflag:s12] =	ssyncadd.s32 $0xFFFFFF80  }
0x109: {  	[bflag:$0x0] =	sbarrier.arrive $0xFFFF  }
0x10a: {  	[tilespmem:s30], [sflag:$0x2] =	stream.indirect.gather [spmem:s2], $0x1, s11, s14, $0xb8;
	[tilespmem:$0x18568] =	vst v63  }
0x10b: {  	_ =	swait.ge [sflag:s12], $0x80  }
0x10c: {  	[sflag:s12] =	ssyncset.done $0x0  }
0x10d: {  	[sflag:s12] =	ssyncadd.s32 $0xFFFFFF80  }
0x10e: {  	[tilespmem:s31], [sflag:$0x2] =	stream.indirect.gather [spmem:s2], $0x1, s15, s14, $0xb8;
	[tilespmem:$0x18568] =	vst v63  }
0x10f: {  	_ =	swait.ge [sflag:s12], $0x80  }
0x110: {  	[sflag:s12] =	ssyncset.done $0x0  }
0x111: {  	[sflag:s12] =	ssyncadd.s32 $0xFFFFFF80  }
0x112: {  	[tilespmem:s0], [sflag:$0x2] =	stream.indirect.gather [spmem:s2], $0x1, s17, s14, $0xb8;
	[tilespmem:$0x18568] =	vst v63  }
0x113: {  	_ =	swait.ge [sflag:s12], $0x80  }
0x114: {  	[sflag:s12] =	ssyncset.done $0x0  }
0x115: {  	[sflag:s12] =	ssyncadd.s32 $0xFFFFFF80  }
0x116: {  	[tilespmem:s3], [sflag:$0x2] =	stream.indirect.gather [spmem:s2], $0x1, s19, s14, $0xb8;
	[tilespmem:$0x18568] =	vst v63  }
0x117: {  	_ =	swait.ge [sflag:s12], $0x80  }
0x118: {  	[sflag:s12] =	ssyncset.done $0x0  }
0x119: {  	[sflag:s12] =	ssyncadd.s32 $0xFFFFFF80  }
0x11a: {  	[tilespmem:s5], [sflag:$0x2] =	stream.indirect.gather [spmem:s2], $0x1, s21, s14, $0xb8;
	[tilespmem:$0x18568] =	vst v63  }
0x11b: {  	_ =	swait.ge [sflag:s12], $0x80  }
0x11c: {  	[sflag:s12] =	ssyncset.done $0x0  }
0x11d: {  	[sflag:s12] =	ssyncadd.s32 $0xFFFFFF80  }
0x11e: {  	[tilespmem:s6], [sflag:$0x2] =	stream.indirect.gather [spmem:s2], $0x1, s23, s14, $0xb8;
	[tilespmem:$0x18568] =	vst v63  }
0x11f: {  	_ =	swait.ge [sflag:s12], $0x80  }
0x120: {  	[sflag:s12] =	ssyncset.done $0x0  }
0x121: {  	[sflag:s12] =	ssyncadd.s32 $0xFFFFFF80  }
0x122: {  	[tilespmem:s7], [sflag:$0x2] =	stream.indirect.gather [spmem:s2], $0x1, s25, s14, $0xb8;
	[tilespmem:$0x18568] =	vst v63  }
0x123: {  	_ =	swait.ge [sflag:s12], $0x80  }
0x124: {  	[sflag:s12] =	ssyncset.done $0x0  }
0x125: {  	[sflag:s12] =	ssyncadd.s32 $0xFFFFFF80  }
0x126: {  	[tilespmem:s9], [sflag:$0x2] =	stream.indirect.gather [spmem:s2], $0x1, s28, s14, $0xb8;
	[tilespmem:$0x18568] =	vst v63  }
0x127: {  	_ =	swait.ge [sflag:s12], $0x80  }
0x128: {  	[sflag:s12] =	ssyncset.done $0x0  }
0x129: {  	s18 =	simm.s32 $0x0;
	[sflag:s12] =	ssyncadd.s32 $0xFFFFFF80  }
0x12a: {  	v2 =	vld [tilespmem:s18+$0xF858]  }
0x12b: {  	v3 =	vld [tilespmem:s18+$0xFC58]  }
0x12c: {  	v4 =	vld [tilespmem:s18+$0xF458];
	_ =	sdelay $0x2  }
0x12d: {  	s20 =	simm.s32 $0x10  }
0x12e: {  	v5 =	vld [tilespmem:s20+$0xF858];
	vm0 =	vgt.s32 v2, v3  }
0x12f: {  	v2 =	vld [tilespmem:s20+$0xFC58];
	v3 =	vsel vm0, v4, v0  }
0x130: {  	s22 =	simm.s32 $0x20;
	v4 =	vld [tilespmem:s20+$0xF458];
	[tilespmem:s18+$0x10058] =	vst v3  }
0x131: {  	v3 =	vld [tilespmem:s22+$0xF858]  }
0x132: {  	v6 =	vld [tilespmem:s22+$0xFC58];
	_ =	sdelay $0x2  }
0x133: {  	vm1 =	vgt.s32 v5, v2;
	v2 =	vsel vm0, $0x1, v1  }
0x134: {  	(xrf0) =	vadd.scan.msk.s32 $0xffff, v2  }
0x135: {  	v5 =	vld [tilespmem:s22+$0xF458];
	v2 =	vsel vm1, $0x1, v1;
	vm14 =	vgt.s32 v3, v6  }
0x136: {  	(xrf0) =	vadd.scan.msk.s32 $0xffff, v2;
	v3 =	vsel vm14, $0x1, v1  }
0x137: {  	(xrf0) =	vadd.scan.msk.s32 $0xffff, v3;
	_ =	sdelay $0x2  }
0x138: {  	v3 =	vsel vm14, v5, v0;
	v5, _, _ =	vpop (xrf0)  }
0x139: {  	(v2sf) =	vpush v5, $0xF  }
0x13a: {  	v4 =	vsel vm1, v4, v0;
	v5, _, _ =	vpop (xrf0)  }
0x13b: {  	s24 =	simm.s32 $0x30;
	[tilespmem:s20+$0x10058] =	vst v4;
	(v2sf) =	vpush v5, $0xF;
	v7, _, _ =	vpop (xrf0)  }
0x13c: {  	v2 =	vld [tilespmem:s24+$0xF858];
	(v2sf) =	vpush v7, $0xF  }
0x13d: {  	v4 =	vld [tilespmem:s24+$0xFC58]  }
0x13e: {  	v6 =	vld [tilespmem:s24+$0xF458];
	_ =	sdelay $0x2  }
0x13f: {  	s20 =	simm.s32 $0x40;
	[tilespmem:s22+$0x10058] =	vst v3  }
0x140: {  	v3 =	vld [tilespmem:s20+$0xF858];
	vm15 =	vgt.s32 v2, v4  }
0x141: {  	v4 =	vld [tilespmem:s20+$0xFC58];
	v5 =	vsel vm15, v6, v0;
	v6 =	vsel vm15, $0x1, v1  }
0x142: {  	v2 =	vld [tilespmem:s20+$0xF458];
	(xrf0) =	vadd.scan.msk.s32 $0xffff, v6  }
0x143: {  	s4 =	simm.s32 $0x140;
	s18 =	simm.s32 $0x0;
	[tilespmem:s24+$0x10058] =	vst v5  }
.LBB2_5:
0x144: {  	p1 =	sne.s32 s4, $0xFC0  }
.Ltmp4:
0x145: {  	s22 =	sshra.s32 s4, $0x2;
	(pc) =	sbr.rel @p1 .LBB2_5-.Ltmp4, $4  }
0x146: {  	s4 =	sadd.s32 $0x40, s4;
	s24 =	spop (v2sf);
	vm0 =	vgt.s32 v3, v4;
	v3 =	vld [tilespmem:s22+$0xF858]  }
0x147: {  	s18 =	sadd.s32 s18, s24;
	v4 =	vld [tilespmem:s22+$0xFC58];
	v7 =	vsel vm0, v2, v0;
	v6 =	vsel vm0, $0x1, v1  }
0x148: {  	v2 =	vld [tilespmem:s22+$0xF458];
	[tilespmem:s20+$0x10058] =	vst v7;
	(xrf0) =	vadd.scan.msk.s32 $0xffff, v6;
	v5, _, _ =	vpop (xrf0);
	s20 =	smov.u32 s22  }
0x149: {  	(v2sf) =	vpush v5, $0xF  }
0x14a: {  	_ =	sdelay $0x1  }
0x14b: {  	vm0 =	vgt.s32 v3, v4  }
0x14c: {  	v3 =	vsel vm0, $0x1, v1  }
0x14d: {  	(xrf0) =	vadd.scan.msk.s32 $0xffff, v3;
	_ =	sdelay $0x4  }
0x14e: {  	v3, _, _ =	vpop (xrf0)  }
0x14f: {  	(v2sf) =	vpush v3, $0xF;
	v3, _, _ =	vpop (xrf0)  }
0x150: {  	(v2sf) =	vpush v3, $0xF;
	_ =	sdelay $0xa  }
0x151: {  	s4 =	spop (v2sf)  }
0x152: {  	s4 =	sadd.s32 s18, s4;
	s22 =	spop (v2sf)  }
0x153: {  	s4 =	sadd.s32 s4, s22;
	s24 =	spop (v2sf)  }
0x154: {  	s4 =	sadd.s32 s4, s24;
	s22 =	spop (v2sf)  }
0x155: {  	s4 =	sadd.s32 s4, s22;
	s24 =	spop (v2sf)  }
0x156: {  	v2 =	vsel vm0, v2, v0;
	s4 =	sadd.s32 s4, s24  }
0x157: {  	[tilespmem:s20+$0x10058] =	vst v2;
	v2 =	vmov s4  }
0x158: {  	[tilespmem:$0x18458] =	vst v2  }
0x159: {  	[spmem:s8] =	stream.linear.scatter [tilespmem:s10], [sflag:$0x2], $0x10, $0x38;
	[tilespmem:$0x18568] =	vst v63  }
0x15a: {  	_ =	swait.ge [sflag:s12], $0x10  }
0x15b: {  	[sflag:s12] =	ssyncset.done $0x0  }
0x15c: {  	[sflag:s12] =	ssyncadd.s32 $0xFFFFFFF0  }
0x15d: {  	[bflag:$0x0] =	sbarrier.arrive $0xFFFF  }
0x15e: {  	s22 =	rddreg [dreg:$0x4]  }
0x15f: {  	[tilespmem:s1], [sflag:$0x2] =	stream.linear.gather [spmem:s22], $0x100, $0x38;
	[tilespmem:$0x18568] =	vst v63  }
0x160: {  	_ =	swait.ge [sflag:s12], $0x100  }
0x161: {  	[sflag:s12] =	ssyncset.done $0x0  }
0x162: {  	[sflag:s12] =	ssyncadd.s32 $0xFFFFFF00  }
0x163: {  	v2 =	vld [tilespmem:$0x18468]  }
0x164: {  	v3 =	vld [tilespmem:$0x18478]  }
0x165: {  	v55 =	vld [tilespmem:$0x18488]  }
0x166: {  	v5 =	vld [tilespmem:$0x18498]  }
0x167: {  	v6 =	vld [tilespmem:$0x184A8]  }
0x168: {  	v7 =	vld [tilespmem:$0x184B8]  }
0x169: {  	v2 =	vadd.s32 v2, v3;
	v3 =	vld [tilespmem:$0x184C8]  }
0x16a: {  	v56 =	vld [tilespmem:$0x184D8];
	v2 =	vadd.s32 v2, v55  }
0x16b: {  	v57 =	vld [tilespmem:$0x184E8];
	v2 =	vadd.s32 v2, v5  }
0x16c: {  	v58 =	vld [tilespmem:$0x184F8];
	v2 =	vadd.s32 v2, v6  }
0x16d: {  	v59 =	vld [tilespmem:$0x18508];
	v2 =	vadd.s32 v2, v7  }
0x16e: {  	v2 =	vadd.s32 v2, v3;
	v3 =	vld [tilespmem:$0x18518]  }
0x16f: {  	v60 =	vld [tilespmem:$0x18528];
	v2 =	vadd.s32 v2, v56  }
0x170: {  	v61 =	vld [tilespmem:$0x18538];
	v2 =	vadd.s32 v2, v57  }
0x171: {  	v62 =	vld [tilespmem:$0x18548];
	v2 =	vadd.s32 v2, v58  }
0x172: {  	v63 =	vld [tilespmem:$0x18558];
	v2 =	vadd.s32 v2, v59  }
0x173: {  	v2 =	vadd.s32 v2, v3  }
0x174: {  	v2 =	vadd.s32 v2, v60  }
0x175: {  	v2 =	vadd.s32 v2, v61  }
0x176: {  	v2 =	vadd.s32 v2, v62  }
0x177: {  	v2 =	vadd.s32 v2, v63  }
0x178: {  	(xrf0) =	vadd.scan.msk.s32 $0xffff, v2;
	_ =	sdelay $0x5  }
0x179: {  	v2, _, _ =	vpop (xrf0)  }
0x17a: {  	(v2sf) =	vpush v2, $0xF;
	_ =	sdelay $0xe  }
0x17b: {  	s24 =	spop (v2sf)  }
0x17c: {  	p1 =	sgt.s32 s24, $0x0  }
.Ltmp5:
0x17d: {  	_ = 	snop;
	(pc) =	sbr.rel @p1 .LBB2_4-.Ltmp5, $4  }
.Ltmp6:
0x17e: {  	_ = 	snop;
	(pc) =	sbr.rel @!p1 .LBB2_7-.Ltmp6, $4  }
0x17f: {  	_ = 	snop  }
0x180: {  	_ = 	snop  }
0x181: {  	_ = 	snop  }
0x182: {  	_ = 	snop  }
.LBB2_8:
0x183: {  	_ =	sfence.sel $0x180000  }
0x184: {  	[bflag:$0x0] =	sbarrier.arrive $0xFFFF  }
0x185: {  	_ =	strace $0x90000047  }
0x186: {  	s0 =	stileid.u32;
	[bflag:$0x2] =	sbarrier.arrive $0xFFFF  }
0x187: {  	p0 =	sne.s32 s0, $0x0;
	s0 =	rddreg [dreg:$0x5]  }
0x188: {  	s0 =	sadd.s32 @!p0 $0x100000, s0  }
0x189: {  	[sflag:s0] =	ssyncadd.tile.s32 @!p0 $0x1;
	_ =	shalt  }
.Lfunc_end2:
_tile_overlayer_lowered:
.L_overlay_start_2:
0x18a: {  	(tag) =	ssettag $0x2  }
0x18b: {  	s0 =	rddreg [dreg:$0x0];
	s2 =	stileid.u32  }
0x18c: {  	s1 =	rddreg [dreg:$0x1];
	p0 =	sne.s32 s2, $0x0  }
0x18d: {  	s3 =	rddreg [dreg:$0x2];
	[bflag:$0x3] =	sbarrier.arrive $0xFFFF;
	s2 =	simm.s32 @!p0 $0x1C02  }
0x18e: {  	[timem:s3], [sflag:s2] =	dma.local @!p0 [hbm:s0], s1  }
0x18f: {  	s0 =	simm.s32 @!p0 $0x2  }
0x190: {  	_ =	swait.ge @!p0 [sflag:s0], s1  }
0x191: {  	s1 =	ssub.s32 @!p0 $0x0, s1;
	[sflag:s0] =	ssyncset.done @!p0 $0x0  }
0x192: {  	[sflag:s0] =	ssyncadd.s32 @!p0 s1  }
0x193: {  	[bflag:$0x3] =	sbarrier.arrive $0xFFFF  }
0x194: {  	_ =	shalt  }

// kernel: kernel.9.cloned.1.call-start
scs
__scs_entry_jumppad:
0x0: {  	(pc) =	sbr.rel $0x88, $3  }
0x1: {  	(tag) =	ssettag $0x0;
	lr =	simm.s32 $0x1  }
0x2: {  	[smem:$0x3F9E] =	sst lr;
	_ =	strace $0xD0000000  }
0x3: {  	_ = 	snop  }
0x4: {  	_ = 	snop  }
0x5: {  	_ = 	snop  }
0x6: {  	_ = 	snop  }
0x7: {  	_ = 	snop  }
__scs_overlays_trampoline_lowered:
0x8: {  	[smem:$0x3FAD] =	sst s0  }
0x9: {  	[smem:$0x3FAE] =	sst s1  }
0xa: {  	[smem:$0x3FAF] =	sst s2  }
0xb: {  	[smem:$0x3FB0] =	sst s3  }
0xc: {  	[smem:$0x3FB1] =	sst s4  }
0xd: {  	[smem:$0x3FB2] =	sst s5  }
0xe: {  	[smem:$0x3FB3] =	sst s6  }
0xf: {  	[smem:$0x3FB4] =	sst s7  }
0x10: {  	[smem:$0x3FB5] =	sst s8  }
0x11: {  	[smem:$0x3FB6] =	sst s9;
	s0 =	simm.s32 @!p0 $0x0  }
0x12: {  	s1 =	sld [smem:$0x3F9C];
	s0 =	simm.s32 @p0 $0x1  }
0x13: {  	[smem:$0x3FB7] =	sst s0;
	s0 =	simm.s32 @!p1 $0x0  }
0x14: {  	s2 =	sld [smem:$0x3F9B];
	s0 =	simm.s32 @p1 $0x1  }
0x15: {  	[smem:$0x3FB8] =	sst s0;
	s0 =	simm.s32 @!p2 $0x0  }
0x16: {  	s3 =	sld [smem:$0x3FDB];
	s0 =	simm.s32 @p2 $0x1  }
0x17: {  	s4 =	simm.s32 $0x1BF5;
	[smem:$0x3FBA] =	sst s0  }
0x18: {  	s0 =	sld [smem:$0x3F9D];
	_ =	swait.ge [sflag:s4], $0x0  }
0x19: {  	s7 =	sld [smem:$0x3F9E]  }
0x1a: {  	s8 =	sadd.s32 $0xFFFFE003, lr  }
0x1b: {  	s9 =	sadd.s32 $0xFFFFFEF7, lr;
	s5 =	simm.s32 $0xFFFFFFFF;
	p2 =	slt.u32 s8, $0xFFFFF086  }
0x1c: {  	p1 =	slt.u32 s9, $0xF7A;
	s5 =	simm.s32 @!p2 $0x0  }
0x1d: {  	s5 =	simm.s32 @p1 $0x1;
	p0 =	seq.s32 s7, s2  }
0x1e: {  	s7 =	smul.u32 @!p0 $0xF7A, s2;
	p2 =	seq.s32 @!p0 s5, $0x0  }
0x1f: {  	s9 =	smul.u32 $0xF7A, s1;
	s8 =	simm.s32 @!p0 $0x1BF5;
	p2 =	por !p2, p0  }
0x20: {  	[sflag:s8] =	ssyncset.s32 @!p0 $0xFFFFF086;
	s6 =	sadd.s32 @!p0 s3, s7;
	s7 =	simm.s32 @!p0 $0x108  }
0x21: {  	s3 =	sadd.s32 s3, s9;
	s6 =	sadd.s32 @!p0 $0x88, s6;
	s7 =	simm.s32 @p2 $0x1082  }
0x22: {  	[simem:s7], [sflag:s8] =	dma.local @!p0 [hbm:s6], $0xF7A  }
0x23: {  	s9 =	sor.u32 $0xD0000000, s2;
	s6 =	simm.s32 $0x108;
	_ =	swait.ge @!p0 [sflag:s8], $0x0  }
0x24: {  	s3 =	sadd.s32 $0x88, s3;
	s6 =	simm.s32 @!p1 $0x1082;
	[sflag:s4] =	ssyncset.s32 $0xFFFFF086  }
0x25: {  	[simem:s6], [sflag:s4] =	dma.local [hbm:s3], $0xF7A  }
0x26: {  	[smem:$0x3F9E] =	sst s1;
	(tag) =	ssettag s2;
	_ =	strace s9  }
0x27: {  	s1 =	sld [smem:$0x3FAE]  }
0x28: {  	s2 =	sld [smem:$0x3FAF]  }
0x29: {  	s4 =	sld [smem:$0x3FB1]  }
0x2a: {  	p0 =	seq.s32 s5, $0x0;
	s5 =	sld [smem:$0x3FB2]  }
0x2b: {  	s6 =	sld [smem:$0x3FB3]  }
0x2c: {  	s7 =	sld [smem:$0x3FB4]  }
0x2d: {  	s3 =	simm.s32 $0x108;
	s8 =	sld [smem:$0x3FB5]  }
0x2e: {  	s3 =	simm.s32 @!p0 $0x1082;
	s9 =	sld [smem:$0x3FB6]  }
0x2f: {  	lr =	sadd.s32 s0, s3;
	s0 =	sld [smem:$0x3FAD]  }
0x30: {  	s3 =	sld [smem:$0x3FB0]  }
0x31: {  	[smem:$0x3FB9] =	sst s10  }
0x32: {  	s10 =	sld [smem:$0x3FB7];
	_ =	sdelay $0x3  }
0x33: {  	p0 =	seq.s32 s10, $0x1;
	s10 =	sld [smem:$0x3FB9];
	_ =	sdelay $0x3  }
0x34: {  	[smem:$0x3FB9] =	sst s10  }
0x35: {  	s10 =	sld [smem:$0x3FB8];
	_ =	sdelay $0x3  }
0x36: {  	p1 =	seq.s32 s10, $0x1;
	s10 =	sld [smem:$0x3FB9];
	_ =	sdelay $0x3  }
0x37: {  	[smem:$0x3FB9] =	sst s10  }
0x38: {  	s10 =	sld [smem:$0x3FBA]  }
0x39: {  	_ = 	snop;
	(pc) =	sbr.ind lr, $3  }
0x3a: {  	_ = 	snop  }
0x3b: {  	_ = 	snop  }
0x3c: {  	p2 =	seq.s32 s10, $0x1;
	s10 =	sld [smem:$0x3FB9]  }
0x3d: {  	_ =	shalt  }
0x3e: {  	_ =	shalt  }
0x3f: {  	_ =	shalt  }
0x40: {  	_ =	shalt  }
0x41: {  	_ =	shalt  }
0x42: {  	_ =	shalt  }
0x43: {  	_ =	shalt  }
0x44: {  	_ =	shalt  }
0x45: {  	_ =	shalt  }
0x46: {  	_ =	shalt  }
0x47: {  	_ =	shalt  }
0x48: {  	_ =	shalt  }
0x49: {  	_ =	shalt  }
0x4a: {  	_ =	shalt  }
0x4b: {  	_ =	shalt  }
0x4c: {  	_ =	shalt  }
0x4d: {  	_ =	shalt  }
0x4e: {  	_ =	shalt  }
0x4f: {  	_ =	shalt  }
0x50: {  	_ =	shalt  }
0x51: {  	_ =	shalt  }
0x52: {  	_ =	shalt  }
0x53: {  	_ =	shalt  }
0x54: {  	_ =	shalt  }
0x55: {  	_ =	shalt  }
0x56: {  	_ =	shalt  }
0x57: {  	_ =	shalt  }
0x58: {  	_ =	shalt  }
0x59: {  	_ =	shalt  }
0x5a: {  	_ =	shalt  }
0x5b: {  	_ =	shalt  }
0x5c: {  	_ =	shalt  }
0x5d: {  	_ =	shalt  }
0x5e: {  	_ =	shalt  }
0x5f: {  	_ =	shalt  }
0x60: {  	_ =	shalt  }
0x61: {  	_ =	shalt  }
0x62: {  	_ =	shalt  }
0x63: {  	_ =	shalt  }
0x64: {  	_ =	shalt  }
0x65: {  	_ =	shalt  }
0x66: {  	_ =	shalt  }
0x67: {  	_ =	shalt  }
0x68: {  	_ =	shalt  }
0x69: {  	_ =	shalt  }
0x6a: {  	_ =	shalt  }
0x6b: {  	_ =	shalt  }
0x6c: {  	_ =	shalt  }
0x6d: {  	_ =	shalt  }
0x6e: {  	_ =	shalt  }
0x6f: {  	_ =	shalt  }
0x70: {  	_ =	shalt  }
0x71: {  	_ =	shalt  }
0x72: {  	_ =	shalt  }
0x73: {  	_ =	shalt  }
0x74: {  	_ =	shalt  }
0x75: {  	_ =	shalt  }
0x76: {  	_ =	shalt  }
0x77: {  	_ =	shalt  }
0x78: {  	_ =	shalt  }
0x79: {  	_ =	shalt  }
0x7a: {  	_ =	shalt  }
0x7b: {  	_ =	shalt  }
0x7c: {  	_ =	shalt  }
0x7d: {  	_ =	shalt  }
0x7e: {  	_ =	shalt  }
0x7f: {  	_ =	shalt  }
0x80: {  	_ =	shalt  }
0x81: {  	_ =	shalt  }
0x82: {  	_ =	shalt  }
0x83: {  	_ =	shalt  }
0x84: {  	_ =	shalt  }
0x85: {  	_ =	shalt  }
0x86: {  	_ =	shalt  }
0x87: {  	_ =	shalt  }
.Lfunc_end0:
.L_simem_size_0:
called_computation.1_lowered:
.L_overlay_start_0:
0x88: {  	s2 =	sld [smem:$0x3FD9]  }
0x89: {  	s3 =	sld [smem:$0x3FFE];
	_ =	sdelay $0x1  }
0x8a: {  	s1 =	srdreg.scid  }
0x8b: {  	s0 =	sand.u32 $0x1, s1  }
0x8c: {  	s17 =	sshll.u32 s0, $0xA;
	s2 =	sadd.s32 s3, s2  }
0x8d: {  	s2 =	sadd.s32 s2, s17  }
0x8e: {  	[smem:$0x3FC5] =	sst s2  }
0x8f: {  	_ = 	snop  }
0x90: {  	s2 =	sld [smem:$0x3FC7];
	(tm) =	ssettm $0x1  }
0x91: {  	s18 =	sld [smem:$0x3FFB];
	_ =	sdelay $0x3  }
0x92: {  	_ =	strace s18  }
0x93: {  	s3 =	sld [smem:$0x3FFC];
	_ =	sdelay $0x3  }
0x94: {  	_ =	strace s3  }
0x95: {  	s3 =	sld [smem:$0x3FFD];
	_ =	sdelay $0x3  }
0x96: {  	_ =	strace s3  }
0x97: {  	_ =	strace $0x8FFFFFFF  }
0x98: {  	s19 =	sld [smem:$0x3FDB];
	_ =	sdelay $0x1  }
0x99: {  	s4 =	simm.s32 $_scs_section_size  }
0x9a: {  	s5 =	simm.s32 $_size__tile_overlayer_lowered;
	s6 =	simm.s32 $_tile_overlayer_lowered  }
0x9b: {  	s22 =	simm.s32 $0x1BFF;
	s21 =	sshll.u32 s6, $0x1;
	s3 =	sadd.s32 s4, s19  }
0x9c: {  	s7 =	simm.s32 $0x0;
	s20 =	sshll.u32 s5, $0x1;
	s5 =	sadd.s32 s21, s3  }
0x9d: {  	[timem:s7], [sflag:s22] =	dma.local [hbm:s5], s20  }
0x9e: {  	_ =	swait.ge [sflag:s22], s20  }
0x9f: {  	s4 =	ssub.s32 $0x0, s20;
	[sflag:s22] =	ssyncset.done $0x0  }
0xa0: {  	[sflag:s22] =	ssyncadd.s32 s4;
	_ =	sdelay $0x1  }
0xa1: {  	s23 =	simm.s32 $0x1B8B  }
0xa2: {  	_ =	swait.ge [sflag:s23], $0x1  }
0xa3: {  	[sflag:s23] =	ssyncset.done $0x0  }
0xa4: {  	s25 =	simm.s32 $0x1B8E;
	s24 =	sld [smem:$0x3FFE];
	[sflag:s23] =	ssyncadd.s32 $0xFFFFFFFF  }
0xa5: {  	s26 =	simm.s32 $execute0_lowered;
	[smem:$0x3FD2] =	sst s25  }
0xa6: {  	s5 =	sshll.u32 s26, $0x1;
	_ =	strace $0x80000049;
	[dreg:$0x1] =	wrdreg $0xFFFFFFFF  }
0xa7: {  	s28 =	simm.s32 $_size_execute0_lowered;
	s3 =	sadd.s32 s3, s5;
	[dreg:$0x0] =	wrdreg $0x0  }
0xa8: {  	s5 =	sshll.u32 s28, $0x1;
	[dreg:$0x2] =	wrdreg s3  }
0xa9: {  	[dreg:$0x3] =	wrdreg s5  }
0xaa: {  	[dreg:$0x4] =	wrdreg $0xC0  }
0xab: {  	_ =	task [dreg:s7], $0x5FFFF  }
0xac: {  	[dreg:$0x1] =	wrdreg $0xFFFFFFFF  }
0xad: {  	[dreg:$0x0] =	wrdreg $0x60  }
0xae: {  	[dreg:$0x2] =	wrdreg s24  }
0xaf: {  	[dreg:$0x3] =	wrdreg s2  }
0xb0: {  	[dreg:$0x4] =	wrdreg $0x9  }
0xb1: {  	_ =	task.clear_ibuf [dreg:s7], $0x5FFFF;
	_ =	strace $0x90000049  }
0xb2: {  	s29 =	simm.s32 $0x9;
	_ =	strace $0x8000004B  }
0xb3: {  	_ =	swait.ge [sflag:s29], $0x1  }
0xb4: {  	[sflag:s29] =	ssyncadd.s32 $0xFFFFFFFF  }
0xb5: {  	_ =	strace $0x9000004B  }
0xb6: {  	_ =	sfence  }
0xb7: {  	s30 =	sld [smem:$0x0];
	_ =	sdelay $0x2  }
0xb8: {  	s31 =	sshll.u32 s1, $0xD;
	s1 =	sshrl.u32 s1, $0x2  }
0xb9: {  	s3 =	sand.u32 $0x4000, s31;
	s1 =	sadd.s32 s1, s30  }
0xba: {  	s0 =	sor.u32 s3, s0;
	s1 =	sshll.u32 s1, $0x11  }
0xbb: {  	s0 =	sor.u32 s1, s0  }
0xbc: {  	s0 =	sadd.s32 $0x8F2B, s0  }
0xbd: {  	[sflag:s0] =	ssyncadd.remote.s32 $0x1  }
0xbe: {  	_ =	sfence.sel $0xFFFF  }
0xbf: {  	[dreg:$0x0] =	wrdreg $0xFFFFFFFF;
	(pc) =	sbr.abs _section_cstart, $3  }
0xc0: {  	[dreg:$0x1] =	wrdreg $0xFFFFFFFF  }
0xc1: {  	_ =	task.clear_ibuf [dreg:s7], $0x2FFFF;
	_ =	strace $0x9FFFFFFF  }
0xc2: {  	(tm) =	ssettm $0x7FFFFFFF  }
0xc3: {  	_ =	shalt  }
tec
execute0_lowered:
.L_overlay_start_1:
0x0: {  	(tag) =	ssettag $0x1  }
0x1: {  	s3 =	rddreg [dreg:$0x0]  }
0x2: {  	s1 =	srdreg.scid;
	s0 =	stileid.u32  }
0x3: {  	s4 =	rddreg [dreg:$0x1];
	s2 =	simm.s32 $0x0;
	s9 =	simm.s32 $0x80  }
0x4: {  	s10 =	simm.s32 $0x200;
	s11 =	simm.s32 $0x280;
	s12 =	simm.s32 $0x1400  }
0x5: {  	s13 =	simm.s32 $0x300;
	s14 =	simm.s32 $0x2400;
	s15 =	simm.s32 $0x380  }
0x6: {  	s16 =	simm.s32 $0x3400;
	s17 =	simm.s32 $0x1;
	s18 =	simm.s32 $0x0  }
0x7: {  	s5 =	sand.u32 $0x1, s1;
	s6 =	sshll.u32 s0, $0x1;
	s1 =	rddreg [dreg:$0x2]  }
0x8: {  	[smem:$0x7FF] =	sst s2;
	s6 =	sor.u32 s5, s6;
	s5 =	ssub.s32 $0x2, s5  }
0x9: {  	_ =	strace $0x8000004A;
	s7 =	sshll.u32 s6, $0xB;
	s8 =	sshrl.u32 s5, $0x1  }
0xa: {  	s31 =	sshll.u32 s6, $0x6;
	s7 =	sadd.s32 s7, s3;
	s3 =	sadd.s32 $0x11000, s3  }
0xb: {  	s8 =	ssub.s32 s5, s8;
	s4 =	sadd.s32 s4, s31;
	s5 =	sadd.s32 $0x1000, s7  }
0xc: {  	v0 =	vimm.s32 $0x0;
	s6 =	smax.u32 s8, $0x1;
	s7 =	simm.s32 $0x2;
	s8 =	simm.s32 $0x400  }
.LBB2_1:
0xd: {  	[tilespmem:s2], [sflag:$0x2] =	stream.linear.gather [hbm4b:s4+s2], $0x200, $0x38;
	[tilespmem:$0x4400] =	vst v63  }
0xe: {  	_ =	swait.ge [sflag:s7], $0x200  }
0xf: {  	[sflag:s7] =	ssyncset.done $0x0  }
0x10: {  	[sflag:s7] =	ssyncadd.s32 $0xFFFFFE00  }
0x11: {  	[tilespmem:s8], [sflag:$0x2] =	stream.linear.gather [hbm4b:s5+s2], $0x4000, $0x38;
	[tilespmem:$0x4400] =	vst v63  }
0x12: {  	_ =	swait.ge [sflag:s7], $0x4000  }
0x13: {  	[sflag:s7] =	ssyncset.done $0x0  }
0x14: {  	s20 =	simm.s32 $0x0;
	[sflag:s7] =	ssyncadd.s32 $0xFFFFC000  }
0x15: {  	v2 =	vld [tilespmem:s20+$0x0];
	_ =	sdelay $0x4  }
0x16: {  	s19 =	simm.s32 $0x10;
	v3 =	vshra.s32 v2, $0x1F  }
0x17: {  	v1 =	vld [tilespmem:s19+$0x0];
	v3 =	vshrl.u32 v3, $0x10  }
0x18: {  	v3 =	vadd.s32 v3, v2  }
0x19: {  	v3 =	vshra.s32 v3, $0x10  }
0x1a: {  	v4 =	vshll.u32 v3, $0x10  }
0x1b: {  	vm1 =	vlt.s32 v2, $0x1;
	vm0 =	vne.s32 v2, v4  }
0x1c: {  	v4 =	vshra.s32 v1, $0x1F;
	vm0 =	vmand vm1, vm0  }
0x1d: {  	v6 =	vshrl.u32 v2, $0xE;
	v4 =	vshrl.u32 v4, $0x10;
	v5 =	vsel vm0, $0xFFFFFFFF, v0  }
0x1e: {  	v2 =	vshll.u32 v2, $0x2;
	v4 =	vadd.s32 v4, v1;
	v5 =	vadd.s32 v5, v3  }
0x1f: {  	s21 =	simm.s32 $0x20;
	v2 =	vand.u32 $0xFFFC, v2;
	v3 =	vshra.s32 v4, $0x10;
	v4 =	vshll.u32 v5, $0x10  }
0x20: {  	v4 =	vor.u32 v2, v4;
	v2 =	vld [tilespmem:s21+$0x0];
	_ =	sdelay $0x2  }
0x21: {  	v6 =	vand.u32 $0x3, v6;
	v5 =	vshll.u32 v3, $0x10  }
0x22: {  	s22 =	simm.s32 $0xC0;
	vm1 =	vlt.s32 v1, $0x1;
	vm0 =	vne.s32 v1, v5;
	v4 =	vor.u32 v6, v4  }
.LBB2_2:
0x23: {  	s23 =	sshra.s32 s22, $0x2;
	p0 =	sne.s32 s22, $0x7C0;
	s22 =	sadd.s32 $0x40, s22;
	v5 =	vshra.s32 v2, $0x1F;
	vm0 =	vmand vm1, vm0;
	[tilespmem:s20+$0x200] =	vst v4;
	v4 =	vmov v2  }
.Ltmp0:
0x24: {  	v7 =	vshrl.u32 v1, $0xE;
	s20 =	smov.u32 s19;
	s19 =	smov.u32 s21;
	v2 =	vld [tilespmem:s23+$0x0];
	v5 =	vshrl.u32 v5, $0x10;
	v6 =	vsel vm0, $0xFFFFFFFF, v0;
	(pc) =	sbr.rel @p0 .LBB2_2-.Ltmp0, $4  }
0x25: {  	v8 =	vshll.u32 v1, $0x2;
	v1 =	vmovc v4;
	s21 =	smov.u32 s23;
	v5 =	vadd.s32 v5, v4;
	v6 =	vadd.s32 v6, v3  }
0x26: {  	v3 =	vshra.s32 v5, $0x10;
	v4 =	vshll.u32 v6, $0x10;
	v5 =	vand.u32 $0xFFFC, v8  }
0x27: {  	v6 =	vshll.u32 v3, $0x10;
	v4 =	vor.u32 v5, v4;
	v5 =	vand.u32 $0x3, v7  }
0x28: {  	vm1 =	vlt.s32 v1, $0x1;
	vm0 =	vne.s32 v1, v6;
	v4 =	vor.u32 v5, v4  }
0x29: {  	v5 =	vshra.s32 v2, $0x1F  }
0x2a: {  	v5 =	vshrl.u32 v5, $0x10  }
0x2b: {  	v5 =	vadd.s32 v5, v2  }
0x2c: {  	vm0 =	vmand vm1, vm0;
	v5 =	vshra.s32 v5, $0x10  }
0x2d: {  	v61 =	vshll.u32 v1, $0x2;
	vm15 =	vlt.s32 v2, $0x1;
	v60 =	vshll.u32 v5, $0x10  }
0x2e: {  	v1 =	vshrl.u32 v1, $0xE;
	v6 =	vsel vm0, $0xFFFFFFFF, v0;
	vm14 =	vne.s32 v2, v60  }
0x2f: {  	v63 =	vshll.u32 v2, $0x2;
	v3 =	vadd.s32 v6, v3;
	vm0 =	vmand vm15, vm14  }
0x30: {  	v6 =	vand.u32 $0xFFFC, v61;
	v3 =	vshll.u32 v3, $0x10;
	v62 =	vsel vm0, $0xFFFFFFFF, v0  }
0x31: {  	v1 =	vand.u32 $0x3, v1;
	v3 =	vor.u32 v6, v3;
	v5 =	vadd.s32 v62, v5  }
0x32: {  	v6 =	vand.u32 $0xFFFC, v63;
	v2 =	vshrl.u32 v2, $0xE;
	v5 =	vshll.u32 v5, $0x10  }
0x33: {  	[tilespmem:s20+$0x200] =	vst v4;
	v1 =	vor.u32 v1, v3;
	v2 =	vand.u32 $0x3, v2;
	v3 =	vor.u32 v6, v5  }
0x34: {  	[tilespmem:s19+$0x200] =	vst v1;
	v1 =	vor.u32 v2, v3  }
0x35: {  	[tilespmem:s21+$0x200] =	vst v1  }
0x36: {  	[hbm4b:s3+s9] =	stream.indirect.scatter [tilespmem:s8], [sflag:$0x1], $0x20, s10, s9, $0xb8;
	[tilespmem:$0x4400] =	vst v63  }
0x37: {  	_ = 	snop  }
0x38: {  	[hbm4b:s3+s9] =	stream.indirect.scatter [tilespmem:s12], [sflag:$0x1], $0x20, s11, s9, $0xb8;
	[tilespmem:$0x4400] =	vst v63  }
0x39: {  	_ = 	snop  }
0x3a: {  	[hbm4b:s3+s9] =	stream.indirect.scatter [tilespmem:s14], [sflag:$0x1], $0x20, s13, s9, $0xb8;
	[tilespmem:$0x4400] =	vst v63  }
0x3b: {  	_ = 	snop  }
0x3c: {  	[hbm4b:s3+s9] =	stream.indirect.scatter [tilespmem:s16], [sflag:$0x1], $0x20, s15, s9, $0xb8;
	[tilespmem:$0x4400] =	vst v63  }
0x3d: {  	_ =	swait.ge [sflag:s17], $0x1000  }
0x3e: {  	[sflag:s17] =	ssyncset.done $0x0  }
0x3f: {  	[sflag:s17] =	ssyncadd.s32 $0xFFFFF000  }
0x40: {  	_ =	swait.ge [sflag:s17], $0x1000  }
0x41: {  	[sflag:s17] =	ssyncset.done $0x0  }
0x42: {  	s18 =	sadd.s32 $0x1, s18;
	[sflag:s17] =	ssyncadd.s32 $0xFFFFF000  }
0x43: {  	p0 =	sne.s32 s18, s6;
	_ =	swait.ge [sflag:s17], $0x1000  }
.Ltmp1:
0x44: {  	[sflag:s17] =	ssyncset.done $0x0;
	(pc) =	sbr.rel @p0 .LBB2_1-.Ltmp1, $4  }
0x45: {  	[sflag:s17] =	ssyncadd.s32 $0xFFFFF000  }
0x46: {  	_ =	swait.ge [sflag:s17], $0x1000  }
0x47: {  	[sflag:s17] =	ssyncset.done $0x0  }
0x48: {  	[sflag:s17] =	ssyncadd.s32 $0xFFFFF000  }
0x49: {  	_ =	sfence.sel $0x180000  }
0x4a: {  	[bflag:$0x0] =	sbarrier.arrive $0xFFFF  }
0x4b: {  	p0 =	sne.s32 s0, $0x0;
	_ =	strace $0x9000004A  }
0x4c: {  	s0 =	sadd.s32 @!p0 $0x100000, s1;
	[bflag:$0x2] =	sbarrier.arrive $0xFFFF  }
0x4d: {  	[sflag:s0] =	ssyncadd.tile.s32 @!p0 $0x1;
	_ =	shalt  }
.Lfunc_end2:
_tile_overlayer_lowered:
.L_overlay_start_2:
0x4e: {  	(tag) =	ssettag $0x2  }
0x4f: {  	s0 =	rddreg [dreg:$0x0];
	s2 =	stileid.u32  }
0x50: {  	s1 =	rddreg [dreg:$0x1];
	p0 =	sne.s32 s2, $0x0  }
0x51: {  	s3 =	rddreg [dreg:$0x2];
	[bflag:$0x3] =	sbarrier.arrive $0xFFFF;
	s2 =	simm.s32 @!p0 $0x1C02  }
0x52: {  	[timem:s3], [sflag:s2] =	dma.local @!p0 [hbm:s0], s1  }
0x53: {  	s0 =	simm.s32 @!p0 $0x2  }
0x54: {  	_ =	swait.ge @!p0 [sflag:s0], s1  }
0x55: {  	s1 =	ssub.s32 @!p0 $0x0, s1;
	[sflag:s0] =	ssyncset.done @!p0 $0x0  }
0x56: {  	[sflag:s0] =	ssyncadd.s32 @!p0 s1  }
0x57: {  	[bflag:$0x3] =	sbarrier.arrive $0xFFFF  }
0x58: {  	_ =	shalt  }

</sc_bundles>
